<compile_context>
chip_gen: v7x
topology: tpu7x:2x2x1
jax: 0.10.2.dev20260603
libtpu: 0.0.44.dev20260713+nightly
codegen_flags: <defaults>
</compile_context>

<pallas_src>
import functools

import jax
import jax.numpy as jnp
import numpy as np
from jax import lax
from jax.experimental import pallas as pl
from jax.experimental.pallas import tpu as pltpu
from jax.experimental.pallas import tpu_sc as plsc

_VOCAB = 1000
_DIM = 128
_N_NOISE = 25
_BATCH = 16384
_NNEXT = _N_NOISE + 1
_VPAD = 1024

_NC, _NSUB = 2, 16
_NW = _NC * _NSUB
_NHALF = 2
_HB = _BATCH // _NHALF
_RPW = _HB // _NW
_NPW = _RPW * _N_NOISE
_CHUNK = 128
_NROWS = _NPW // _CHUNK
_TROWS = _RPW // _CHUNK
_GRP = 10

_NOISE_W = np.asarray(
    np.random.default_rng(0).choice(
        _VOCAB, size=(_BATCH, _N_NOISE), p=np.full((_VOCAB,), 1.0 / _VOCAB)
    ),
    dtype=np.int32,
)
_NS = float(np.log(np.float32(_N_NOISE) * np.float32(1.0 / _VOCAB)))


def _swizzle(i, v):
    return ((i >> 3) << 13) + ((v >> 7) << 10) + ((i & 7) << 7) + (v & 127)


_hi = np.arange(_HB, dtype=np.int32)[:, None]
_IDXN_CONST = [
    _swizzle(_hi, _NOISE_W[h * _HB : (h + 1) * _HB]).reshape(_NW, _NROWS, _CHUNK)
    for h in range(_NHALF)
]
_TGTB_CONST = (((_hi >> 3) << 13) + ((_hi & 7) << 7)).reshape(_HB)


def _mm_body(x_ref, wt_ref, b_ref, o_ref):
    res = (
        jnp.dot(x_ref[...], wt_ref[...], preferred_element_type=jnp.float32)
        + b_ref[...]
    )
    for vh in range(_VPAD // 128):
        o_ref[:, vh] = res[:, vh * 128 : (vh + 1) * 128].reshape(_MBLK // 8, 8, 128)


_MBLK = 1024


def _logits_matmul(x, wt, b2d, h):
    return pl.pallas_call(
        _mm_body,
        grid=(_HB // _MBLK,),
        in_specs=[
            pl.BlockSpec((_MBLK, _DIM), lambda i: (i + h * (_HB // _MBLK), 0)),
            pl.BlockSpec((_DIM, _VPAD), lambda i: (0, 0)),
            pl.BlockSpec((1, _VPAD), lambda i: (0, 0)),
        ],
        out_specs=pl.BlockSpec(
            (_MBLK // 8, _VPAD // 128, 8, 128), lambda i: (i, 0, 0, 0)
        ),
        out_shape=jax.ShapeDtypeStruct((_HB // 8, _VPAD // 128, 8, 128), jnp.float32),
    )(x, wt, b2d)


def _sc_body(
    logits_hbm, idxn_hbm, idxt_hbm, outn_hbm, outt_hbm,
    idxn_v, valsn_v, idxt_v, valst_v, sem,
):
    wid = lax.axis_index("s") * _NC + lax.axis_index("c")
    pltpu.sync_copy(idxn_hbm.at[wid], idxn_v)
    pltpu.sync_copy(idxt_hbm.at[pl.ds(wid * _TROWS, _TROWS)], idxt_v)

    th = [
        pltpu.async_copy(logits_hbm.at[idxt_v.at[u]], valst_v.at[u], sem)
        for u in range(_TROWS)
    ]

    def grp(g, carry):
        handles = []
        for u in range(_GRP):
            j = g * _GRP + u
            handles.append(
                pltpu.async_copy(logits_hbm.at[idxn_v.at[j]], valsn_v.at[j], sem)
            )
        for h in handles:
            h.wait()
        return carry

    lax.fori_loop(0, _NROWS // _GRP, grp, 0)
    for h in th:
        h.wait()

    for j in range(_TROWS):
        for o in range(0, _CHUNK, 16):
            v = valst_v[j, pl.ds(o, 16)]
            valst_v[j, pl.ds(o, 16)] = 1.0 / (1.0 + jnp.exp(_NS - v))

    def cn(j, carry):
        for o in range(0, _CHUNK, 16):
            v = valsn_v[j, pl.ds(o, 16)]
            valsn_v[j, pl.ds(o, 16)] = 1.0 / (1.0 + jnp.exp(_NS - v))
        return carry

    lax.fori_loop(0, _NROWS, cn, 0)

    pltpu.sync_copy(valsn_v, outn_hbm.at[wid])
    pltpu.sync_copy(valst_v, outt_hbm.at[wid])


@functools.lru_cache(maxsize=1)
def _sc_gather_sigmoid():
    mesh = plsc.VectorSubcoreMesh(
        core_axis_name="c", subcore_axis_name="s", num_cores=_NC, num_subcores=_NSUB
    )
    return pl.kernel(
        _sc_body,
        mesh=mesh,
        out_type=(
            jax.ShapeDtypeStruct((_NW, _NROWS, _CHUNK), jnp.float32),
            jax.ShapeDtypeStruct((_NW, _TROWS, _CHUNK), jnp.float32),
        ),
        scratch_types=[
            pltpu.VMEM((_NROWS, _CHUNK), jnp.int32),
            pltpu.VMEM((_NROWS, _CHUNK), jnp.float32),
            pltpu.VMEM((_TROWS, _CHUNK), jnp.int32),
            pltpu.VMEM((_TROWS, _CHUNK), jnp.float32),
            pltpu.SemaphoreType.DMA,
        ],
    )


def kernel(GRU_context, next_input, W, b):
    wt = jnp.zeros((_DIM, _VPAD), jnp.float32).at[:, :_VOCAB].set(W.T)
    b2d = jnp.zeros((1, _VPAD), jnp.float32).at[0, :_VOCAB].set(b)
    ni = next_input.reshape(-1).astype(jnp.int32)
    tgtb = jnp.asarray(_TGTB_CONST)

    outs = []
    for h in range(_NHALF):
        logits = _logits_matmul(GRU_context, wt, b2d, h)
        nih = ni[h * _HB : (h + 1) * _HB]
        idxt = (tgtb + ((nih >> 7) << 10) + (nih & 127)).reshape(
            _NW * _TROWS, _CHUNK
        )
        outs.append(
            _sc_gather_sigmoid()(
                logits.reshape(-1), jnp.asarray(_IDXN_CONST[h]), idxt
            )
        )

    outn = jnp.concatenate([o[0].reshape(_HB, _N_NOISE) for o in outs], axis=0)
    outt = jnp.concatenate([o[1].reshape(_HB, 1) for o in outs], axis=0)
    return jnp.concatenate([outt, outn], axis=1)

# --- scband reference (transcript-rebuilt; emitter-appended) ---
"""Pipeline reference for scband-nce-58291296141997 (READ-ONLY COPY).

The authoritative reference and input builder live on the scoring server;
editing this copy changes nothing except your own understanding.
"""

import jax, jax.numpy as jnp
import numpy as np

VOCAB = 1000
DIM = 128
N_NOISE = 25
BATCH = 16384
Pn = np.full((VOCAB,), 1.0 / VOCAB, dtype=np.float64)


def setup_inputs(seed: int = 0) -> dict:
    key = jax.random.key(seed)
    k1, k2, k3 = jax.random.split(key, 3)
    GRU_context = jax.random.normal(k1, (BATCH, DIM), dtype=jnp.float32)
    next_input = jax.random.randint(k2, (BATCH, 1), 0, VOCAB)
    limit = float(np.sqrt(6.0 / (VOCAB + DIM)))  # xavier_uniform on W[vocab, dim]
    W = jax.random.uniform(k3, (VOCAB, DIM), minval=-limit, maxval=limit, dtype=jnp.float32)
    b = jnp.zeros((VOCAB,), dtype=jnp.float32)
    return {"GRU_context": GRU_context, "next_input": next_input, "W": W, "b": b}


def reference(GRU_context, next_input, W, b):
    n_samples = GRU_context.shape[0]
    n_next = N_NOISE + 1
    # noise sampling (np.random.choice in the original); seeded for determinism
    rng = np.random.default_rng(0)
    noise_w = rng.choice(VOCAB, size=(n_samples, N_NOISE), p=Pn)
    next_w = jnp.concatenate(
        [jnp.asarray(next_input, dtype=jnp.int32), jnp.asarray(noise_w, dtype=jnp.int32)],
        axis=-1,
    )
    flat = next_w.reshape(-1)
    W_ = jnp.take(W, flat, axis=0).reshape(n_samples, n_next, DIM)
    b_ = jnp.take(b, flat).reshape(n_samples, n_next)
    s_theta = jnp.sum(GRU_context[:, None, :] * W_, axis=-1) + b_
    noiseP = jnp.take(jnp.asarray(Pn, dtype=jnp.float32), flat).reshape(n_samples, n_next)
    noise_score = jnp.log(N_NOISE * noiseP)
    out = s_theta - noise_score
    return jax.nn.sigmoid(out)

if __name__ == "__main__":
    import jax
    _d = setup_inputs()
    print(jax.jit(kernel)(*tuple(_d.values())))

</pallas_src>

<mosaic_0001>
#map = affine_map<(d0, d1) -> (0)>
#map1 = affine_map<(d0, d1) -> (0, 0, 0)>
#map2 = affine_map<(d0, d1) -> (0, 0)>
module attributes {stable_mosaic.version = 14 : i64} {
  func.func @_sc_body(%arg0: i32, %arg1: i32, %arg2: memref<8388608xf32, #tpu.memory_space<hbm>>, %arg3: memref<32x50x128xi32, #tpu.memory_space<hbm>>, %arg4: memref<64x128xi32, #tpu.memory_space<hbm>>, %arg5: memref<32x50x128xf32, #tpu.memory_space<hbm>>, %arg6: memref<32x2x128xf32, #tpu.memory_space<hbm>>, %arg7: memref<50x128xi32, #tpu.memory_space<vmem>>, %arg8: memref<50x128xf32, #tpu.memory_space<vmem>>, %arg9: memref<2x128xi32, #tpu.memory_space<vmem>>, %arg10: memref<2x128xf32, #tpu.memory_space<vmem>>, %arg11: memref<!tpu.dma_semaphore, #tpu.memory_space<semaphore_mem>>) attributes {dimension_semantics = [#tpu.dimension_semantics<core_parallel>, #tpu.dimension_semantics<subcore_parallel>], iteration_bounds = array<i64: 2, 16>, scalar_prefetch = 0 : i64, scratch_operands = 5 : i64, tpu.core_type = #tpu.core_type<sc_vector_subcore>, window_params = [{transform_indices = #map}, {transform_indices = #map1}, {transform_indices = #map2}, {transform_indices = #map1}, {transform_indices = #map1}]} {
    %mul3A = arith.constant 2 : i32
    %mul3A_0 = arith.muli %arg1, %mul3A : i32
    %add3A = arith.addi %mul3A_0, %arg0 : i32
    "tpu.region"() ({
      %run_scoped3A = tpu.sem_alloc : memref<!tpu.dma_semaphore, #tpu.memory_space<semaphore_mem>>
      %dma_start3A_383 = arith.constant 0 : i32
      %dma_start3A_384 = arith.constant 0 : i32
      %dma_start3A_385 = tpu.memref_slice %arg3[%add3A, %dma_start3A_383, %dma_start3A_384] : memref<32x50x128xi32, #tpu.memory_space<hbm>> -> memref<1x50x128xi32, #tpu.memory_space<hbm>>
      %dma_start3A_386 = tpu.memref_squeeze %dma_start3A_385 : memref<1x50x128xi32, #tpu.memory_space<hbm>> -> memref<50x128xi32, #tpu.memory_space<hbm>>
      %dma_start3A_387 = arith.constant 0 : i32
      %dma_start3A_388 = arith.constant 0 : i32
      %dma_start3A_389 = tpu.memref_slice %arg3[%add3A, %dma_start3A_387, %dma_start3A_388] : memref<32x50x128xi32, #tpu.memory_space<hbm>> -> memref<1x50x128xi32, #tpu.memory_space<hbm>>
      %dma_start3A_390 = tpu.memref_squeeze %dma_start3A_389 : memref<1x50x128xi32, #tpu.memory_space<hbm>> -> memref<50x128xi32, #tpu.memory_space<hbm>>
      tpu.enqueue_dma source(%dma_start3A_390 : memref<50x128xi32, #tpu.memory_space<hbm>>) target(%arg7 : memref<50x128xi32, #tpu.memory_space<vmem>>) target_semaphore(%run_scoped3A : memref<!tpu.dma_semaphore, #tpu.memory_space<semaphore_mem>>)
      %dma_wait3A_391 = arith.constant 0 : i32
      %dma_wait3A_392 = arith.constant 0 : i32
      %dma_wait3A_393 = tpu.memref_slice %arg3[%add3A, %dma_wait3A_391, %dma_wait3A_392] : memref<32x50x128xi32, #tpu.memory_space<hbm>> -> memref<1x50x128xi32, #tpu.memory_space<hbm>>
      %dma_wait3A_394 = tpu.memref_squeeze %dma_wait3A_393 : memref<1x50x128xi32, #tpu.memory_space<hbm>> -> memref<50x128xi32, #tpu.memory_space<hbm>>
      %dma_wait3A_395 = arith.constant 0 : i32
      %dma_wait3A_396 = arith.constant 0 : i32
      %dma_wait3A_397 = tpu.memref_slice %arg3[%add3A, %dma_wait3A_395, %dma_wait3A_396] : memref<32x50x128xi32, #tpu.memory_space<hbm>> -> memref<1x50x128xi32, #tpu.memory_space<hbm>>
      %dma_wait3A_398 = tpu.memref_squeeze %dma_wait3A_397 : memref<1x50x128xi32, #tpu.memory_space<hbm>> -> memref<50x128xi32, #tpu.memory_space<hbm>>
      tpu.wait_dma2 semaphore(%run_scoped3A : memref<!tpu.dma_semaphore, #tpu.memory_space<semaphore_mem>>) src(%dma_wait3A_398 : memref<50x128xi32, #tpu.memory_space<hbm>>) dst(%arg7 : memref<50x128xi32, #tpu.memory_space<vmem>>)
      tpu.yield
    }) : () -> ()
    %mul3A_1 = arith.constant 2 : i32
    %mul3A_2 = arith.muli %add3A, %mul3A_1 : i32
    "tpu.region"() ({
      %run_scoped3A = tpu.sem_alloc : memref<!tpu.dma_semaphore, #tpu.memory_space<semaphore_mem>>
      %dma_start3A_383 = arith.constant 0 : i32
      %dma_start3A_384 = tpu.memref_slice %arg4[%mul3A_2, %dma_start3A_383] : memref<64x128xi32, #tpu.memory_space<hbm>> -> memref<2x128xi32, #tpu.memory_space<hbm>>
      %dma_start3A_385 = arith.constant 0 : i32
      %dma_start3A_386 = tpu.memref_slice %arg4[%mul3A_2, %dma_start3A_385] : memref<64x128xi32, #tpu.memory_space<hbm>> -> memref<2x128xi32, #tpu.memory_space<hbm>>
      tpu.enqueue_dma source(%dma_start3A_386 : memref<2x128xi32, #tpu.memory_space<hbm>>) target(%arg9 : memref<2x128xi32, #tpu.memory_space<vmem>>) target_semaphore(%run_scoped3A : memref<!tpu.dma_semaphore, #tpu.memory_space<semaphore_mem>>)
      %dma_wait3A_387 = arith.constant 0 : i32
      %dma_wait3A_388 = tpu.memref_slice %arg4[%mul3A_2, %dma_wait3A_387] : memref<64x128xi32, #tpu.memory_space<hbm>> -> memref<2x128xi32, #tpu.memory_space<hbm>>
      %dma_wait3A_389 = arith.constant 0 : i32
      %dma_wait3A_390 = tpu.memref_slice %arg4[%mul3A_2, %dma_wait3A_389] : memref<64x128xi32, #tpu.memory_space<hbm>> -> memref<2x128xi32, #tpu.memory_space<hbm>>
      tpu.wait_dma2 semaphore(%run_scoped3A : memref<!tpu.dma_semaphore, #tpu.memory_space<semaphore_mem>>) src(%dma_wait3A_390 : memref<2x128xi32, #tpu.memory_space<hbm>>) dst(%arg9 : memref<2x128xi32, #tpu.memory_space<vmem>>)
      tpu.yield
    }) : () -> ()
    %dma_start3A = arith.constant 0 : i32
    %dma_start3A_3 = arith.constant 0 : i32
    %dma_start3A_4 = arith.constant 0 : i32
    %dma_start3A_5 = tpu.memref_slice %arg10[%dma_start3A_3, %dma_start3A_4] : memref<2x128xf32, #tpu.memory_space<vmem>> -> memref<1x128xf32, #tpu.memory_space<vmem>>
    %dma_start3A_6 = tpu.memref_squeeze %dma_start3A_5 : memref<1x128xf32, #tpu.memory_space<vmem>> -> memref<128xf32, #tpu.memory_space<vmem>>
    %dma_start3A_7 = arith.constant 0 : i32
    %dma_start3A_8 = tpu.memref_slice %arg9[%dma_start3A, %dma_start3A_7] : memref<2x128xi32, #tpu.memory_space<vmem>> -> memref<1x128xi32, #tpu.memory_space<vmem>>
    %dma_start3A_9 = tpu.memref_squeeze %dma_start3A_8 : memref<1x128xi32, #tpu.memory_space<vmem>> -> memref<128xi32, #tpu.memory_space<vmem>>
    %dma_start3A_10 = arith.constant 0 : i32
    %dma_start3A_11 = tpu.memref_slice %arg2[%dma_start3A_10] : memref<8388608xf32, #tpu.memory_space<hbm>> -> memref<8388608xf32, #tpu.memory_space<hbm>>
    tpu.enqueue_indirect_dma source(%dma_start3A_11 : memref<8388608xf32, #tpu.memory_space<hbm>>) target(%dma_start3A_6 : memref<128xf32, #tpu.memory_space<vmem>>) offsets(%dma_start3A_9 : memref<128xi32, #tpu.memory_space<vmem>>) semaphore(%arg11 : memref<!tpu.dma_semaphore, #tpu.memory_space<semaphore_mem>>)
    %dma_start3A_12 = arith.constant 1 : i32
    %dma_start3A_13 = arith.constant 1 : i32
    %dma_start3A_14 = arith.constant 0 : i32
    %dma_start3A_15 = tpu.memref_slice %arg10[%dma_start3A_13, %dma_start3A_14] : memref<2x128xf32, #tpu.memory_space<vmem>> -> memref<1x128xf32, #tpu.memory_space<vmem>>
    %dma_start3A_16 = tpu.memref_squeeze %dma_start3A_15 : memref<1x128xf32, #tpu.memory_space<vmem>> -> memref<128xf32, #tpu.memory_space<vmem>>
    %dma_start3A_17 = arith.constant 0 : i32
    %dma_start3A_18 = tpu.memref_slice %arg9[%dma_start3A_12, %dma_start3A_17] : memref<2x128xi32, #tpu.memory_space<vmem>> -> memref<1x128xi32, #tpu.memory_space<vmem>>
    %dma_start3A_19 = tpu.memref_squeeze %dma_start3A_18 : memref<1x128xi32, #tpu.memory_space<vmem>> -> memref<128xi32, #tpu.memory_space<vmem>>
    %dma_start3A_20 = arith.constant 0 : i32
    %dma_start3A_21 = tpu.memref_slice %arg2[%dma_start3A_20] : memref<8388608xf32, #tpu.memory_space<hbm>> -> memref<8388608xf32, #tpu.memory_space<hbm>>
    tpu.enqueue_indirect_dma source(%dma_start3A_21 : memref<8388608xf32, #tpu.memory_space<hbm>>) target(%dma_start3A_16 : memref<128xf32, #tpu.memory_space<vmem>>) offsets(%dma_start3A_19 : memref<128xi32, #tpu.memory_space<vmem>>) semaphore(%arg11 : memref<!tpu.dma_semaphore, #tpu.memory_space<semaphore_mem>>)
    %scan3A = arith.constant 0 : i32
    %scan3A_22 = arith.constant 0 : i32
    %scan3A_23 = arith.constant 5 : i32
    %scan3A_24 = arith.addi %scan3A_22, %scan3A_23 : i32
    %scan3A_25 = arith.constant 1 : i32
    scf.for %scan3A_383 = %scan3A_22 to %scan3A_24 step %scan3A_25  : i32 {
      %mul3A_384 = arith.constant 10 : i32
      %mul3A_385 = arith.muli %scan3A_383, %mul3A_384 : i32
      %add3A_386 = arith.constant 0 : i32
      %add3A_387 = arith.addi %mul3A_385, %add3A_386 : i32
      %dma_start3A_388 = arith.constant 0 : i32
      %dma_start3A_389 = tpu.memref_slice %arg8[%add3A_387, %dma_start3A_388] : memref<50x128xf32, #tpu.memory_space<vmem>> -> memref<1x128xf32, #tpu.memory_space<vmem>>
      %dma_start3A_390 = tpu.memref_squeeze %dma_start3A_389 : memref<1x128xf32, #tpu.memory_space<vmem>> -> memref<128xf32, #tpu.memory_space<vmem>>
      %dma_start3A_391 = arith.constant 0 : i32
      %dma_start3A_392 = tpu.memref_slice %arg7[%add3A_387, %dma_start3A_391] : memref<50x128xi32, #tpu.memory_space<vmem>> -> memref<1x128xi32, #tpu.memory_space<vmem>>
      %dma_start3A_393 = tpu.memref_squeeze %dma_start3A_392 : memref<1x128xi32, #tpu.memory_space<vmem>> -> memref<128xi32, #tpu.memory_space<vmem>>
      %dma_start3A_394 = arith.constant 0 : i32
      %dma_start3A_395 = tpu.memref_slice %arg2[%dma_start3A_394] : memref<8388608xf32, #tpu.memory_space<hbm>> -> memref<8388608xf32, #tpu.memory_space<hbm>>
      tpu.enqueue_indirect_dma source(%dma_start3A_395 : memref<8388608xf32, #tpu.memory_space<hbm>>) target(%dma_start3A_390 : memref<128xf32, #tpu.memory_space<vmem>>) offsets(%dma_start3A_393 : memref<128xi32, #tpu.memory_space<vmem>>) semaphore(%arg11 : memref<!tpu.dma_semaphore, #tpu.memory_space<semaphore_mem>>)
      %mul3A_396 = arith.constant 10 : i32
      %mul3A_397 = arith.muli %scan3A_383, %mul3A_396 : i32
      %add3A_398 = arith.constant 1 : i32
      %add3A_399 = arith.addi %mul3A_397, %add3A_398 : i32
      %dma_start3A_400 = arith.constant 0 : i32
      %dma_start3A_401 = tpu.memref_slice %arg8[%add3A_399, %dma_start3A_400] : memref<50x128xf32, #tpu.memory_space<vmem>> -> memref<1x128xf32, #tpu.memory_space<vmem>>
      %dma_start3A_402 = tpu.memref_squeeze %dma_start3A_401 : memref<1x128xf32, #tpu.memory_space<vmem>> -> memref<128xf32, #tpu.memory_space<vmem>>
      %dma_start3A_403 = arith.constant 0 : i32
      %dma_start3A_404 = tpu.memref_slice %arg7[%add3A_399, %dma_start3A_403] : memref<50x128xi32, #tpu.memory_space<vmem>> -> memref<1x128xi32, #tpu.memory_space<vmem>>
      %dma_start3A_405 = tpu.memref_squeeze %dma_start3A_404 : memref<1x128xi32, #tpu.memory_space<vmem>> -> memref<128xi32, #tpu.memory_space<vmem>>
      %dma_start3A_406 = arith.constant 0 : i32
      %dma_start3A_407 = tpu.memref_slice %arg2[%dma_start3A_406] : memref<8388608xf32, #tpu.memory_space<hbm>> -> memref<8388608xf32, #tpu.memory_space<hbm>>
      tpu.enqueue_indirect_dma source(%dma_start3A_407 : memref<8388608xf32, #tpu.memory_space<hbm>>) target(%dma_start3A_402 : memref<128xf32, #tpu.memory_space<vmem>>) offsets(%dma_start3A_405 : memref<128xi32, #tpu.memory_space<vmem>>) semaphore(%arg11 : memref<!tpu.dma_semaphore, #tpu.memory_space<semaphore_mem>>)
      %mul3A_408 = arith.constant 10 : i32
      %mul3A_409 = arith.muli %scan3A_383, %mul3A_408 : i32
      %add3A_410 = arith.constant 2 : i32
      %add3A_411 = arith.addi %mul3A_409, %add3A_410 : i32
      %dma_start3A_412 = arith.constant 0 : i32
      %dma_start3A_413 = tpu.memref_slice %arg8[%add3A_411, %dma_start3A_412] : memref<50x128xf32, #tpu.memory_space<vmem>> -> memref<1x128xf32, #tpu.memory_space<vmem>>
      %dma_start3A_414 = tpu.memref_squeeze %dma_start3A_413 : memref<1x128xf32, #tpu.memory_space<vmem>> -> memref<128xf32, #tpu.memory_space<vmem>>
      %dma_start3A_415 = arith.constant 0 : i32
      %dma_start3A_416 = tpu.memref_slice %arg7[%add3A_411, %dma_start3A_415] : memref<50x128xi32, #tpu.memory_space<vmem>> -> memref<1x128xi32, #tpu.memory_space<vmem>>
      %dma_start3A_417 = tpu.memref_squeeze %dma_start3A_416 : memref<1x128xi32, #tpu.memory_space<vmem>> -> memref<128xi32, #tpu.memory_space<vmem>>
      %dma_start3A_418 = arith.constant 0 : i32
      %dma_start3A_419 = tpu.memref_slice %arg2[%dma_start3A_418] : memref<8388608xf32, #tpu.memory_space<hbm>> -> memref<8388608xf32, #tpu.memory_space<hbm>>
      tpu.enqueue_indirect_dma source(%dma_start3A_419 : memref<8388608xf32, #tpu.memory_space<hbm>>) target(%dma_start3A_414 : memref<128xf32, #tpu.memory_space<vmem>>) offsets(%dma_start3A_417 : memref<128xi32, #tpu.memory_space<vmem>>) semaphore(%arg11 : memref<!tpu.dma_semaphore, #tpu.memory_space<semaphore_mem>>)
      %mul3A_420 = arith.constant 10 : i32
      %mul3A_421 = arith.muli %scan3A_383, %mul3A_420 : i32
      %add3A_422 = arith.constant 3 : i32
      %add3A_423 = arith.addi %mul3A_421, %add3A_422 : i32
      %dma_start3A_424 = arith.constant 0 : i32
      %dma_start3A_425 = tpu.memref_slice %arg8[%add3A_423, %dma_start3A_424] : memref<50x128xf32, #tpu.memory_space<vmem>> -> memref<1x128xf32, #tpu.memory_space<vmem>>
      %dma_start3A_426 = tpu.memref_squeeze %dma_start3A_425 : memref<1x128xf32, #tpu.memory_space<vmem>> -> memref<128xf32, #tpu.memory_space<vmem>>
      %dma_start3A_427 = arith.constant 0 : i32
      %dma_start3A_428 = tpu.memref_slice %arg7[%add3A_423, %dma_start3A_427] : memref<50x128xi32, #tpu.memory_space<vmem>> -> memref<1x128xi32, #tpu.memory_space<vmem>>
      %dma_start3A_429 = tpu.memref_squeeze %dma_start3A_428 : memref<1x128xi32, #tpu.memory_space<vmem>> -> memref<128xi32, #tpu.memory_space<vmem>>
      %dma_start3A_430 = arith.constant 0 : i32
      %dma_start3A_431 = tpu.memref_slice %arg2[%dma_start3A_430] : memref<8388608xf32, #tpu.memory_space<hbm>> -> memref<8388608xf32, #tpu.memory_space<hbm>>
      tpu.enqueue_indirect_dma source(%dma_start3A_431 : memref<8388608xf32, #tpu.memory_space<hbm>>) target(%dma_start3A_426 : memref<128xf32, #tpu.memory_space<vmem>>) offsets(%dma_start3A_429 : memref<128xi32, #tpu.memory_space<vmem>>) semaphore(%arg11 : memref<!tpu.dma_semaphore, #tpu.memory_space<semaphore_mem>>)
      %mul3A_432 = arith.constant 10 : i32
      %mul3A_433 = arith.muli %scan3A_383, %mul3A_432 : i32
      %add3A_434 = arith.constant 4 : i32
      %add3A_435 = arith.addi %mul3A_433, %add3A_434 : i32
      %dma_start3A_436 = arith.constant 0 : i32
      %dma_start3A_437 = tpu.memref_slice %arg8[%add3A_435, %dma_start3A_436] : memref<50x128xf32, #tpu.memory_space<vmem>> -> memref<1x128xf32, #tpu.memory_space<vmem>>
      %dma_start3A_438 = tpu.memref_squeeze %dma_start3A_437 : memref<1x128xf32, #tpu.memory_space<vmem>> -> memref<128xf32, #tpu.memory_space<vmem>>
      %dma_start3A_439 = arith.constant 0 : i32
      %dma_start3A_440 = tpu.memref_slice %arg7[%add3A_435, %dma_start3A_439] : memref<50x128xi32, #tpu.memory_space<vmem>> -> memref<1x128xi32, #tpu.memory_space<vmem>>
      %dma_start3A_441 = tpu.memref_squeeze %dma_start3A_440 : memref<1x128xi32, #tpu.memory_space<vmem>> -> memref<128xi32, #tpu.memory_space<vmem>>
      %dma_start3A_442 = arith.constant 0 : i32
      %dma_start3A_443 = tpu.memref_slice %arg2[%dma_start3A_442] : memref<8388608xf32, #tpu.memory_space<hbm>> -> memref<8388608xf32, #tpu.memory_space<hbm>>
      tpu.enqueue_indirect_dma source(%dma_start3A_443 : memref<8388608xf32, #tpu.memory_space<hbm>>) target(%dma_start3A_438 : memref<128xf32, #tpu.memory_space<vmem>>) offsets(%dma_start3A_441 : memref<128xi32, #tpu.memory_space<vmem>>) semaphore(%arg11 : memref<!tpu.dma_semaphore, #tpu.memory_space<semaphore_mem>>)
      %mul3A_444 = arith.constant 10 : i32
      %mul3A_445 = arith.muli %scan3A_383, %mul3A_444 : i32
      %add3A_446 = arith.constant 5 : i32
      %add3A_447 = arith.addi %mul3A_445, %add3A_446 : i32
      %dma_start3A_448 = arith.constant 0 : i32
      %dma_start3A_449 = tpu.memref_slice %arg8[%add3A_447, %dma_start3A_448] : memref<50x128xf32, #tpu.memory_space<vmem>> -> memref<1x128xf32, #tpu.memory_space<vmem>>
      %dma_start3A_450 = tpu.memref_squeeze %dma_start3A_449 : memref<1x128xf32, #tpu.memory_space<vmem>> -> memref<128xf32, #tpu.memory_space<vmem>>
      %dma_start3A_451 = arith.constant 0 : i32
      %dma_start3A_452 = tpu.memref_slice %arg7[%add3A_447, %dma_start3A_451] : memref<50x128xi32, #tpu.memory_space<vmem>> -> memref<1x128xi32, #tpu.memory_space<vmem>>
      %dma_start3A_453 = tpu.memref_squeeze %dma_start3A_452 : memref<1x128xi32, #tpu.memory_space<vmem>> -> memref<128xi32, #tpu.memory_space<vmem>>
      %dma_start3A_454 = arith.constant 0 : i32
      %dma_start3A_455 = tpu.memref_slice %arg2[%dma_start3A_454] : memref<8388608xf32, #tpu.memory_space<hbm>> -> memref<8388608xf32, #tpu.memory_space<hbm>>
      tpu.enqueue_indirect_dma source(%dma_start3A_455 : memref<8388608xf32, #tpu.memory_space<hbm>>) target(%dma_start3A_450 : memref<128xf32, #tpu.memory_space<vmem>>) offsets(%dma_start3A_453 : memref<128xi32, #tpu.memory_space<vmem>>) semaphore(%arg11 : memref<!tpu.dma_semaphore, #tpu.memory_space<semaphore_mem>>)
      %mul3A_456 = arith.constant 10 : i32
      %mul3A_457 = arith.muli %scan3A_383, %mul3A_456 : i32
      %add3A_458 = arith.constant 6 : i32
      %add3A_459 = arith.addi %mul3A_457, %add3A_458 : i32
      %dma_start3A_460 = arith.constant 0 : i32
      %dma_start3A_461 = tpu.memref_slice %arg8[%add3A_459, %dma_start3A_460] : memref<50x128xf32, #tpu.memory_space<vmem>> -> memref<1x128xf32, #tpu.memory_space<vmem>>
      %dma_start3A_462 = tpu.memref_squeeze %dma_start3A_461 : memref<1x128xf32, #tpu.memory_space<vmem>> -> memref<128xf32, #tpu.memory_space<vmem>>
      %dma_start3A_463 = arith.constant 0 : i32
      %dma_start3A_464 = tpu.memref_slice %arg7[%add3A_459, %dma_start3A_463] : memref<50x128xi32, #tpu.memory_space<vmem>> -> memref<1x128xi32, #tpu.memory_space<vmem>>
      %dma_start3A_465 = tpu.memref_squeeze %dma_start3A_464 : memref<1x128xi32, #tpu.memory_space<vmem>> -> memref<128xi32, #tpu.memory_space<vmem>>
      %dma_start3A_466 = arith.constant 0 : i32
      %dma_start3A_467 = tpu.memref_slice %arg2[%dma_start3A_466] : memref<8388608xf32, #tpu.memory_space<hbm>> -> memref<8388608xf32, #tpu.memory_space<hbm>>
      tpu.enqueue_indirect_dma source(%dma_start3A_467 : memref<8388608xf32, #tpu.memory_space<hbm>>) target(%dma_start3A_462 : memref<128xf32, #tpu.memory_space<vmem>>) offsets(%dma_start3A_465 : memref<128xi32, #tpu.memory_space<vmem>>) semaphore(%arg11 : memref<!tpu.dma_semaphore, #tpu.memory_space<semaphore_mem>>)
      %mul3A_468 = arith.constant 10 : i32
      %mul3A_469 = arith.muli %scan3A_383, %mul3A_468 : i32
      %add3A_470 = arith.constant 7 : i32
      %add3A_471 = arith.addi %mul3A_469, %add3A_470 : i32
      %dma_start3A_472 = arith.constant 0 : i32
      %dma_start3A_473 = tpu.memref_slice %arg8[%add3A_471, %dma_start3A_472] : memref<50x128xf32, #tpu.memory_space<vmem>> -> memref<1x128xf32, #tpu.memory_space<vmem>>
      %dma_start3A_474 = tpu.memref_squeeze %dma_start3A_473 : memref<1x128xf32, #tpu.memory_space<vmem>> -> memref<128xf32, #tpu.memory_space<vmem>>
      %dma_start3A_475 = arith.constant 0 : i32
      %dma_start3A_476 = tpu.memref_slice %arg7[%add3A_471, %dma_start3A_475] : memref<50x128xi32, #tpu.memory_space<vmem>> -> memref<1x128xi32, #tpu.memory_space<vmem>>
      %dma_start3A_477 = tpu.memref_squeeze %dma_start3A_476 : memref<1x128xi32, #tpu.memory_space<vmem>> -> memref<128xi32, #tpu.memory_space<vmem>>
      %dma_start3A_478 = arith.constant 0 : i32
      %dma_start3A_479 = tpu.memref_slice %arg2[%dma_start3A_478] : memref<8388608xf32, #tpu.memory_space<hbm>> -> memref<8388608xf32, #tpu.memory_space<hbm>>
      tpu.enqueue_indirect_dma source(%dma_start3A_479 : memref<8388608xf32, #tpu.memory_space<hbm>>) target(%dma_start3A_474 : memref<128xf32, #tpu.memory_space<vmem>>) offsets(%dma_start3A_477 : memref<128xi32, #tpu.memory_space<vmem>>) semaphore(%arg11 : memref<!tpu.dma_semaphore, #tpu.memory_space<semaphore_mem>>)
      %mul3A_480 = arith.constant 10 : i32
      %mul3A_481 = arith.muli %scan3A_383, %mul3A_480 : i32
      %add3A_482 = arith.constant 8 : i32
      %add3A_483 = arith.addi %mul3A_481, %add3A_482 : i32
      %dma_start3A_484 = arith.constant 0 : i32
      %dma_start3A_485 = tpu.memref_slice %arg8[%add3A_483, %dma_start3A_484] : memref<50x128xf32, #tpu.memory_space<vmem>> -> memref<1x128xf32, #tpu.memory_space<vmem>>
      %dma_start3A_486 = tpu.memref_squeeze %dma_start3A_485 : memref<1x128xf32, #tpu.memory_space<vmem>> -> memref<128xf32, #tpu.memory_space<vmem>>
      %dma_start3A_487 = arith.constant 0 : i32
      %dma_start3A_488 = tpu.memref_slice %arg7[%add3A_483, %dma_start3A_487] : memref<50x128xi32, #tpu.memory_space<vmem>> -> memref<1x128xi32, #tpu.memory_space<vmem>>
      %dma_start3A_489 = tpu.memref_squeeze %dma_start3A_488 : memref<1x128xi32, #tpu.memory_space<vmem>> -> memref<128xi32, #tpu.memory_space<vmem>>
      %dma_start3A_490 = arith.constant 0 : i32
      %dma_start3A_491 = tpu.memref_slice %arg2[%dma_start3A_490] : memref<8388608xf32, #tpu.memory_space<hbm>> -> memref<8388608xf32, #tpu.memory_space<hbm>>
      tpu.enqueue_indirect_dma source(%dma_start3A_491 : memref<8388608xf32, #tpu.memory_space<hbm>>) target(%dma_start3A_486 : memref<128xf32, #tpu.memory_space<vmem>>) offsets(%dma_start3A_489 : memref<128xi32, #tpu.memory_space<vmem>>) semaphore(%arg11 : memref<!tpu.dma_semaphore, #tpu.memory_space<semaphore_mem>>)
      %mul3A_492 = arith.constant 10 : i32
      %mul3A_493 = arith.muli %scan3A_383, %mul3A_492 : i32
      %add3A_494 = arith.constant 9 : i32
      %add3A_495 = arith.addi %mul3A_493, %add3A_494 : i32
      %dma_start3A_496 = arith.constant 0 : i32
      %dma_start3A_497 = tpu.memref_slice %arg8[%add3A_495, %dma_start3A_496] : memref<50x128xf32, #tpu.memory_space<vmem>> -> memref<1x128xf32, #tpu.memory_space<vmem>>
      %dma_start3A_498 = tpu.memref_squeeze %dma_start3A_497 : memref<1x128xf32, #tpu.memory_space<vmem>> -> memref<128xf32, #tpu.memory_space<vmem>>
      %dma_start3A_499 = arith.constant 0 : i32
      %dma_start3A_500 = tpu.memref_slice %arg7[%add3A_495, %dma_start3A_499] : memref<50x128xi32, #tpu.memory_space<vmem>> -> memref<1x128xi32, #tpu.memory_space<vmem>>
      %dma_start3A_501 = tpu.memref_squeeze %dma_start3A_500 : memref<1x128xi32, #tpu.memory_space<vmem>> -> memref<128xi32, #tpu.memory_space<vmem>>
      %dma_start3A_502 = arith.constant 0 : i32
      %dma_start3A_503 = tpu.memref_slice %arg2[%dma_start3A_502] : memref<8388608xf32, #tpu.memory_space<hbm>> -> memref<8388608xf32, #tpu.memory_space<hbm>>
      tpu.enqueue_indirect_dma source(%dma_start3A_503 : memref<8388608xf32, #tpu.memory_space<hbm>>) target(%dma_start3A_498 : memref<128xf32, #tpu.memory_space<vmem>>) offsets(%dma_start3A_501 : memref<128xi32, #tpu.memory_space<vmem>>) semaphore(%arg11 : memref<!tpu.dma_semaphore, #tpu.memory_space<semaphore_mem>>)
      %dma_wait3A_504 = arith.constant 0 : i32
      %dma_wait3A_505 = tpu.memref_slice %arg8[%add3A_387, %dma_wait3A_504] : memref<50x128xf32, #tpu.memory_space<vmem>> -> memref<1x128xf32, #tpu.memory_space<vmem>>
      %dma_wait3A_506 = tpu.memref_squeeze %dma_wait3A_505 : memref<1x128xf32, #tpu.memory_space<vmem>> -> memref<128xf32, #tpu.memory_space<vmem>>
      %dma_wait3A_507 = arith.constant 0 : i32
      %dma_wait3A_508 = tpu.memref_slice %arg7[%add3A_387, %dma_wait3A_507] : memref<50x128xi32, #tpu.memory_space<vmem>> -> memref<1x128xi32, #tpu.memory_space<vmem>>
      %dma_wait3A_509 = tpu.memref_squeeze %dma_wait3A_508 : memref<1x128xi32, #tpu.memory_space<vmem>> -> memref<128xi32, #tpu.memory_space<vmem>>
      %dma_wait3A_510 = arith.constant 0 : i32
      %dma_wait3A_511 = tpu.memref_slice %arg2[%dma_wait3A_510] : memref<8388608xf32, #tpu.memory_space<hbm>> -> memref<8388608xf32, #tpu.memory_space<hbm>>
      tpu.wait_indirect_dma semaphore(%arg11 : memref<!tpu.dma_semaphore, #tpu.memory_space<semaphore_mem>>) src(%dma_wait3A_511 : memref<8388608xf32, #tpu.memory_space<hbm>>) dst(%dma_wait3A_506 : memref<128xf32, #tpu.memory_space<vmem>>)
      %dma_wait3A_512 = arith.constant 0 : i32
      %dma_wait3A_513 = tpu.memref_slice %arg8[%add3A_399, %dma_wait3A_512] : memref<50x128xf32, #tpu.memory_space<vmem>> -> memref<1x128xf32, #tpu.memory_space<vmem>>
      %dma_wait3A_514 = tpu.memref_squeeze %dma_wait3A_513 : memref<1x128xf32, #tpu.memory_space<vmem>> -> memref<128xf32, #tpu.memory_space<vmem>>
      %dma_wait3A_515 = arith.constant 0 : i32
      %dma_wait3A_516 = tpu.memref_slice %arg7[%add3A_399, %dma_wait3A_515] : memref<50x128xi32, #tpu.memory_space<vmem>> -> memref<1x128xi32, #tpu.memory_space<vmem>>
      %dma_wait3A_517 = tpu.memref_squeeze %dma_wait3A_516 : memref<1x128xi32, #tpu.memory_space<vmem>> -> memref<128xi32, #tpu.memory_space<vmem>>
      %dma_wait3A_518 = arith.constant 0 : i32
      %dma_wait3A_519 = tpu.memref_slice %arg2[%dma_wait3A_518] : memref<8388608xf32, #tpu.memory_space<hbm>> -> memref<8388608xf32, #tpu.memory_space<hbm>>
      tpu.wait_indirect_dma semaphore(%arg11 : memref<!tpu.dma_semaphore, #tpu.memory_space<semaphore_mem>>) src(%dma_wait3A_519 : memref<8388608xf32, #tpu.memory_space<hbm>>) dst(%dma_wait3A_514 : memref<128xf32, #tpu.memory_space<vmem>>)
      %dma_wait3A_520 = arith.constant 0 : i32
      %dma_wait3A_521 = tpu.memref_slice %arg8[%add3A_411, %dma_wait3A_520] : memref<50x128xf32, #tpu.memory_space<vmem>> -> memref<1x128xf32, #tpu.memory_space<vmem>>
      %dma_wait3A_522 = tpu.memref_squeeze %dma_wait3A_521 : memref<1x128xf32, #tpu.memory_space<vmem>> -> memref<128xf32, #tpu.memory_space<vmem>>
      %dma_wait3A_523 = arith.constant 0 : i32
      %dma_wait3A_524 = tpu.memref_slice %arg7[%add3A_411, %dma_wait3A_523] : memref<50x128xi32, #tpu.memory_space<vmem>> -> memref<1x128xi32, #tpu.memory_space<vmem>>
      %dma_wait3A_525 = tpu.memref_squeeze %dma_wait3A_524 : memref<1x128xi32, #tpu.memory_space<vmem>> -> memref<128xi32, #tpu.memory_space<vmem>>
      %dma_wait3A_526 = arith.constant 0 : i32
      %dma_wait3A_527 = tpu.memref_slice %arg2[%dma_wait3A_526] : memref<8388608xf32, #tpu.memory_space<hbm>> -> memref<8388608xf32, #tpu.memory_space<hbm>>
      tpu.wait_indirect_dma semaphore(%arg11 : memref<!tpu.dma_semaphore, #tpu.memory_space<semaphore_mem>>) src(%dma_wait3A_527 : memref<8388608xf32, #tpu.memory_space<hbm>>) dst(%dma_wait3A_522 : memref<128xf32, #tpu.memory_space<vmem>>)
      %dma_wait3A_528 = arith.constant 0 : i32
      %dma_wait3A_529 = tpu.memref_slice %arg8[%add3A_423, %dma_wait3A_528] : memref<50x128xf32, #tpu.memory_space<vmem>> -> memref<1x128xf32, #tpu.memory_space<vmem>>
      %dma_wait3A_530 = tpu.memref_squeeze %dma_wait3A_529 : memref<1x128xf32, #tpu.memory_space<vmem>> -> memref<128xf32, #tpu.memory_space<vmem>>
      %dma_wait3A_531 = arith.constant 0 : i32
      %dma_wait3A_532 = tpu.memref_slice %arg7[%add3A_423, %dma_wait3A_531] : memref<50x128xi32, #tpu.memory_space<vmem>> -> memref<1x128xi32, #tpu.memory_space<vmem>>
      %dma_wait3A_533 = tpu.memref_squeeze %dma_wait3A_532 : memref<1x128xi32, #tpu.memory_space<vmem>> -> memref<128xi32, #tpu.memory_space<vmem>>
      %dma_wait3A_534 = arith.constant 0 : i32
      %dma_wait3A_535 = tpu.memref_slice %arg2[%dma_wait3A_534] : memref<8388608xf32, #tpu.memory_space<hbm>> -> memref<8388608xf32, #tpu.memory_space<hbm>>
      tpu.wait_indirect_dma semaphore(%arg11 : memref<!tpu.dma_semaphore, #tpu.memory_space<semaphore_mem>>) src(%dma_wait3A_535 : memref<8388608xf32, #tpu.memory_space<hbm>>) dst(%dma_wait3A_530 : memref<128xf32, #tpu.memory_space<vmem>>)
      %dma_wait3A_536 = arith.constant 0 : i32
      %dma_wait3A_537 = tpu.memref_slice %arg8[%add3A_435, %dma_wait3A_536] : memref<50x128xf32, #tpu.memory_space<vmem>> -> memref<1x128xf32, #tpu.memory_space<vmem>>
      %dma_wait3A_538 = tpu.memref_squeeze %dma_wait3A_537 : memref<1x128xf32, #tpu.memory_space<vmem>> -> memref<128xf32, #tpu.memory_space<vmem>>
      %dma_wait3A_539 = arith.constant 0 : i32
      %dma_wait3A_540 = tpu.memref_slice %arg7[%add3A_435, %dma_wait3A_539] : memref<50x128xi32, #tpu.memory_space<vmem>> -> memref<1x128xi32, #tpu.memory_space<vmem>>
      %dma_wait3A_541 = tpu.memref_squeeze %dma_wait3A_540 : memref<1x128xi32, #tpu.memory_space<vmem>> -> memref<128xi32, #tpu.memory_space<vmem>>
      %dma_wait3A_542 = arith.constant 0 : i32
      %dma_wait3A_543 = tpu.memref_slice %arg2[%dma_wait3A_542] : memref<8388608xf32, #tpu.memory_space<hbm>> -> memref<8388608xf32, #tpu.memory_space<hbm>>
      tpu.wait_indirect_dma semaphore(%arg11 : memref<!tpu.dma_semaphore, #tpu.memory_space<semaphore_mem>>) src(%dma_wait3A_543 : memref<8388608xf32, #tpu.memory_space<hbm>>) dst(%dma_wait3A_538 : memref<128xf32, #tpu.memory_space<vmem>>)
      %dma_wait3A_544 = arith.constant 0 : i32
      %dma_wait3A_545 = tpu.memref_slice %arg8[%add3A_447, %dma_wait3A_544] : memref<50x128xf32, #tpu.memory_space<vmem>> -> memref<1x128xf32, #tpu.memory_space<vmem>>
      %dma_wait3A_546 = tpu.memref_squeeze %dma_wait3A_545 : memref<1x128xf32, #tpu.memory_space<vmem>> -> memref<128xf32, #tpu.memory_space<vmem>>
      %dma_wait3A_547 = arith.constant 0 : i32
      %dma_wait3A_548 = tpu.memref_slice %arg7[%add3A_447, %dma_wait3A_547] : memref<50x128xi32, #tpu.memory_space<vmem>> -> memref<1x128xi32, #tpu.memory_space<vmem>>
      %dma_wait3A_549 = tpu.memref_squeeze %dma_wait3A_548 : memref<1x128xi32, #tpu.memory_space<vmem>> -> memref<128xi32, #tpu.memory_space<vmem>>
      %dma_wait3A_550 = arith.constant 0 : i32
      %dma_wait3A_551 = tpu.memref_slice %arg2[%dma_wait3A_550] : memref<8388608xf32, #tpu.memory_space<hbm>> -> memref<8388608xf32, #tpu.memory_space<hbm>>
      tpu.wait_indirect_dma semaphore(%arg11 : memref<!tpu.dma_semaphore, #tpu.memory_space<semaphore_mem>>) src(%dma_wait3A_551 : memref<8388608xf32, #tpu.memory_space<hbm>>) dst(%dma_wait3A_546 : memref<128xf32, #tpu.memory_space<vmem>>)
      %dma_wait3A_552 = arith.constant 0 : i32
      %dma_wait3A_553 = tpu.memref_slice %arg8[%add3A_459, %dma_wait3A_552] : memref<50x128xf32, #tpu.memory_space<vmem>> -> memref<1x128xf32, #tpu.memory_space<vmem>>
      %dma_wait3A_554 = tpu.memref_squeeze %dma_wait3A_553 : memref<1x128xf32, #tpu.memory_space<vmem>> -> memref<128xf32, #tpu.memory_space<vmem>>
      %dma_wait3A_555 = arith.constant 0 : i32
      %dma_wait3A_556 = tpu.memref_slice %arg7[%add3A_459, %dma_wait3A_555] : memref<50x128xi32, #tpu.memory_space<vmem>> -> memref<1x128xi32, #tpu.memory_space<vmem>>
      %dma_wait3A_557 = tpu.memref_squeeze %dma_wait3A_556 : memref<1x128xi32, #tpu.memory_space<vmem>> -> memref<128xi32, #tpu.memory_space<vmem>>
      %dma_wait3A_558 = arith.constant 0 : i32
      %dma_wait3A_559 = tpu.memref_slice %arg2[%dma_wait3A_558] : memref<8388608xf32, #tpu.memory_space<hbm>> -> memref<8388608xf32, #tpu.memory_space<hbm>>
      tpu.wait_indirect_dma semaphore(%arg11 : memref<!tpu.dma_semaphore, #tpu.memory_space<semaphore_mem>>) src(%dma_wait3A_559 : memref<8388608xf32, #tpu.memory_space<hbm>>) dst(%dma_wait3A_554 : memref<128xf32, #tpu.memory_space<vmem>>)
      %dma_wait3A_560 = arith.constant 0 : i32
      %dma_wait3A_561 = tpu.memref_slice %arg8[%add3A_471, %dma_wait3A_560] : memref<50x128xf32, #tpu.memory_space<vmem>> -> memref<1x128xf32, #tpu.memory_space<vmem>>
      %dma_wait3A_562 = tpu.memref_squeeze %dma_wait3A_561 : memref<1x128xf32, #tpu.memory_space<vmem>> -> memref<128xf32, #tpu.memory_space<vmem>>
      %dma_wait3A_563 = arith.constant 0 : i32
      %dma_wait3A_564 = tpu.memref_slice %arg7[%add3A_471, %dma_wait3A_563] : memref<50x128xi32, #tpu.memory_space<vmem>> -> memref<1x128xi32, #tpu.memory_space<vmem>>
      %dma_wait3A_565 = tpu.memref_squeeze %dma_wait3A_564 : memref<1x128xi32, #tpu.memory_space<vmem>> -> memref<128xi32, #tpu.memory_space<vmem>>
      %dma_wait3A_566 = arith.constant 0 : i32
      %dma_wait3A_567 = tpu.memref_slice %arg2[%dma_wait3A_566] : memref<8388608xf32, #tpu.memory_space<hbm>> -> memref<8388608xf32, #tpu.memory_space<hbm>>
      tpu.wait_indirect_dma semaphore(%arg11 : memref<!tpu.dma_semaphore, #tpu.memory_space<semaphore_mem>>) src(%dma_wait3A_567 : memref<8388608xf32, #tpu.memory_space<hbm>>) dst(%dma_wait3A_562 : memref<128xf32, #tpu.memory_space<vmem>>)
      %dma_wait3A_568 = arith.constant 0 : i32
      %dma_wait3A_569 = tpu.memref_slice %arg8[%add3A_483, %dma_wait3A_568] : memref<50x128xf32, #tpu.memory_space<vmem>> -> memref<1x128xf32, #tpu.memory_space<vmem>>
      %dma_wait3A_570 = tpu.memref_squeeze %dma_wait3A_569 : memref<1x128xf32, #tpu.memory_space<vmem>> -> memref<128xf32, #tpu.memory_space<vmem>>
      %dma_wait3A_571 = arith.constant 0 : i32
      %dma_wait3A_572 = tpu.memref_slice %arg7[%add3A_483, %dma_wait3A_571] : memref<50x128xi32, #tpu.memory_space<vmem>> -> memref<1x128xi32, #tpu.memory_space<vmem>>
      %dma_wait3A_573 = tpu.memref_squeeze %dma_wait3A_572 : memref<1x128xi32, #tpu.memory_space<vmem>> -> memref<128xi32, #tpu.memory_space<vmem>>
      %dma_wait3A_574 = arith.constant 0 : i32
      %dma_wait3A_575 = tpu.memref_slice %arg2[%dma_wait3A_574] : memref<8388608xf32, #tpu.memory_space<hbm>> -> memref<8388608xf32, #tpu.memory_space<hbm>>
      tpu.wait_indirect_dma semaphore(%arg11 : memref<!tpu.dma_semaphore, #tpu.memory_space<semaphore_mem>>) src(%dma_wait3A_575 : memref<8388608xf32, #tpu.memory_space<hbm>>) dst(%dma_wait3A_570 : memref<128xf32, #tpu.memory_space<vmem>>)
      %dma_wait3A_576 = arith.constant 0 : i32
      %dma_wait3A_577 = tpu.memref_slice %arg8[%add3A_495, %dma_wait3A_576] : memref<50x128xf32, #tpu.memory_space<vmem>> -> memref<1x128xf32, #tpu.memory_space<vmem>>
      %dma_wait3A_578 = tpu.memref_squeeze %dma_wait3A_577 : memref<1x128xf32, #tpu.memory_space<vmem>> -> memref<128xf32, #tpu.memory_space<vmem>>
      %dma_wait3A_579 = arith.constant 0 : i32
      %dma_wait3A_580 = tpu.memref_slice %arg7[%add3A_495, %dma_wait3A_579] : memref<50x128xi32, #tpu.memory_space<vmem>> -> memref<1x128xi32, #tpu.memory_space<vmem>>
      %dma_wait3A_581 = tpu.memref_squeeze %dma_wait3A_580 : memref<1x128xi32, #tpu.memory_space<vmem>> -> memref<128xi32, #tpu.memory_space<vmem>>
      %dma_wait3A_582 = arith.constant 0 : i32
      %dma_wait3A_583 = tpu.memref_slice %arg2[%dma_wait3A_582] : memref<8388608xf32, #tpu.memory_space<hbm>> -> memref<8388608xf32, #tpu.memory_space<hbm>>
      tpu.wait_indirect_dma semaphore(%arg11 : memref<!tpu.dma_semaphore, #tpu.memory_space<semaphore_mem>>) src(%dma_wait3A_583 : memref<8388608xf32, #tpu.memory_space<hbm>>) dst(%dma_wait3A_578 : memref<128xf32, #tpu.memory_space<vmem>>)
    }
    %scan3A_26 = arith.constant 5 : i32
    %dma_wait3A = arith.constant 0 : i32
    %dma_wait3A_27 = arith.constant 0 : i32
    %dma_wait3A_28 = arith.constant 0 : i32
    %dma_wait3A_29 = tpu.memref_slice %arg10[%dma_wait3A_27, %dma_wait3A_28] : memref<2x128xf32, #tpu.memory_space<vmem>> -> memref<1x128xf32, #tpu.memory_space<vmem>>
    %dma_wait3A_30 = tpu.memref_squeeze %dma_wait3A_29 : memref<1x128xf32, #tpu.memory_space<vmem>> -> memref<128xf32, #tpu.memory_space<vmem>>
    %dma_wait3A_31 = arith.constant 0 : i32
    %dma_wait3A_32 = tpu.memref_slice %arg9[%dma_wait3A, %dma_wait3A_31] : memref<2x128xi32, #tpu.memory_space<vmem>> -> memref<1x128xi32, #tpu.memory_space<vmem>>
    %dma_wait3A_33 = tpu.memref_squeeze %dma_wait3A_32 : memref<1x128xi32, #tpu.memory_space<vmem>> -> memref<128xi32, #tpu.memory_space<vmem>>
    %dma_wait3A_34 = arith.constant 0 : i32
    %dma_wait3A_35 = tpu.memref_slice %arg2[%dma_wait3A_34] : memref<8388608xf32, #tpu.memory_space<hbm>> -> memref<8388608xf32, #tpu.memory_space<hbm>>
    tpu.wait_indirect_dma semaphore(%arg11 : memref<!tpu.dma_semaphore, #tpu.memory_space<semaphore_mem>>) src(%dma_wait3A_35 : memref<8388608xf32, #tpu.memory_space<hbm>>) dst(%dma_wait3A_30 : memref<128xf32, #tpu.memory_space<vmem>>)
    %dma_wait3A_36 = arith.constant 1 : i32
    %dma_wait3A_37 = arith.constant 1 : i32
    %dma_wait3A_38 = arith.constant 0 : i32
    %dma_wait3A_39 = tpu.memref_slice %arg10[%dma_wait3A_37, %dma_wait3A_38] : memref<2x128xf32, #tpu.memory_space<vmem>> -> memref<1x128xf32, #tpu.memory_space<vmem>>
    %dma_wait3A_40 = tpu.memref_squeeze %dma_wait3A_39 : memref<1x128xf32, #tpu.memory_space<vmem>> -> memref<128xf32, #tpu.memory_space<vmem>>
    %dma_wait3A_41 = arith.constant 0 : i32
    %dma_wait3A_42 = tpu.memref_slice %arg9[%dma_wait3A_36, %dma_wait3A_41] : memref<2x128xi32, #tpu.memory_space<vmem>> -> memref<1x128xi32, #tpu.memory_space<vmem>>
    %dma_wait3A_43 = tpu.memref_squeeze %dma_wait3A_42 : memref<1x128xi32, #tpu.memory_space<vmem>> -> memref<128xi32, #tpu.memory_space<vmem>>
    %dma_wait3A_44 = arith.constant 0 : i32
    %dma_wait3A_45 = tpu.memref_slice %arg2[%dma_wait3A_44] : memref<8388608xf32, #tpu.memory_space<hbm>> -> memref<8388608xf32, #tpu.memory_space<hbm>>
    tpu.wait_indirect_dma semaphore(%arg11 : memref<!tpu.dma_semaphore, #tpu.memory_space<semaphore_mem>>) src(%dma_wait3A_45 : memref<8388608xf32, #tpu.memory_space<hbm>>) dst(%dma_wait3A_40 : memref<128xf32, #tpu.memory_space<vmem>>)
    %get3A = arith.constant 0 : i32
    %get3A_46 = arith.index_cast %get3A : i32 to index
    %get3A_47 = arith.constant 0 : index
    %get3A_48 = tpu.vector_load %arg10[%get3A_46, %get3A_47] {strides = array<i32>} : memref<2x128xf32, #tpu.memory_space<vmem>>, vector<1x16xf32>,
    %get3A_49 = vector.shape_cast %get3A_48 : vector<1x16xf32> to vector<16xf32>
    %sub3A = arith.constant -3.68887949 : f32
    %sub3A_50 = vector.broadcast %sub3A : f32 to vector<16xf32>
    %sub3A_51 = arith.subf %sub3A_50, %get3A_49 : vector<16xf32>
    %exp3A = math.exp %sub3A_51 : vector<16xf32>
    %add3A_52 = arith.constant 1.000000e+00 : f32
    %add3A_53 = vector.broadcast %add3A_52 : f32 to vector<16xf32>
    %add3A_54 = arith.addf %add3A_53, %exp3A : vector<16xf32>
    %div3A = arith.constant 1.000000e+00 : f32
    %div3A_55 = vector.broadcast %div3A : f32 to vector<16xf32>
    %div3A_56 = arith.divf %div3A_55, %add3A_54 : vector<16xf32>
    %swap3A = arith.constant 0 : i32
    %swap3A_57 = arith.index_cast %swap3A : i32 to index
    %swap3A_58 = arith.constant 0 : index
    %swap3A_59 = tpu.vector_load %arg10[%swap3A_57, %swap3A_58] {strides = array<i32>} : memref<2x128xf32, #tpu.memory_space<vmem>>, vector<1x16xf32>,
    %swap3A_60 = vector.shape_cast %swap3A_59 : vector<1x16xf32> to vector<16xf32>
    %swap3A_61 = vector.shape_cast %div3A_56 : vector<16xf32> to vector<1x16xf32>
    tpu.vector_store %arg10[%swap3A_57, %swap3A_58], %swap3A_61 {strides = array<i32>} : memref<2x128xf32, #tpu.memory_space<vmem>>, vector<1x16xf32>,
    %get3A_62 = arith.constant 0 : i32
    %get3A_63 = arith.index_cast %get3A_62 : i32 to index
    %get3A_64 = arith.constant 16 : index
    %get3A_65 = tpu.vector_load %arg10[%get3A_63, %get3A_64] {strides = array<i32>} : memref<2x128xf32, #tpu.memory_space<vmem>>, vector<1x16xf32>,
    %get3A_66 = vector.shape_cast %get3A_65 : vector<1x16xf32> to vector<16xf32>
    %sub3A_67 = arith.constant -3.68887949 : f32
    %sub3A_68 = vector.broadcast %sub3A_67 : f32 to vector<16xf32>
    %sub3A_69 = arith.subf %sub3A_68, %get3A_66 : vector<16xf32>
    %exp3A_70 = math.exp %sub3A_69 : vector<16xf32>
    %add3A_71 = arith.constant 1.000000e+00 : f32
    %add3A_72 = vector.broadcast %add3A_71 : f32 to vector<16xf32>
    %add3A_73 = arith.addf %add3A_72, %exp3A_70 : vector<16xf32>
    %div3A_74 = arith.constant 1.000000e+00 : f32
    %div3A_75 = vector.broadcast %div3A_74 : f32 to vector<16xf32>
    %div3A_76 = arith.divf %div3A_75, %add3A_73 : vector<16xf32>
    %swap3A_77 = arith.constant 0 : i32
    %swap3A_78 = arith.index_cast %swap3A_77 : i32 to index
    %swap3A_79 = arith.constant 16 : index
    %swap3A_80 = tpu.vector_load %arg10[%swap3A_78, %swap3A_79] {strides = array<i32>} : memref<2x128xf32, #tpu.memory_space<vmem>>, vector<1x16xf32>,
    %swap3A_81 = vector.shape_cast %swap3A_80 : vector<1x16xf32> to vector<16xf32>
    %swap3A_82 = vector.shape_cast %div3A_76 : vector<16xf32> to vector<1x16xf32>
    tpu.vector_store %arg10[%swap3A_78, %swap3A_79], %swap3A_82 {strides = array<i32>} : memref<2x128xf32, #tpu.memory_space<vmem>>, vector<1x16xf32>,
    %get3A_83 = arith.constant 0 : i32
    %get3A_84 = arith.index_cast %get3A_83 : i32 to index
    %get3A_85 = arith.constant 32 : index
    %get3A_86 = tpu.vector_load %arg10[%get3A_84, %get3A_85] {strides = array<i32>} : memref<2x128xf32, #tpu.memory_space<vmem>>, vector<1x16xf32>,
    %get3A_87 = vector.shape_cast %get3A_86 : vector<1x16xf32> to vector<16xf32>
    %sub3A_88 = arith.constant -3.68887949 : f32
    %sub3A_89 = vector.broadcast %sub3A_88 : f32 to vector<16xf32>
    %sub3A_90 = arith.subf %sub3A_89, %get3A_87 : vector<16xf32>
    %exp3A_91 = math.exp %sub3A_90 : vector<16xf32>
    %add3A_92 = arith.constant 1.000000e+00 : f32
    %add3A_93 = vector.broadcast %add3A_92 : f32 to vector<16xf32>
    %add3A_94 = arith.addf %add3A_93, %exp3A_91 : vector<16xf32>
    %div3A_95 = arith.constant 1.000000e+00 : f32
    %div3A_96 = vector.broadcast %div3A_95 : f32 to vector<16xf32>
    %div3A_97 = arith.divf %div3A_96, %add3A_94 : vector<16xf32>
    %swap3A_98 = arith.constant 0 : i32
    %swap3A_99 = arith.index_cast %swap3A_98 : i32 to index
    %swap3A_100 = arith.constant 32 : index
    %swap3A_101 = tpu.vector_load %arg10[%swap3A_99, %swap3A_100] {strides = array<i32>} : memref<2x128xf32, #tpu.memory_space<vmem>>, vector<1x16xf32>,
    %swap3A_102 = vector.shape_cast %swap3A_101 : vector<1x16xf32> to vector<16xf32>
    %swap3A_103 = vector.shape_cast %div3A_97 : vector<16xf32> to vector<1x16xf32>
    tpu.vector_store %arg10[%swap3A_99, %swap3A_100], %swap3A_103 {strides = array<i32>} : memref<2x128xf32, #tpu.memory_space<vmem>>, vector<1x16xf32>,
    %get3A_104 = arith.constant 0 : i32
    %get3A_105 = arith.index_cast %get3A_104 : i32 to index
    %get3A_106 = arith.constant 48 : index
    %get3A_107 = tpu.vector_load %arg10[%get3A_105, %get3A_106] {strides = array<i32>} : memref<2x128xf32, #tpu.memory_space<vmem>>, vector<1x16xf32>,
    %get3A_108 = vector.shape_cast %get3A_107 : vector<1x16xf32> to vector<16xf32>
    %sub3A_109 = arith.constant -3.68887949 : f32
    %sub3A_110 = vector.broadcast %sub3A_109 : f32 to vector<16xf32>
    %sub3A_111 = arith.subf %sub3A_110, %get3A_108 : vector<16xf32>
    %exp3A_112 = math.exp %sub3A_111 : vector<16xf32>
    %add3A_113 = arith.constant 1.000000e+00 : f32
    %add3A_114 = vector.broadcast %add3A_113 : f32 to vector<16xf32>
    %add3A_115 = arith.addf %add3A_114, %exp3A_112 : vector<16xf32>
    %div3A_116 = arith.constant 1.000000e+00 : f32
    %div3A_117 = vector.broadcast %div3A_116 : f32 to vector<16xf32>
    %div3A_118 = arith.divf %div3A_117, %add3A_115 : vector<16xf32>
    %swap3A_119 = arith.constant 0 : i32
    %swap3A_120 = arith.index_cast %swap3A_119 : i32 to index
    %swap3A_121 = arith.constant 48 : index
    %swap3A_122 = tpu.vector_load %arg10[%swap3A_120, %swap3A_121] {strides = array<i32>} : memref<2x128xf32, #tpu.memory_space<vmem>>, vector<1x16xf32>,
    %swap3A_123 = vector.shape_cast %swap3A_122 : vector<1x16xf32> to vector<16xf32>
    %swap3A_124 = vector.shape_cast %div3A_118 : vector<16xf32> to vector<1x16xf32>
    tpu.vector_store %arg10[%swap3A_120, %swap3A_121], %swap3A_124 {strides = array<i32>} : memref<2x128xf32, #tpu.memory_space<vmem>>, vector<1x16xf32>,
    %get3A_125 = arith.constant 0 : i32
    %get3A_126 = arith.index_cast %get3A_125 : i32 to index
    %get3A_127 = arith.constant 64 : index
    %get3A_128 = tpu.vector_load %arg10[%get3A_126, %get3A_127] {strides = array<i32>} : memref<2x128xf32, #tpu.memory_space<vmem>>, vector<1x16xf32>,
    %get3A_129 = vector.shape_cast %get3A_128 : vector<1x16xf32> to vector<16xf32>
    %sub3A_130 = arith.constant -3.68887949 : f32
    %sub3A_131 = vector.broadcast %sub3A_130 : f32 to vector<16xf32>
    %sub3A_132 = arith.subf %sub3A_131, %get3A_129 : vector<16xf32>
    %exp3A_133 = math.exp %sub3A_132 : vector<16xf32>
    %add3A_134 = arith.constant 1.000000e+00 : f32
    %add3A_135 = vector.broadcast %add3A_134 : f32 to vector<16xf32>
    %add3A_136 = arith.addf %add3A_135, %exp3A_133 : vector<16xf32>
    %div3A_137 = arith.constant 1.000000e+00 : f32
    %div3A_138 = vector.broadcast %div3A_137 : f32 to vector<16xf32>
    %div3A_139 = arith.divf %div3A_138, %add3A_136 : vector<16xf32>
    %swap3A_140 = arith.constant 0 : i32
    %swap3A_141 = arith.index_cast %swap3A_140 : i32 to index
    %swap3A_142 = arith.constant 64 : index
    %swap3A_143 = tpu.vector_load %arg10[%swap3A_141, %swap3A_142] {strides = array<i32>} : memref<2x128xf32, #tpu.memory_space<vmem>>, vector<1x16xf32>,
    %swap3A_144 = vector.shape_cast %swap3A_143 : vector<1x16xf32> to vector<16xf32>
    %swap3A_145 = vector.shape_cast %div3A_139 : vector<16xf32> to vector<1x16xf32>
    tpu.vector_store %arg10[%swap3A_141, %swap3A_142], %swap3A_145 {strides = array<i32>} : memref<2x128xf32, #tpu.memory_space<vmem>>, vector<1x16xf32>,
    %get3A_146 = arith.constant 0 : i32
    %get3A_147 = arith.index_cast %get3A_146 : i32 to index
    %get3A_148 = arith.constant 80 : index
    %get3A_149 = tpu.vector_load %arg10[%get3A_147, %get3A_148] {strides = array<i32>} : memref<2x128xf32, #tpu.memory_space<vmem>>, vector<1x16xf32>,
    %get3A_150 = vector.shape_cast %get3A_149 : vector<1x16xf32> to vector<16xf32>
    %sub3A_151 = arith.constant -3.68887949 : f32
    %sub3A_152 = vector.broadcast %sub3A_151 : f32 to vector<16xf32>
    %sub3A_153 = arith.subf %sub3A_152, %get3A_150 : vector<16xf32>
    %exp3A_154 = math.exp %sub3A_153 : vector<16xf32>
    %add3A_155 = arith.constant 1.000000e+00 : f32
    %add3A_156 = vector.broadcast %add3A_155 : f32 to vector<16xf32>
    %add3A_157 = arith.addf %add3A_156, %exp3A_154 : vector<16xf32>
    %div3A_158 = arith.constant 1.000000e+00 : f32
    %div3A_159 = vector.broadcast %div3A_158 : f32 to vector<16xf32>
    %div3A_160 = arith.divf %div3A_159, %add3A_157 : vector<16xf32>
    %swap3A_161 = arith.constant 0 : i32
    %swap3A_162 = arith.index_cast %swap3A_161 : i32 to index
    %swap3A_163 = arith.constant 80 : index
    %swap3A_164 = tpu.vector_load %arg10[%swap3A_162, %swap3A_163] {strides = array<i32>} : memref<2x128xf32, #tpu.memory_space<vmem>>, vector<1x16xf32>,
    %swap3A_165 = vector.shape_cast %swap3A_164 : vector<1x16xf32> to vector<16xf32>
    %swap3A_166 = vector.shape_cast %div3A_160 : vector<16xf32> to vector<1x16xf32>
    tpu.vector_store %arg10[%swap3A_162, %swap3A_163], %swap3A_166 {strides = array<i32>} : memref<2x128xf32, #tpu.memory_space<vmem>>, vector<1x16xf32>,
    %get3A_167 = arith.constant 0 : i32
    %get3A_168 = arith.index_cast %get3A_167 : i32 to index
    %get3A_169 = arith.constant 96 : index
    %get3A_170 = tpu.vector_load %arg10[%get3A_168, %get3A_169] {strides = array<i32>} : memref<2x128xf32, #tpu.memory_space<vmem>>, vector<1x16xf32>,
    %get3A_171 = vector.shape_cast %get3A_170 : vector<1x16xf32> to vector<16xf32>
    %sub3A_172 = arith.constant -3.68887949 : f32
    %sub3A_173 = vector.broadcast %sub3A_172 : f32 to vector<16xf32>
    %sub3A_174 = arith.subf %sub3A_173, %get3A_171 : vector<16xf32>
    %exp3A_175 = math.exp %sub3A_174 : vector<16xf32>
    %add3A_176 = arith.constant 1.000000e+00 : f32
    %add3A_177 = vector.broadcast %add3A_176 : f32 to vector<16xf32>
    %add3A_178 = arith.addf %add3A_177, %exp3A_175 : vector<16xf32>
    %div3A_179 = arith.constant 1.000000e+00 : f32
    %div3A_180 = vector.broadcast %div3A_179 : f32 to vector<16xf32>
    %div3A_181 = arith.divf %div3A_180, %add3A_178 : vector<16xf32>
    %swap3A_182 = arith.constant 0 : i32
    %swap3A_183 = arith.index_cast %swap3A_182 : i32 to index
    %swap3A_184 = arith.constant 96 : index
    %swap3A_185 = tpu.vector_load %arg10[%swap3A_183, %swap3A_184] {strides = array<i32>} : memref<2x128xf32, #tpu.memory_space<vmem>>, vector<1x16xf32>,
    %swap3A_186 = vector.shape_cast %swap3A_185 : vector<1x16xf32> to vector<16xf32>
    %swap3A_187 = vector.shape_cast %div3A_181 : vector<16xf32> to vector<1x16xf32>
    tpu.vector_store %arg10[%swap3A_183, %swap3A_184], %swap3A_187 {strides = array<i32>} : memref<2x128xf32, #tpu.memory_space<vmem>>, vector<1x16xf32>,
    %get3A_188 = arith.constant 0 : i32
    %get3A_189 = arith.index_cast %get3A_188 : i32 to index
    %get3A_190 = arith.constant 112 : index
    %get3A_191 = tpu.vector_load %arg10[%get3A_189, %get3A_190] {strides = array<i32>} : memref<2x128xf32, #tpu.memory_space<vmem>>, vector<1x16xf32>,
    %get3A_192 = vector.shape_cast %get3A_191 : vector<1x16xf32> to vector<16xf32>
    %sub3A_193 = arith.constant -3.68887949 : f32
    %sub3A_194 = vector.broadcast %sub3A_193 : f32 to vector<16xf32>
    %sub3A_195 = arith.subf %sub3A_194, %get3A_192 : vector<16xf32>
    %exp3A_196 = math.exp %sub3A_195 : vector<16xf32>
    %add3A_197 = arith.constant 1.000000e+00 : f32
    %add3A_198 = vector.broadcast %add3A_197 : f32 to vector<16xf32>
    %add3A_199 = arith.addf %add3A_198, %exp3A_196 : vector<16xf32>
    %div3A_200 = arith.constant 1.000000e+00 : f32
    %div3A_201 = vector.broadcast %div3A_200 : f32 to vector<16xf32>
    %div3A_202 = arith.divf %div3A_201, %add3A_199 : vector<16xf32>
    %swap3A_203 = arith.constant 0 : i32
    %swap3A_204 = arith.index_cast %swap3A_203 : i32 to index
    %swap3A_205 = arith.constant 112 : index
    %swap3A_206 = tpu.vector_load %arg10[%swap3A_204, %swap3A_205] {strides = array<i32>} : memref<2x128xf32, #tpu.memory_space<vmem>>, vector<1x16xf32>,
    %swap3A_207 = vector.shape_cast %swap3A_206 : vector<1x16xf32> to vector<16xf32>
    %swap3A_208 = vector.shape_cast %div3A_202 : vector<16xf32> to vector<1x16xf32>
    tpu.vector_store %arg10[%swap3A_204, %swap3A_205], %swap3A_208 {strides = array<i32>} : memref<2x128xf32, #tpu.memory_space<vmem>>, vector<1x16xf32>,
    %get3A_209 = arith.constant 1 : i32
    %get3A_210 = arith.index_cast %get3A_209 : i32 to index
    %get3A_211 = arith.constant 0 : index
    %get3A_212 = tpu.vector_load %arg10[%get3A_210, %get3A_211] {strides = array<i32>} : memref<2x128xf32, #tpu.memory_space<vmem>>, vector<1x16xf32>,
    %get3A_213 = vector.shape_cast %get3A_212 : vector<1x16xf32> to vector<16xf32>
    %sub3A_214 = arith.constant -3.68887949 : f32
    %sub3A_215 = vector.broadcast %sub3A_214 : f32 to vector<16xf32>
    %sub3A_216 = arith.subf %sub3A_215, %get3A_213 : vector<16xf32>
    %exp3A_217 = math.exp %sub3A_216 : vector<16xf32>
    %add3A_218 = arith.constant 1.000000e+00 : f32
    %add3A_219 = vector.broadcast %add3A_218 : f32 to vector<16xf32>
    %add3A_220 = arith.addf %add3A_219, %exp3A_217 : vector<16xf32>
    %div3A_221 = arith.constant 1.000000e+00 : f32
    %div3A_222 = vector.broadcast %div3A_221 : f32 to vector<16xf32>
    %div3A_223 = arith.divf %div3A_222, %add3A_220 : vector<16xf32>
    %swap3A_224 = arith.constant 1 : i32
    %swap3A_225 = arith.index_cast %swap3A_224 : i32 to index
    %swap3A_226 = arith.constant 0 : index
    %swap3A_227 = tpu.vector_load %arg10[%swap3A_225, %swap3A_226] {strides = array<i32>} : memref<2x128xf32, #tpu.memory_space<vmem>>, vector<1x16xf32>,
    %swap3A_228 = vector.shape_cast %swap3A_227 : vector<1x16xf32> to vector<16xf32>
    %swap3A_229 = vector.shape_cast %div3A_223 : vector<16xf32> to vector<1x16xf32>
    tpu.vector_store %arg10[%swap3A_225, %swap3A_226], %swap3A_229 {strides = array<i32>} : memref<2x128xf32, #tpu.memory_space<vmem>>, vector<1x16xf32>,
    %get3A_230 = arith.constant 1 : i32
    %get3A_231 = arith.index_cast %get3A_230 : i32 to index
    %get3A_232 = arith.constant 16 : index
    %get3A_233 = tpu.vector_load %arg10[%get3A_231, %get3A_232] {strides = array<i32>} : memref<2x128xf32, #tpu.memory_space<vmem>>, vector<1x16xf32>,
    %get3A_234 = vector.shape_cast %get3A_233 : vector<1x16xf32> to vector<16xf32>
    %sub3A_235 = arith.constant -3.68887949 : f32
    %sub3A_236 = vector.broadcast %sub3A_235 : f32 to vector<16xf32>
    %sub3A_237 = arith.subf %sub3A_236, %get3A_234 : vector<16xf32>
    %exp3A_238 = math.exp %sub3A_237 : vector<16xf32>
    %add3A_239 = arith.constant 1.000000e+00 : f32
    %add3A_240 = vector.broadcast %add3A_239 : f32 to vector<16xf32>
    %add3A_241 = arith.addf %add3A_240, %exp3A_238 : vector<16xf32>
    %div3A_242 = arith.constant 1.000000e+00 : f32
    %div3A_243 = vector.broadcast %div3A_242 : f32 to vector<16xf32>
    %div3A_244 = arith.divf %div3A_243, %add3A_241 : vector<16xf32>
    %swap3A_245 = arith.constant 1 : i32
    %swap3A_246 = arith.index_cast %swap3A_245 : i32 to index
    %swap3A_247 = arith.constant 16 : index
    %swap3A_248 = tpu.vector_load %arg10[%swap3A_246, %swap3A_247] {strides = array<i32>} : memref<2x128xf32, #tpu.memory_space<vmem>>, vector<1x16xf32>,
    %swap3A_249 = vector.shape_cast %swap3A_248 : vector<1x16xf32> to vector<16xf32>
    %swap3A_250 = vector.shape_cast %div3A_244 : vector<16xf32> to vector<1x16xf32>
    tpu.vector_store %arg10[%swap3A_246, %swap3A_247], %swap3A_250 {strides = array<i32>} : memref<2x128xf32, #tpu.memory_space<vmem>>, vector<1x16xf32>,
    %get3A_251 = arith.constant 1 : i32
    %get3A_252 = arith.index_cast %get3A_251 : i32 to index
    %get3A_253 = arith.constant 32 : index
    %get3A_254 = tpu.vector_load %arg10[%get3A_252, %get3A_253] {strides = array<i32>} : memref<2x128xf32, #tpu.memory_space<vmem>>, vector<1x16xf32>,
    %get3A_255 = vector.shape_cast %get3A_254 : vector<1x16xf32> to vector<16xf32>
    %sub3A_256 = arith.constant -3.68887949 : f32
    %sub3A_257 = vector.broadcast %sub3A_256 : f32 to vector<16xf32>
    %sub3A_258 = arith.subf %sub3A_257, %get3A_255 : vector<16xf32>
    %exp3A_259 = math.exp %sub3A_258 : vector<16xf32>
    %add3A_260 = arith.constant 1.000000e+00 : f32
    %add3A_261 = vector.broadcast %add3A_260 : f32 to vector<16xf32>
    %add3A_262 = arith.addf %add3A_261, %exp3A_259 : vector<16xf32>
    %div3A_263 = arith.constant 1.000000e+00 : f32
    %div3A_264 = vector.broadcast %div3A_263 : f32 to vector<16xf32>
    %div3A_265 = arith.divf %div3A_264, %add3A_262 : vector<16xf32>
    %swap3A_266 = arith.constant 1 : i32
    %swap3A_267 = arith.index_cast %swap3A_266 : i32 to index
    %swap3A_268 = arith.constant 32 : index
    %swap3A_269 = tpu.vector_load %arg10[%swap3A_267, %swap3A_268] {strides = array<i32>} : memref<2x128xf32, #tpu.memory_space<vmem>>, vector<1x16xf32>,
    %swap3A_270 = vector.shape_cast %swap3A_269 : vector<1x16xf32> to vector<16xf32>
    %swap3A_271 = vector.shape_cast %div3A_265 : vector<16xf32> to vector<1x16xf32>
    tpu.vector_store %arg10[%swap3A_267, %swap3A_268], %swap3A_271 {strides = array<i32>} : memref<2x128xf32, #tpu.memory_space<vmem>>, vector<1x16xf32>,
    %get3A_272 = arith.constant 1 : i32
    %get3A_273 = arith.index_cast %get3A_272 : i32 to index
    %get3A_274 = arith.constant 48 : index
    %get3A_275 = tpu.vector_load %arg10[%get3A_273, %get3A_274] {strides = array<i32>} : memref<2x128xf32, #tpu.memory_space<vmem>>, vector<1x16xf32>,
    %get3A_276 = vector.shape_cast %get3A_275 : vector<1x16xf32> to vector<16xf32>
    %sub3A_277 = arith.constant -3.68887949 : f32
    %sub3A_278 = vector.broadcast %sub3A_277 : f32 to vector<16xf32>
    %sub3A_279 = arith.subf %sub3A_278, %get3A_276 : vector<16xf32>
    %exp3A_280 = math.exp %sub3A_279 : vector<16xf32>
    %add3A_281 = arith.constant 1.000000e+00 : f32
    %add3A_282 = vector.broadcast %add3A_281 : f32 to vector<16xf32>
    %add3A_283 = arith.addf %add3A_282, %exp3A_280 : vector<16xf32>
    %div3A_284 = arith.constant 1.000000e+00 : f32
    %div3A_285 = vector.broadcast %div3A_284 : f32 to vector<16xf32>
    %div3A_286 = arith.divf %div3A_285, %add3A_283 : vector<16xf32>
    %swap3A_287 = arith.constant 1 : i32
    %swap3A_288 = arith.index_cast %swap3A_287 : i32 to index
    %swap3A_289 = arith.constant 48 : index
    %swap3A_290 = tpu.vector_load %arg10[%swap3A_288, %swap3A_289] {strides = array<i32>} : memref<2x128xf32, #tpu.memory_space<vmem>>, vector<1x16xf32>,
    %swap3A_291 = vector.shape_cast %swap3A_290 : vector<1x16xf32> to vector<16xf32>
    %swap3A_292 = vector.shape_cast %div3A_286 : vector<16xf32> to vector<1x16xf32>
    tpu.vector_store %arg10[%swap3A_288, %swap3A_289], %swap3A_292 {strides = array<i32>} : memref<2x128xf32, #tpu.memory_space<vmem>>, vector<1x16xf32>,
    %get3A_293 = arith.constant 1 : i32
    %get3A_294 = arith.index_cast %get3A_293 : i32 to index
    %get3A_295 = arith.constant 64 : index
    %get3A_296 = tpu.vector_load %arg10[%get3A_294, %get3A_295] {strides = array<i32>} : memref<2x128xf32, #tpu.memory_space<vmem>>, vector<1x16xf32>,
    %get3A_297 = vector.shape_cast %get3A_296 : vector<1x16xf32> to vector<16xf32>
    %sub3A_298 = arith.constant -3.68887949 : f32
    %sub3A_299 = vector.broadcast %sub3A_298 : f32 to vector<16xf32>
    %sub3A_300 = arith.subf %sub3A_299, %get3A_297 : vector<16xf32>
    %exp3A_301 = math.exp %sub3A_300 : vector<16xf32>
    %add3A_302 = arith.constant 1.000000e+00 : f32
    %add3A_303 = vector.broadcast %add3A_302 : f32 to vector<16xf32>
    %add3A_304 = arith.addf %add3A_303, %exp3A_301 : vector<16xf32>
    %div3A_305 = arith.constant 1.000000e+00 : f32
    %div3A_306 = vector.broadcast %div3A_305 : f32 to vector<16xf32>
    %div3A_307 = arith.divf %div3A_306, %add3A_304 : vector<16xf32>
    %swap3A_308 = arith.constant 1 : i32
    %swap3A_309 = arith.index_cast %swap3A_308 : i32 to index
    %swap3A_310 = arith.constant 64 : index
    %swap3A_311 = tpu.vector_load %arg10[%swap3A_309, %swap3A_310] {strides = array<i32>} : memref<2x128xf32, #tpu.memory_space<vmem>>, vector<1x16xf32>,
    %swap3A_312 = vector.shape_cast %swap3A_311 : vector<1x16xf32> to vector<16xf32>
    %swap3A_313 = vector.shape_cast %div3A_307 : vector<16xf32> to vector<1x16xf32>
    tpu.vector_store %arg10[%swap3A_309, %swap3A_310], %swap3A_313 {strides = array<i32>} : memref<2x128xf32, #tpu.memory_space<vmem>>, vector<1x16xf32>,
    %get3A_314 = arith.constant 1 : i32
    %get3A_315 = arith.index_cast %get3A_314 : i32 to index
    %get3A_316 = arith.constant 80 : index
    %get3A_317 = tpu.vector_load %arg10[%get3A_315, %get3A_316] {strides = array<i32>} : memref<2x128xf32, #tpu.memory_space<vmem>>, vector<1x16xf32>,
    %get3A_318 = vector.shape_cast %get3A_317 : vector<1x16xf32> to vector<16xf32>
    %sub3A_319 = arith.constant -3.68887949 : f32
    %sub3A_320 = vector.broadcast %sub3A_319 : f32 to vector<16xf32>
    %sub3A_321 = arith.subf %sub3A_320, %get3A_318 : vector<16xf32>
    %exp3A_322 = math.exp %sub3A_321 : vector<16xf32>
    %add3A_323 = arith.constant 1.000000e+00 : f32
    %add3A_324 = vector.broadcast %add3A_323 : f32 to vector<16xf32>
    %add3A_325 = arith.addf %add3A_324, %exp3A_322 : vector<16xf32>
    %div3A_326 = arith.constant 1.000000e+00 : f32
    %div3A_327 = vector.broadcast %div3A_326 : f32 to vector<16xf32>
    %div3A_328 = arith.divf %div3A_327, %add3A_325 : vector<16xf32>
    %swap3A_329 = arith.constant 1 : i32
    %swap3A_330 = arith.index_cast %swap3A_329 : i32 to index
    %swap3A_331 = arith.constant 80 : index
    %swap3A_332 = tpu.vector_load %arg10[%swap3A_330, %swap3A_331] {strides = array<i32>} : memref<2x128xf32, #tpu.memory_space<vmem>>, vector<1x16xf32>,
    %swap3A_333 = vector.shape_cast %swap3A_332 : vector<1x16xf32> to vector<16xf32>
    %swap3A_334 = vector.shape_cast %div3A_328 : vector<16xf32> to vector<1x16xf32>
    tpu.vector_store %arg10[%swap3A_330, %swap3A_331], %swap3A_334 {strides = array<i32>} : memref<2x128xf32, #tpu.memory_space<vmem>>, vector<1x16xf32>,
    %get3A_335 = arith.constant 1 : i32
    %get3A_336 = arith.index_cast %get3A_335 : i32 to index
    %get3A_337 = arith.constant 96 : index
    %get3A_338 = tpu.vector_load %arg10[%get3A_336, %get3A_337] {strides = array<i32>} : memref<2x128xf32, #tpu.memory_space<vmem>>, vector<1x16xf32>,
    %get3A_339 = vector.shape_cast %get3A_338 : vector<1x16xf32> to vector<16xf32>
    %sub3A_340 = arith.constant -3.68887949 : f32
    %sub3A_341 = vector.broadcast %sub3A_340 : f32 to vector<16xf32>
    %sub3A_342 = arith.subf %sub3A_341, %get3A_339 : vector<16xf32>
    %exp3A_343 = math.exp %sub3A_342 : vector<16xf32>
    %add3A_344 = arith.constant 1.000000e+00 : f32
    %add3A_345 = vector.broadcast %add3A_344 : f32 to vector<16xf32>
    %add3A_346 = arith.addf %add3A_345, %exp3A_343 : vector<16xf32>
    %div3A_347 = arith.constant 1.000000e+00 : f32
    %div3A_348 = vector.broadcast %div3A_347 : f32 to vector<16xf32>
    %div3A_349 = arith.divf %div3A_348, %add3A_346 : vector<16xf32>
    %swap3A_350 = arith.constant 1 : i32
    %swap3A_351 = arith.index_cast %swap3A_350 : i32 to index
    %swap3A_352 = arith.constant 96 : index
    %swap3A_353 = tpu.vector_load %arg10[%swap3A_351, %swap3A_352] {strides = array<i32>} : memref<2x128xf32, #tpu.memory_space<vmem>>, vector<1x16xf32>,
    %swap3A_354 = vector.shape_cast %swap3A_353 : vector<1x16xf32> to vector<16xf32>
    %swap3A_355 = vector.shape_cast %div3A_349 : vector<16xf32> to vector<1x16xf32>
    tpu.vector_store %arg10[%swap3A_351, %swap3A_352], %swap3A_355 {strides = array<i32>} : memref<2x128xf32, #tpu.memory_space<vmem>>, vector<1x16xf32>,
    %get3A_356 = arith.constant 1 : i32
    %get3A_357 = arith.index_cast %get3A_356 : i32 to index
    %get3A_358 = arith.constant 112 : index
    %get3A_359 = tpu.vector_load %arg10[%get3A_357, %get3A_358] {strides = array<i32>} : memref<2x128xf32, #tpu.memory_space<vmem>>, vector<1x16xf32>,
    %get3A_360 = vector.shape_cast %get3A_359 : vector<1x16xf32> to vector<16xf32>
    %sub3A_361 = arith.constant -3.68887949 : f32
    %sub3A_362 = vector.broadcast %sub3A_361 : f32 to vector<16xf32>
    %sub3A_363 = arith.subf %sub3A_362, %get3A_360 : vector<16xf32>
    %exp3A_364 = math.exp %sub3A_363 : vector<16xf32>
    %add3A_365 = arith.constant 1.000000e+00 : f32
    %add3A_366 = vector.broadcast %add3A_365 : f32 to vector<16xf32>
    %add3A_367 = arith.addf %add3A_366, %exp3A_364 : vector<16xf32>
    %div3A_368 = arith.constant 1.000000e+00 : f32
    %div3A_369 = vector.broadcast %div3A_368 : f32 to vector<16xf32>
    %div3A_370 = arith.divf %div3A_369, %add3A_367 : vector<16xf32>
    %swap3A_371 = arith.constant 1 : i32
    %swap3A_372 = arith.index_cast %swap3A_371 : i32 to index
    %swap3A_373 = arith.constant 112 : index
    %swap3A_374 = tpu.vector_load %arg10[%swap3A_372, %swap3A_373] {strides = array<i32>} : memref<2x128xf32, #tpu.memory_space<vmem>>, vector<1x16xf32>,
    %swap3A_375 = vector.shape_cast %swap3A_374 : vector<1x16xf32> to vector<16xf32>
    %swap3A_376 = vector.shape_cast %div3A_370 : vector<16xf32> to vector<1x16xf32>
    tpu.vector_store %arg10[%swap3A_372, %swap3A_373], %swap3A_376 {strides = array<i32>} : memref<2x128xf32, #tpu.memory_space<vmem>>, vector<1x16xf32>,
    %scan3A_377 = arith.constant 0 : i32
    %scan3A_378 = arith.constant 0 : i32
    %scan3A_379 = arith.constant 50 : i32
    %scan3A_380 = arith.addi %scan3A_378, %scan3A_379 : i32
    %scan3A_381 = arith.constant 1 : i32
    scf.for %scan3A_383 = %scan3A_378 to %scan3A_380 step %scan3A_381  : i32 {
      %get3A_384 = arith.index_cast %scan3A_383 : i32 to index
      %get3A_385 = arith.constant 0 : index
      %get3A_386 = tpu.vector_load %arg8[%get3A_384, %get3A_385] {strides = array<i32>} : memref<50x128xf32, #tpu.memory_space<vmem>>, vector<1x16xf32>,
      %get3A_387 = vector.shape_cast %get3A_386 : vector<1x16xf32> to vector<16xf32>
      %sub3A_388 = arith.constant -3.68887949 : f32
      %sub3A_389 = vector.broadcast %sub3A_388 : f32 to vector<16xf32>
      %sub3A_390 = arith.subf %sub3A_389, %get3A_387 : vector<16xf32>
      %exp3A_391 = math.exp %sub3A_390 : vector<16xf32>
      %add3A_392 = arith.constant 1.000000e+00 : f32
      %add3A_393 = vector.broadcast %add3A_392 : f32 to vector<16xf32>
      %add3A_394 = arith.addf %add3A_393, %exp3A_391 : vector<16xf32>
      %div3A_395 = arith.constant 1.000000e+00 : f32
      %div3A_396 = vector.broadcast %div3A_395 : f32 to vector<16xf32>
      %div3A_397 = arith.divf %div3A_396, %add3A_394 : vector<16xf32>
      %swap3A_398 = arith.index_cast %scan3A_383 : i32 to index
      %swap3A_399 = arith.constant 0 : index
      %swap3A_400 = tpu.vector_load %arg8[%swap3A_398, %swap3A_399] {strides = array<i32>} : memref<50x128xf32, #tpu.memory_space<vmem>>, vector<1x16xf32>,
      %swap3A_401 = vector.shape_cast %swap3A_400 : vector<1x16xf32> to vector<16xf32>
      %swap3A_402 = vector.shape_cast %div3A_397 : vector<16xf32> to vector<1x16xf32>
      tpu.vector_store %arg8[%swap3A_398, %swap3A_399], %swap3A_402 {strides = array<i32>} : memref<50x128xf32, #tpu.memory_space<vmem>>, vector<1x16xf32>,
      %get3A_403 = arith.index_cast %scan3A_383 : i32 to index
      %get3A_404 = arith.constant 16 : index
      %get3A_405 = tpu.vector_load %arg8[%get3A_403, %get3A_404] {strides = array<i32>} : memref<50x128xf32, #tpu.memory_space<vmem>>, vector<1x16xf32>,
      %get3A_406 = vector.shape_cast %get3A_405 : vector<1x16xf32> to vector<16xf32>
      %sub3A_407 = arith.constant -3.68887949 : f32
      %sub3A_408 = vector.broadcast %sub3A_407 : f32 to vector<16xf32>
      %sub3A_409 = arith.subf %sub3A_408, %get3A_406 : vector<16xf32>
      %exp3A_410 = math.exp %sub3A_409 : vector<16xf32>
      %add3A_411 = arith.constant 1.000000e+00 : f32
      %add3A_412 = vector.broadcast %add3A_411 : f32 to vector<16xf32>
      %add3A_413 = arith.addf %add3A_412, %exp3A_410 : vector<16xf32>
      %div3A_414 = arith.constant 1.000000e+00 : f32
      %div3A_415 = vector.broadcast %div3A_414 : f32 to vector<16xf32>
      %div3A_416 = arith.divf %div3A_415, %add3A_413 : vector<16xf32>
      %swap3A_417 = arith.index_cast %scan3A_383 : i32 to index
      %swap3A_418 = arith.constant 16 : index
      %swap3A_419 = tpu.vector_load %arg8[%swap3A_417, %swap3A_418] {strides = array<i32>} : memref<50x128xf32, #tpu.memory_space<vmem>>, vector<1x16xf32>,
      %swap3A_420 = vector.shape_cast %swap3A_419 : vector<1x16xf32> to vector<16xf32>
      %swap3A_421 = vector.shape_cast %div3A_416 : vector<16xf32> to vector<1x16xf32>
      tpu.vector_store %arg8[%swap3A_417, %swap3A_418], %swap3A_421 {strides = array<i32>} : memref<50x128xf32, #tpu.memory_space<vmem>>, vector<1x16xf32>,
      %get3A_422 = arith.index_cast %scan3A_383 : i32 to index
      %get3A_423 = arith.constant 32 : index
      %get3A_424 = tpu.vector_load %arg8[%get3A_422, %get3A_423] {strides = array<i32>} : memref<50x128xf32, #tpu.memory_space<vmem>>, vector<1x16xf32>,
      %get3A_425 = vector.shape_cast %get3A_424 : vector<1x16xf32> to vector<16xf32>
      %sub3A_426 = arith.constant -3.68887949 : f32
      %sub3A_427 = vector.broadcast %sub3A_426 : f32 to vector<16xf32>
      %sub3A_428 = arith.subf %sub3A_427, %get3A_425 : vector<16xf32>
      %exp3A_429 = math.exp %sub3A_428 : vector<16xf32>
      %add3A_430 = arith.constant 1.000000e+00 : f32
      %add3A_431 = vector.broadcast %add3A_430 : f32 to vector<16xf32>
      %add3A_432 = arith.addf %add3A_431, %exp3A_429 : vector<16xf32>
      %div3A_433 = arith.constant 1.000000e+00 : f32
      %div3A_434 = vector.broadcast %div3A_433 : f32 to vector<16xf32>
      %div3A_435 = arith.divf %div3A_434, %add3A_432 : vector<16xf32>
      %swap3A_436 = arith.index_cast %scan3A_383 : i32 to index
      %swap3A_437 = arith.constant 32 : index
      %swap3A_438 = tpu.vector_load %arg8[%swap3A_436, %swap3A_437] {strides = array<i32>} : memref<50x128xf32, #tpu.memory_space<vmem>>, vector<1x16xf32>,
      %swap3A_439 = vector.shape_cast %swap3A_438 : vector<1x16xf32> to vector<16xf32>
      %swap3A_440 = vector.shape_cast %div3A_435 : vector<16xf32> to vector<1x16xf32>
      tpu.vector_store %arg8[%swap3A_436, %swap3A_437], %swap3A_440 {strides = array<i32>} : memref<50x128xf32, #tpu.memory_space<vmem>>, vector<1x16xf32>,
      %get3A_441 = arith.index_cast %scan3A_383 : i32 to index
      %get3A_442 = arith.constant 48 : index
      %get3A_443 = tpu.vector_load %arg8[%get3A_441, %get3A_442] {strides = array<i32>} : memref<50x128xf32, #tpu.memory_space<vmem>>, vector<1x16xf32>,
      %get3A_444 = vector.shape_cast %get3A_443 : vector<1x16xf32> to vector<16xf32>
      %sub3A_445 = arith.constant -3.68887949 : f32
      %sub3A_446 = vector.broadcast %sub3A_445 : f32 to vector<16xf32>
      %sub3A_447 = arith.subf %sub3A_446, %get3A_444 : vector<16xf32>
      %exp3A_448 = math.exp %sub3A_447 : vector<16xf32>
      %add3A_449 = arith.constant 1.000000e+00 : f32
      %add3A_450 = vector.broadcast %add3A_449 : f32 to vector<16xf32>
      %add3A_451 = arith.addf %add3A_450, %exp3A_448 : vector<16xf32>
      %div3A_452 = arith.constant 1.000000e+00 : f32
      %div3A_453 = vector.broadcast %div3A_452 : f32 to vector<16xf32>
      %div3A_454 = arith.divf %div3A_453, %add3A_451 : vector<16xf32>
      %swap3A_455 = arith.index_cast %scan3A_383 : i32 to index
      %swap3A_456 = arith.constant 48 : index
      %swap3A_457 = tpu.vector_load %arg8[%swap3A_455, %swap3A_456] {strides = array<i32>} : memref<50x128xf32, #tpu.memory_space<vmem>>, vector<1x16xf32>,
      %swap3A_458 = vector.shape_cast %swap3A_457 : vector<1x16xf32> to vector<16xf32>
      %swap3A_459 = vector.shape_cast %div3A_454 : vector<16xf32> to vector<1x16xf32>
      tpu.vector_store %arg8[%swap3A_455, %swap3A_456], %swap3A_459 {strides = array<i32>} : memref<50x128xf32, #tpu.memory_space<vmem>>, vector<1x16xf32>,
      %get3A_460 = arith.index_cast %scan3A_383 : i32 to index
      %get3A_461 = arith.constant 64 : index
      %get3A_462 = tpu.vector_load %arg8[%get3A_460, %get3A_461] {strides = array<i32>} : memref<50x128xf32, #tpu.memory_space<vmem>>, vector<1x16xf32>,
      %get3A_463 = vector.shape_cast %get3A_462 : vector<1x16xf32> to vector<16xf32>
      %sub3A_464 = arith.constant -3.68887949 : f32
      %sub3A_465 = vector.broadcast %sub3A_464 : f32 to vector<16xf32>
      %sub3A_466 = arith.subf %sub3A_465, %get3A_463 : vector<16xf32>
      %exp3A_467 = math.exp %sub3A_466 : vector<16xf32>
      %add3A_468 = arith.constant 1.000000e+00 : f32
      %add3A_469 = vector.broadcast %add3A_468 : f32 to vector<16xf32>
      %add3A_470 = arith.addf %add3A_469, %exp3A_467 : vector<16xf32>
      %div3A_471 = arith.constant 1.000000e+00 : f32
      %div3A_472 = vector.broadcast %div3A_471 : f32 to vector<16xf32>
      %div3A_473 = arith.divf %div3A_472, %add3A_470 : vector<16xf32>
      %swap3A_474 = arith.index_cast %scan3A_383 : i32 to index
      %swap3A_475 = arith.constant 64 : index
      %swap3A_476 = tpu.vector_load %arg8[%swap3A_474, %swap3A_475] {strides = array<i32>} : memref<50x128xf32, #tpu.memory_space<vmem>>, vector<1x16xf32>,
      %swap3A_477 = vector.shape_cast %swap3A_476 : vector<1x16xf32> to vector<16xf32>
      %swap3A_478 = vector.shape_cast %div3A_473 : vector<16xf32> to vector<1x16xf32>
      tpu.vector_store %arg8[%swap3A_474, %swap3A_475], %swap3A_478 {strides = array<i32>} : memref<50x128xf32, #tpu.memory_space<vmem>>, vector<1x16xf32>,
      %get3A_479 = arith.index_cast %scan3A_383 : i32 to index
      %get3A_480 = arith.constant 80 : index
      %get3A_481 = tpu.vector_load %arg8[%get3A_479, %get3A_480] {strides = array<i32>} : memref<50x128xf32, #tpu.memory_space<vmem>>, vector<1x16xf32>,
      %get3A_482 = vector.shape_cast %get3A_481 : vector<1x16xf32> to vector<16xf32>
      %sub3A_483 = arith.constant -3.68887949 : f32
      %sub3A_484 = vector.broadcast %sub3A_483 : f32 to vector<16xf32>
      %sub3A_485 = arith.subf %sub3A_484, %get3A_482 : vector<16xf32>
      %exp3A_486 = math.exp %sub3A_485 : vector<16xf32>
      %add3A_487 = arith.constant 1.000000e+00 : f32
      %add3A_488 = vector.broadcast %add3A_487 : f32 to vector<16xf32>
      %add3A_489 = arith.addf %add3A_488, %exp3A_486 : vector<16xf32>
      %div3A_490 = arith.constant 1.000000e+00 : f32
      %div3A_491 = vector.broadcast %div3A_490 : f32 to vector<16xf32>
      %div3A_492 = arith.divf %div3A_491, %add3A_489 : vector<16xf32>
      %swap3A_493 = arith.index_cast %scan3A_383 : i32 to index
      %swap3A_494 = arith.constant 80 : index
      %swap3A_495 = tpu.vector_load %arg8[%swap3A_493, %swap3A_494] {strides = array<i32>} : memref<50x128xf32, #tpu.memory_space<vmem>>, vector<1x16xf32>,
      %swap3A_496 = vector.shape_cast %swap3A_495 : vector<1x16xf32> to vector<16xf32>
      %swap3A_497 = vector.shape_cast %div3A_492 : vector<16xf32> to vector<1x16xf32>
      tpu.vector_store %arg8[%swap3A_493, %swap3A_494], %swap3A_497 {strides = array<i32>} : memref<50x128xf32, #tpu.memory_space<vmem>>, vector<1x16xf32>,
      %get3A_498 = arith.index_cast %scan3A_383 : i32 to index
      %get3A_499 = arith.constant 96 : index
      %get3A_500 = tpu.vector_load %arg8[%get3A_498, %get3A_499] {strides = array<i32>} : memref<50x128xf32, #tpu.memory_space<vmem>>, vector<1x16xf32>,
      %get3A_501 = vector.shape_cast %get3A_500 : vector<1x16xf32> to vector<16xf32>
      %sub3A_502 = arith.constant -3.68887949 : f32
      %sub3A_503 = vector.broadcast %sub3A_502 : f32 to vector<16xf32>
      %sub3A_504 = arith.subf %sub3A_503, %get3A_501 : vector<16xf32>
      %exp3A_505 = math.exp %sub3A_504 : vector<16xf32>
      %add3A_506 = arith.constant 1.000000e+00 : f32
      %add3A_507 = vector.broadcast %add3A_506 : f32 to vector<16xf32>
      %add3A_508 = arith.addf %add3A_507, %exp3A_505 : vector<16xf32>
      %div3A_509 = arith.constant 1.000000e+00 : f32
      %div3A_510 = vector.broadcast %div3A_509 : f32 to vector<16xf32>
      %div3A_511 = arith.divf %div3A_510, %add3A_508 : vector<16xf32>
      %swap3A_512 = arith.index_cast %scan3A_383 : i32 to index
      %swap3A_513 = arith.constant 96 : index
      %swap3A_514 = tpu.vector_load %arg8[%swap3A_512, %swap3A_513] {strides = array<i32>} : memref<50x128xf32, #tpu.memory_space<vmem>>, vector<1x16xf32>,
      %swap3A_515 = vector.shape_cast %swap3A_514 : vector<1x16xf32> to vector<16xf32>
      %swap3A_516 = vector.shape_cast %div3A_511 : vector<16xf32> to vector<1x16xf32>
      tpu.vector_store %arg8[%swap3A_512, %swap3A_513], %swap3A_516 {strides = array<i32>} : memref<50x128xf32, #tpu.memory_space<vmem>>, vector<1x16xf32>,
      %get3A_517 = arith.index_cast %scan3A_383 : i32 to index
      %get3A_518 = arith.constant 112 : index
      %get3A_519 = tpu.vector_load %arg8[%get3A_517, %get3A_518] {strides = array<i32>} : memref<50x128xf32, #tpu.memory_space<vmem>>, vector<1x16xf32>,
      %get3A_520 = vector.shape_cast %get3A_519 : vector<1x16xf32> to vector<16xf32>
      %sub3A_521 = arith.constant -3.68887949 : f32
      %sub3A_522 = vector.broadcast %sub3A_521 : f32 to vector<16xf32>
      %sub3A_523 = arith.subf %sub3A_522, %get3A_520 : vector<16xf32>
      %exp3A_524 = math.exp %sub3A_523 : vector<16xf32>
      %add3A_525 = arith.constant 1.000000e+00 : f32
      %add3A_526 = vector.broadcast %add3A_525 : f32 to vector<16xf32>
      %add3A_527 = arith.addf %add3A_526, %exp3A_524 : vector<16xf32>
      %div3A_528 = arith.constant 1.000000e+00 : f32
      %div3A_529 = vector.broadcast %div3A_528 : f32 to vector<16xf32>
      %div3A_530 = arith.divf %div3A_529, %add3A_527 : vector<16xf32>
      %swap3A_531 = arith.index_cast %scan3A_383 : i32 to index
      %swap3A_532 = arith.constant 112 : index
      %swap3A_533 = tpu.vector_load %arg8[%swap3A_531, %swap3A_532] {strides = array<i32>} : memref<50x128xf32, #tpu.memory_space<vmem>>, vector<1x16xf32>,
      %swap3A_534 = vector.shape_cast %swap3A_533 : vector<1x16xf32> to vector<16xf32>
      %swap3A_535 = vector.shape_cast %div3A_530 : vector<16xf32> to vector<1x16xf32>
      tpu.vector_store %arg8[%swap3A_531, %swap3A_532], %swap3A_535 {strides = array<i32>} : memref<50x128xf32, #tpu.memory_space<vmem>>, vector<1x16xf32>,
    }
    %scan3A_382 = arith.constant 50 : i32
    "tpu.region"() ({
      %run_scoped3A = tpu.sem_alloc : memref<!tpu.dma_semaphore, #tpu.memory_space<semaphore_mem>>
      %dma_start3A_383 = arith.constant 0 : i32
      %dma_start3A_384 = arith.constant 0 : i32
      %dma_start3A_385 = tpu.memref_slice %arg5[%add3A, %dma_start3A_383, %dma_start3A_384] : memref<32x50x128xf32, #tpu.memory_space<hbm>> -> memref<1x50x128xf32, #tpu.memory_space<hbm>>
      %dma_start3A_386 = tpu.memref_squeeze %dma_start3A_385 : memref<1x50x128xf32, #tpu.memory_space<hbm>> -> memref<50x128xf32, #tpu.memory_space<hbm>>
      %dma_start3A_387 = arith.constant 0 : i32
      %dma_start3A_388 = arith.constant 0 : i32
      %dma_start3A_389 = tpu.memref_slice %arg5[%add3A, %dma_start3A_387, %dma_start3A_388] : memref<32x50x128xf32, #tpu.memory_space<hbm>> -> memref<1x50x128xf32, #tpu.memory_space<hbm>>
      %dma_start3A_390 = tpu.memref_squeeze %dma_start3A_389 : memref<1x50x128xf32, #tpu.memory_space<hbm>> -> memref<50x128xf32, #tpu.memory_space<hbm>>
      tpu.enqueue_dma source(%arg8 : memref<50x128xf32, #tpu.memory_space<vmem>>) target(%dma_start3A_390 : memref<50x128xf32, #tpu.memory_space<hbm>>) target_semaphore(%run_scoped3A : memref<!tpu.dma_semaphore, #tpu.memory_space<semaphore_mem>>)
      %dma_wait3A_391 = arith.constant 0 : i32
      %dma_wait3A_392 = arith.constant 0 : i32
      %dma_wait3A_393 = tpu.memref_slice %arg5[%add3A, %dma_wait3A_391, %dma_wait3A_392] : memref<32x50x128xf32, #tpu.memory_space<hbm>> -> memref<1x50x128xf32, #tpu.memory_space<hbm>>
      %dma_wait3A_394 = tpu.memref_squeeze %dma_wait3A_393 : memref<1x50x128xf32, #tpu.memory_space<hbm>> -> memref<50x128xf32, #tpu.memory_space<hbm>>
      %dma_wait3A_395 = arith.constant 0 : i32
      %dma_wait3A_396 = arith.constant 0 : i32
      %dma_wait3A_397 = tpu.memref_slice %arg5[%add3A, %dma_wait3A_395, %dma_wait3A_396] : memref<32x50x128xf32, #tpu.memory_space<hbm>> -> memref<1x50x128xf32, #tpu.memory_space<hbm>>
      %dma_wait3A_398 = tpu.memref_squeeze %dma_wait3A_397 : memref<1x50x128xf32, #tpu.memory_space<hbm>> -> memref<50x128xf32, #tpu.memory_space<hbm>>
      tpu.wait_dma2 semaphore(%run_scoped3A : memref<!tpu.dma_semaphore, #tpu.memory_space<semaphore_mem>>) src(%arg8 : memref<50x128xf32, #tpu.memory_space<vmem>>) dst(%dma_wait3A_398 : memref<50x128xf32, #tpu.memory_space<hbm>>)
      tpu.yield
    }) : () -> ()
    "tpu.region"() ({
      %run_scoped3A = tpu.sem_alloc : memref<!tpu.dma_semaphore, #tpu.memory_space<semaphore_mem>>
      %dma_start3A_383 = arith.constant 0 : i32
      %dma_start3A_384 = arith.constant 0 : i32
      %dma_start3A_385 = tpu.memref_slice %arg6[%add3A, %dma_start3A_383, %dma_start3A_384] : memref<32x2x128xf32, #tpu.memory_space<hbm>> -> memref<1x2x128xf32, #tpu.memory_space<hbm>>
      %dma_start3A_386 = tpu.memref_squeeze %dma_start3A_385 : memref<1x2x128xf32, #tpu.memory_space<hbm>> -> memref<2x128xf32, #tpu.memory_space<hbm>>
      %dma_start3A_387 = arith.constant 0 : i32
      %dma_start3A_388 = arith.constant 0 : i32
      %dma_start3A_389 = tpu.memref_slice %arg6[%add3A, %dma_start3A_387, %dma_start3A_388] : memref<32x2x128xf32, #tpu.memory_space<hbm>> -> memref<1x2x128xf32, #tpu.memory_space<hbm>>
      %dma_start3A_390 = tpu.memref_squeeze %dma_start3A_389 : memref<1x2x128xf32, #tpu.memory_space<hbm>> -> memref<2x128xf32, #tpu.memory_space<hbm>>
      tpu.enqueue_dma source(%arg10 : memref<2x128xf32, #tpu.memory_space<vmem>>) target(%dma_start3A_390 : memref<2x128xf32, #tpu.memory_space<hbm>>) target_semaphore(%run_scoped3A : memref<!tpu.dma_semaphore, #tpu.memory_space<semaphore_mem>>)
      %dma_wait3A_391 = arith.constant 0 : i32
      %dma_wait3A_392 = arith.constant 0 : i32
      %dma_wait3A_393 = tpu.memref_slice %arg6[%add3A, %dma_wait3A_391, %dma_wait3A_392] : memref<32x2x128xf32, #tpu.memory_space<hbm>> -> memref<1x2x128xf32, #tpu.memory_space<hbm>>
      %dma_wait3A_394 = tpu.memref_squeeze %dma_wait3A_393 : memref<1x2x128xf32, #tpu.memory_space<hbm>> -> memref<2x128xf32, #tpu.memory_space<hbm>>
      %dma_wait3A_395 = arith.constant 0 : i32
      %dma_wait3A_396 = arith.constant 0 : i32
      %dma_wait3A_397 = tpu.memref_slice %arg6[%add3A, %dma_wait3A_395, %dma_wait3A_396] : memref<32x2x128xf32, #tpu.memory_space<hbm>> -> memref<1x2x128xf32, #tpu.memory_space<hbm>>
      %dma_wait3A_398 = tpu.memref_squeeze %dma_wait3A_397 : memref<1x2x128xf32, #tpu.memory_space<hbm>> -> memref<2x128xf32, #tpu.memory_space<hbm>>
      tpu.wait_dma2 semaphore(%run_scoped3A : memref<!tpu.dma_semaphore, #tpu.memory_space<semaphore_mem>>) src(%arg10 : memref<2x128xf32, #tpu.memory_space<vmem>>) dst(%dma_wait3A_398 : memref<2x128xf32, #tpu.memory_space<hbm>>)
      tpu.yield
    }) : () -> ()
    return
  }
}

#map = affine_map<(d0, d1) -> (0)>
#map1 = affine_map<(d0, d1) -> (0, 0, 0)>
#map2 = affine_map<(d0, d1) -> (0, 0)>
module attributes {stable_mosaic.version = 14 : i64} {
  func.func @_sc_body(%arg0: i32, %arg1: i32, %arg2: memref<8388608xf32, #tpu.memory_space<hbm>>, %arg3: memref<32x50x128xi32, #tpu.memory_space<hbm>>, %arg4: memref<64x128xi32, #tpu.memory_space<hbm>>, %arg5: memref<32x50x128xf32, #tpu.memory_space<hbm>>, %arg6: memref<32x2x128xf32, #tpu.memory_space<hbm>>, %arg7: memref<50x128xi32, #tpu.memory_space<vmem>>, %arg8: memref<50x128xf32, #tpu.memory_space<vmem>>, %arg9: memref<2x128xi32, #tpu.memory_space<vmem>>, %arg10: memref<2x128xf32, #tpu.memory_space<vmem>>, %arg11: memref<!tpu.dma_semaphore, #tpu.memory_space<semaphore_mem>>) attributes {dimension_semantics = [#tpu.dimension_semantics<core_parallel>, #tpu.dimension_semantics<subcore_parallel>], iteration_bounds = array<i64: 2, 16>, scalar_prefetch = 0 : i64, scratch_operands = 5 : i64, tpu.core_type = #tpu.core_type<sc_vector_subcore>, window_params = [{transform_indices = #map}, {transform_indices = #map1}, {transform_indices = #map2}, {transform_indices = #map1}, {transform_indices = #map1}]} {
    %mul3A = arith.constant 2 : i32
    %mul3A_0 = arith.muli %arg1, %mul3A : i32
    %add3A = arith.addi %mul3A_0, %arg0 : i32
    "tpu.region"() ({
      %run_scoped3A = tpu.sem_alloc : memref<!tpu.dma_semaphore, #tpu.memory_space<semaphore_mem>>
      %dma_start3A_383 = arith.constant 0 : i32
      %dma_start3A_384 = arith.constant 0 : i32
      %dma_start3A_385 = tpu.memref_slice %arg3[%add3A, %dma_start3A_383, %dma_start3A_384] : memref<32x50x128xi32, #tpu.memory_space<hbm>> -> memref<1x50x128xi32, #tpu.memory_space<hbm>>
      %dma_start3A_386 = tpu.memref_squeeze %dma_start3A_385 : memref<1x50x128xi32, #tpu.memory_space<hbm>> -> memref<50x128xi32, #tpu.memory_space<hbm>>
      %dma_start3A_387 = arith.constant 0 : i32
      %dma_start3A_388 = arith.constant 0 : i32
      %dma_start3A_389 = tpu.memref_slice %arg3[%add3A, %dma_start3A_387, %dma_start3A_388] : memref<32x50x128xi32, #tpu.memory_space<hbm>> -> memref<1x50x128xi32, #tpu.memory_space<hbm>>
      %dma_start3A_390 = tpu.memref_squeeze %dma_start3A_389 : memref<1x50x128xi32, #tpu.memory_space<hbm>> -> memref<50x128xi32, #tpu.memory_space<hbm>>
      tpu.enqueue_dma source(%dma_start3A_390 : memref<50x128xi32, #tpu.memory_space<hbm>>) target(%arg7 : memref<50x128xi32, #tpu.memory_space<vmem>>) target_semaphore(%run_scoped3A : memref<!tpu.dma_semaphore, #tpu.memory_space<semaphore_mem>>)
      %dma_wait3A_391 = arith.constant 0 : i32
      %dma_wait3A_392 = arith.constant 0 : i32
      %dma_wait3A_393 = tpu.memref_slice %arg3[%add3A, %dma_wait3A_391, %dma_wait3A_392] : memref<32x50x128xi32, #tpu.memory_space<hbm>> -> memref<1x50x128xi32, #tpu.memory_space<hbm>>
      %dma_wait3A_394 = tpu.memref_squeeze %dma_wait3A_393 : memref<1x50x128xi32, #tpu.memory_space<hbm>> -> memref<50x128xi32, #tpu.memory_space<hbm>>
      %dma_wait3A_395 = arith.constant 0 : i32
      %dma_wait3A_396 = arith.constant 0 : i32
      %dma_wait3A_397 = tpu.memref_slice %arg3[%add3A, %dma_wait3A_395, %dma_wait3A_396] : memref<32x50x128xi32, #tpu.memory_space<hbm>> -> memref<1x50x128xi32, #tpu.memory_space<hbm>>
      %dma_wait3A_398 = tpu.memref_squeeze %dma_wait3A_397 : memref<1x50x128xi32, #tpu.memory_space<hbm>> -> memref<50x128xi32, #tpu.memory_space<hbm>>
      tpu.wait_dma2 semaphore(%run_scoped3A : memref<!tpu.dma_semaphore, #tpu.memory_space<semaphore_mem>>) src(%dma_wait3A_398 : memref<50x128xi32, #tpu.memory_space<hbm>>) dst(%arg7 : memref<50x128xi32, #tpu.memory_space<vmem>>)
      tpu.yield
    }) : () -> ()
    %mul3A_1 = arith.constant 2 : i32
    %mul3A_2 = arith.muli %add3A, %mul3A_1 : i32
    "tpu.region"() ({
      %run_scoped3A = tpu.sem_alloc : memref<!tpu.dma_semaphore, #tpu.memory_space<semaphore_mem>>
      %dma_start3A_383 = arith.constant 0 : i32
      %dma_start3A_384 = tpu.memref_slice %arg4[%mul3A_2, %dma_start3A_383] : memref<64x128xi32, #tpu.memory_space<hbm>> -> memref<2x128xi32, #tpu.memory_space<hbm>>
      %dma_start3A_385 = arith.constant 0 : i32
      %dma_start3A_386 = tpu.memref_slice %arg4[%mul3A_2, %dma_start3A_385] : memref<64x128xi32, #tpu.memory_space<hbm>> -> memref<2x128xi32, #tpu.memory_space<hbm>>
      tpu.enqueue_dma source(%dma_start3A_386 : memref<2x128xi32, #tpu.memory_space<hbm>>) target(%arg9 : memref<2x128xi32, #tpu.memory_space<vmem>>) target_semaphore(%run_scoped3A : memref<!tpu.dma_semaphore, #tpu.memory_space<semaphore_mem>>)
      %dma_wait3A_387 = arith.constant 0 : i32
      %dma_wait3A_388 = tpu.memref_slice %arg4[%mul3A_2, %dma_wait3A_387] : memref<64x128xi32, #tpu.memory_space<hbm>> -> memref<2x128xi32, #tpu.memory_space<hbm>>
      %dma_wait3A_389 = arith.constant 0 : i32
      %dma_wait3A_390 = tpu.memref_slice %arg4[%mul3A_2, %dma_wait3A_389] : memref<64x128xi32, #tpu.memory_space<hbm>> -> memref<2x128xi32, #tpu.memory_space<hbm>>
      tpu.wait_dma2 semaphore(%run_scoped3A : memref<!tpu.dma_semaphore, #tpu.memory_space<semaphore_mem>>) src(%dma_wait3A_390 : memref<2x128xi32, #tpu.memory_space<hbm>>) dst(%arg9 : memref<2x128xi32, #tpu.memory_space<vmem>>)
      tpu.yield
    }) : () -> ()
    %dma_start3A = arith.constant 0 : i32
    %dma_start3A_3 = arith.constant 0 : i32
    %dma_start3A_4 = arith.constant 0 : i32
    %dma_start3A_5 = tpu.memref_slice %arg10[%dma_start3A_3, %dma_start3A_4] : memref<2x128xf32, #tpu.memory_space<vmem>> -> memref<1x128xf32, #tpu.memory_space<vmem>>
    %dma_start3A_6 = tpu.memref_squeeze %dma_start3A_5 : memref<1x128xf32, #tpu.memory_space<vmem>> -> memref<128xf32, #tpu.memory_space<vmem>>
    %dma_start3A_7 = arith.constant 0 : i32
    %dma_start3A_8 = tpu.memref_slice %arg9[%dma_start3A, %dma_start3A_7] : memref<2x128xi32, #tpu.memory_space<vmem>> -> memref<1x128xi32, #tpu.memory_space<vmem>>
    %dma_start3A_9 = tpu.memref_squeeze %dma_start3A_8 : memref<1x128xi32, #tpu.memory_space<vmem>> -> memref<128xi32, #tpu.memory_space<vmem>>
    %dma_start3A_10 = arith.constant 0 : i32
    %dma_start3A_11 = tpu.memref_slice %arg2[%dma_start3A_10] : memref<8388608xf32, #tpu.memory_space<hbm>> -> memref<8388608xf32, #tpu.memory_space<hbm>>
    tpu.enqueue_indirect_dma source(%dma_start3A_11 : memref<8388608xf32, #tpu.memory_space<hbm>>) target(%dma_start3A_6 : memref<128xf32, #tpu.memory_space<vmem>>) offsets(%dma_start3A_9 : memref<128xi32, #tpu.memory_space<vmem>>) semaphore(%arg11 : memref<!tpu.dma_semaphore, #tpu.memory_space<semaphore_mem>>)
    %dma_start3A_12 = arith.constant 1 : i32
    %dma_start3A_13 = arith.constant 1 : i32
    %dma_start3A_14 = arith.constant 0 : i32
    %dma_start3A_15 = tpu.memref_slice %arg10[%dma_start3A_13, %dma_start3A_14] : memref<2x128xf32, #tpu.memory_space<vmem>> -> memref<1x128xf32, #tpu.memory_space<vmem>>
    %dma_start3A_16 = tpu.memref_squeeze %dma_start3A_15 : memref<1x128xf32, #tpu.memory_space<vmem>> -> memref<128xf32, #tpu.memory_space<vmem>>
    %dma_start3A_17 = arith.constant 0 : i32
    %dma_start3A_18 = tpu.memref_slice %arg9[%dma_start3A_12, %dma_start3A_17] : memref<2x128xi32, #tpu.memory_space<vmem>> -> memref<1x128xi32, #tpu.memory_space<vmem>>
    %dma_start3A_19 = tpu.memref_squeeze %dma_start3A_18 : memref<1x128xi32, #tpu.memory_space<vmem>> -> memref<128xi32, #tpu.memory_space<vmem>>
    %dma_start3A_20 = arith.constant 0 : i32
    %dma_start3A_21 = tpu.memref_slice %arg2[%dma_start3A_20] : memref<8388608xf32, #tpu.memory_space<hbm>> -> memref<8388608xf32, #tpu.memory_space<hbm>>
    tpu.enqueue_indirect_dma source(%dma_start3A_21 : memref<8388608xf32, #tpu.memory_space<hbm>>) target(%dma_start3A_16 : memref<128xf32, #tpu.memory_space<vmem>>) offsets(%dma_start3A_19 : memref<128xi32, #tpu.memory_space<vmem>>) semaphore(%arg11 : memref<!tpu.dma_semaphore, #tpu.memory_space<semaphore_mem>>)
    %scan3A = arith.constant 0 : i32
    %scan3A_22 = arith.constant 0 : i32
    %scan3A_23 = arith.constant 5 : i32
    %scan3A_24 = arith.addi %scan3A_22, %scan3A_23 : i32
    %scan3A_25 = arith.constant 1 : i32
    scf.for %scan3A_383 = %scan3A_22 to %scan3A_24 step %scan3A_25  : i32 {
      %mul3A_384 = arith.constant 10 : i32
      %mul3A_385 = arith.muli %scan3A_383, %mul3A_384 : i32
      %add3A_386 = arith.constant 0 : i32
      %add3A_387 = arith.addi %mul3A_385, %add3A_386 : i32
      %dma_start3A_388 = arith.constant 0 : i32
      %dma_start3A_389 = tpu.memref_slice %arg8[%add3A_387, %dma_start3A_388] : memref<50x128xf32, #tpu.memory_space<vmem>> -> memref<1x128xf32, #tpu.memory_space<vmem>>
      %dma_start3A_390 = tpu.memref_squeeze %dma_start3A_389 : memref<1x128xf32, #tpu.memory_space<vmem>> -> memref<128xf32, #tpu.memory_space<vmem>>
      %dma_start3A_391 = arith.constant 0 : i32
      %dma_start3A_392 = tpu.memref_slice %arg7[%add3A_387, %dma_start3A_391] : memref<50x128xi32, #tpu.memory_space<vmem>> -> memref<1x128xi32, #tpu.memory_space<vmem>>
      %dma_start3A_393 = tpu.memref_squeeze %dma_start3A_392 : memref<1x128xi32, #tpu.memory_space<vmem>> -> memref<128xi32, #tpu.memory_space<vmem>>
      %dma_start3A_394 = arith.constant 0 : i32
      %dma_start3A_395 = tpu.memref_slice %arg2[%dma_start3A_394] : memref<8388608xf32, #tpu.memory_space<hbm>> -> memref<8388608xf32, #tpu.memory_space<hbm>>
      tpu.enqueue_indirect_dma source(%dma_start3A_395 : memref<8388608xf32, #tpu.memory_space<hbm>>) target(%dma_start3A_390 : memref<128xf32, #tpu.memory_space<vmem>>) offsets(%dma_start3A_393 : memref<128xi32, #tpu.memory_space<vmem>>) semaphore(%arg11 : memref<!tpu.dma_semaphore, #tpu.memory_space<semaphore_mem>>)
      %mul3A_396 = arith.constant 10 : i32
      %mul3A_397 = arith.muli %scan3A_383, %mul3A_396 : i32
      %add3A_398 = arith.constant 1 : i32
      %add3A_399 = arith.addi %mul3A_397, %add3A_398 : i32
      %dma_start3A_400 = arith.constant 0 : i32
      %dma_start3A_401 = tpu.memref_slice %arg8[%add3A_399, %dma_start3A_400] : memref<50x128xf32, #tpu.memory_space<vmem>> -> memref<1x128xf32, #tpu.memory_space<vmem>>
      %dma_start3A_402 = tpu.memref_squeeze %dma_start3A_401 : memref<1x128xf32, #tpu.memory_space<vmem>> -> memref<128xf32, #tpu.memory_space<vmem>>
      %dma_start3A_403 = arith.constant 0 : i32
      %dma_start3A_404 = tpu.memref_slice %arg7[%add3A_399, %dma_start3A_403] : memref<50x128xi32, #tpu.memory_space<vmem>> -> memref<1x128xi32, #tpu.memory_space<vmem>>
      %dma_start3A_405 = tpu.memref_squeeze %dma_start3A_404 : memref<1x128xi32, #tpu.memory_space<vmem>> -> memref<128xi32, #tpu.memory_space<vmem>>
      %dma_start3A_406 = arith.constant 0 : i32
      %dma_start3A_407 = tpu.memref_slice %arg2[%dma_start3A_406] : memref<8388608xf32, #tpu.memory_space<hbm>> -> memref<8388608xf32, #tpu.memory_space<hbm>>
      tpu.enqueue_indirect_dma source(%dma_start3A_407 : memref<8388608xf32, #tpu.memory_space<hbm>>) target(%dma_start3A_402 : memref<128xf32, #tpu.memory_space<vmem>>) offsets(%dma_start3A_405 : memref<128xi32, #tpu.memory_space<vmem>>) semaphore(%arg11 : memref<!tpu.dma_semaphore, #tpu.memory_space<semaphore_mem>>)
      %mul3A_408 = arith.constant 10 : i32
      %mul3A_409 = arith.muli %scan3A_383, %mul3A_408 : i32
      %add3A_410 = arith.constant 2 : i32
      %add3A_411 = arith.addi %mul3A_409, %add3A_410 : i32
      %dma_start3A_412 = arith.constant 0 : i32
      %dma_start3A_413 = tpu.memref_slice %arg8[%add3A_411, %dma_start3A_412] : memref<50x128xf32, #tpu.memory_space<vmem>> -> memref<1x128xf32, #tpu.memory_space<vmem>>
      %dma_start3A_414 = tpu.memref_squeeze %dma_start3A_413 : memref<1x128xf32, #tpu.memory_space<vmem>> -> memref<128xf32, #tpu.memory_space<vmem>>
      %dma_start3A_415 = arith.constant 0 : i32
      %dma_start3A_416 = tpu.memref_slice %arg7[%add3A_411, %dma_start3A_415] : memref<50x128xi32, #tpu.memory_space<vmem>> -> memref<1x128xi32, #tpu.memory_space<vmem>>
      %dma_start3A_417 = tpu.memref_squeeze %dma_start3A_416 : memref<1x128xi32, #tpu.memory_space<vmem>> -> memref<128xi32, #tpu.memory_space<vmem>>
      %dma_start3A_418 = arith.constant 0 : i32
      %dma_start3A_419 = tpu.memref_slice %arg2[%dma_start3A_418] : memref<8388608xf32, #tpu.memory_space<hbm>> -> memref<8388608xf32, #tpu.memory_space<hbm>>
      tpu.enqueue_indirect_dma source(%dma_start3A_419 : memref<8388608xf32, #tpu.memory_space<hbm>>) target(%dma_start3A_414 : memref<128xf32, #tpu.memory_space<vmem>>) offsets(%dma_start3A_417 : memref<128xi32, #tpu.memory_space<vmem>>) semaphore(%arg11 : memref<!tpu.dma_semaphore, #tpu.memory_space<semaphore_mem>>)
      %mul3A_420 = arith.constant 10 : i32
      %mul3A_421 = arith.muli %scan3A_383, %mul3A_420 : i32
      %add3A_422 = arith.constant 3 : i32
      %add3A_423 = arith.addi %mul3A_421, %add3A_422 : i32
      %dma_start3A_424 = arith.constant 0 : i32
      %dma_start3A_425 = tpu.memref_slice %arg8[%add3A_423, %dma_start3A_424] : memref<50x128xf32, #tpu.memory_space<vmem>> -> memref<1x128xf32, #tpu.memory_space<vmem>>
      %dma_start3A_426 = tpu.memref_squeeze %dma_start3A_425 : memref<1x128xf32, #tpu.memory_space<vmem>> -> memref<128xf32, #tpu.memory_space<vmem>>
      %dma_start3A_427 = arith.constant 0 : i32
      %dma_start3A_428 = tpu.memref_slice %arg7[%add3A_423, %dma_start3A_427] : memref<50x128xi32, #tpu.memory_space<vmem>> -> memref<1x128xi32, #tpu.memory_space<vmem>>
      %dma_start3A_429 = tpu.memref_squeeze %dma_start3A_428 : memref<1x128xi32, #tpu.memory_space<vmem>> -> memref<128xi32, #tpu.memory_space<vmem>>
      %dma_start3A_430 = arith.constant 0 : i32
      %dma_start3A_431 = tpu.memref_slice %arg2[%dma_start3A_430] : memref<8388608xf32, #tpu.memory_space<hbm>> -> memref<8388608xf32, #tpu.memory_space<hbm>>
      tpu.enqueue_indirect_dma source(%dma_start3A_431 : memref<8388608xf32, #tpu.memory_space<hbm>>) target(%dma_start3A_426 : memref<128xf32, #tpu.memory_space<vmem>>) offsets(%dma_start3A_429 : memref<128xi32, #tpu.memory_space<vmem>>) semaphore(%arg11 : memref<!tpu.dma_semaphore, #tpu.memory_space<semaphore_mem>>)
      %mul3A_432 = arith.constant 10 : i32
      %mul3A_433 = arith.muli %scan3A_383, %mul3A_432 : i32
      %add3A_434 = arith.constant 4 : i32
      %add3A_435 = arith.addi %mul3A_433, %add3A_434 : i32
      %dma_start3A_436 = arith.constant 0 : i32
      %dma_start3A_437 = tpu.memref_slice %arg8[%add3A_435, %dma_start3A_436] : memref<50x128xf32, #tpu.memory_space<vmem>> -> memref<1x128xf32, #tpu.memory_space<vmem>>
      %dma_start3A_438 = tpu.memref_squeeze %dma_start3A_437 : memref<1x128xf32, #tpu.memory_space<vmem>> -> memref<128xf32, #tpu.memory_space<vmem>>
      %dma_start3A_439 = arith.constant 0 : i32
      %dma_start3A_440 = tpu.memref_slice %arg7[%add3A_435, %dma_start3A_439] : memref<50x128xi32, #tpu.memory_space<vmem>> -> memref<1x128xi32, #tpu.memory_space<vmem>>
      %dma_start3A_441 = tpu.memref_squeeze %dma_start3A_440 : memref<1x128xi32, #tpu.memory_space<vmem>> -> memref<128xi32, #tpu.memory_space<vmem>>
      %dma_start3A_442 = arith.constant 0 : i32
      %dma_start3A_443 = tpu.memref_slice %arg2[%dma_start3A_442] : memref<8388608xf32, #tpu.memory_space<hbm>> -> memref<8388608xf32, #tpu.memory_space<hbm>>
      tpu.enqueue_indirect_dma source(%dma_start3A_443 : memref<8388608xf32, #tpu.memory_space<hbm>>) target(%dma_start3A_438 : memref<128xf32, #tpu.memory_space<vmem>>) offsets(%dma_start3A_441 : memref<128xi32, #tpu.memory_space<vmem>>) semaphore(%arg11 : memref<!tpu.dma_semaphore, #tpu.memory_space<semaphore_mem>>)
      %mul3A_444 = arith.constant 10 : i32
      %mul3A_445 = arith.muli %scan3A_383, %mul3A_444 : i32
      %add3A_446 = arith.constant 5 : i32
      %add3A_447 = arith.addi %mul3A_445, %add3A_446 : i32
      %dma_start3A_448 = arith.constant 0 : i32
      %dma_start3A_449 = tpu.memref_slice %arg8[%add3A_447, %dma_start3A_448] : memref<50x128xf32, #tpu.memory_space<vmem>> -> memref<1x128xf32, #tpu.memory_space<vmem>>
      %dma_start3A_450 = tpu.memref_squeeze %dma_start3A_449 : memref<1x128xf32, #tpu.memory_space<vmem>> -> memref<128xf32, #tpu.memory_space<vmem>>
      %dma_start3A_451 = arith.constant 0 : i32
      %dma_start3A_452 = tpu.memref_slice %arg7[%add3A_447, %dma_start3A_451] : memref<50x128xi32, #tpu.memory_space<vmem>> -> memref<1x128xi32, #tpu.memory_space<vmem>>
      %dma_start3A_453 = tpu.memref_squeeze %dma_start3A_452 : memref<1x128xi32, #tpu.memory_space<vmem>> -> memref<128xi32, #tpu.memory_space<vmem>>
      %dma_start3A_454 = arith.constant 0 : i32
      %dma_start3A_455 = tpu.memref_slice %arg2[%dma_start3A_454] : memref<8388608xf32, #tpu.memory_space<hbm>> -> memref<8388608xf32, #tpu.memory_space<hbm>>
      tpu.enqueue_indirect_dma source(%dma_start3A_455 : memref<8388608xf32, #tpu.memory_space<hbm>>) target(%dma_start3A_450 : memref<128xf32, #tpu.memory_space<vmem>>) offsets(%dma_start3A_453 : memref<128xi32, #tpu.memory_space<vmem>>) semaphore(%arg11 : memref<!tpu.dma_semaphore, #tpu.memory_space<semaphore_mem>>)
      %mul3A_456 = arith.constant 10 : i32
      %mul3A_457 = arith.muli %scan3A_383, %mul3A_456 : i32
      %add3A_458 = arith.constant 6 : i32
      %add3A_459 = arith.addi %mul3A_457, %add3A_458 : i32
      %dma_start3A_460 = arith.constant 0 : i32
      %dma_start3A_461 = tpu.memref_slice %arg8[%add3A_459, %dma_start3A_460] : memref<50x128xf32, #tpu.memory_space<vmem>> -> memref<1x128xf32, #tpu.memory_space<vmem>>
      %dma_start3A_462 = tpu.memref_squeeze %dma_start3A_461 : memref<1x128xf32, #tpu.memory_space<vmem>> -> memref<128xf32, #tpu.memory_space<vmem>>
      %dma_start3A_463 = arith.constant 0 : i32
      %dma_start3A_464 = tpu.memref_slice %arg7[%add3A_459, %dma_start3A_463] : memref<50x128xi32, #tpu.memory_space<vmem>> -> memref<1x128xi32, #tpu.memory_space<vmem>>
      %dma_start3A_465 = tpu.memref_squeeze %dma_start3A_464 : memref<1x128xi32, #tpu.memory_space<vmem>> -> memref<128xi32, #tpu.memory_space<vmem>>
      %dma_start3A_466 = arith.constant 0 : i32
      %dma_start3A_467 = tpu.memref_slice %arg2[%dma_start3A_466] : memref<8388608xf32, #tpu.memory_space<hbm>> -> memref<8388608xf32, #tpu.memory_space<hbm>>
      tpu.enqueue_indirect_dma source(%dma_start3A_467 : memref<8388608xf32, #tpu.memory_space<hbm>>) target(%dma_start3A_462 : memref<128xf32, #tpu.memory_space<vmem>>) offsets(%dma_start3A_465 : memref<128xi32, #tpu.memory_space<vmem>>) semaphore(%arg11 : memref<!tpu.dma_semaphore, #tpu.memory_space<semaphore_mem>>)
      %mul3A_468 = arith.constant 10 : i32
      %mul3A_469 = arith.muli %scan3A_383, %mul3A_468 : i32
      %add3A_470 = arith.constant 7 : i32
      %add3A_471 = arith.addi %mul3A_469, %add3A_470 : i32
      %dma_start3A_472 = arith.constant 0 : i32
      %dma_start3A_473 = tpu.memref_slice %arg8[%add3A_471, %dma_start3A_472] : memref<50x128xf32, #tpu.memory_space<vmem>> -> memref<1x128xf32, #tpu.memory_space<vmem>>
      %dma_start3A_474 = tpu.memref_squeeze %dma_start3A_473 : memref<1x128xf32, #tpu.memory_space<vmem>> -> memref<128xf32, #tpu.memory_space<vmem>>
      %dma_start3A_475 = arith.constant 0 : i32
      %dma_start3A_476 = tpu.memref_slice %arg7[%add3A_471, %dma_start3A_475] : memref<50x128xi32, #tpu.memory_space<vmem>> -> memref<1x128xi32, #tpu.memory_space<vmem>>
      %dma_start3A_477 = tpu.memref_squeeze %dma_start3A_476 : memref<1x128xi32, #tpu.memory_space<vmem>> -> memref<128xi32, #tpu.memory_space<vmem>>
      %dma_start3A_478 = arith.constant 0 : i32
      %dma_start3A_479 = tpu.memref_slice %arg2[%dma_start3A_478] : memref<8388608xf32, #tpu.memory_space<hbm>> -> memref<8388608xf32, #tpu.memory_space<hbm>>
      tpu.enqueue_indirect_dma source(%dma_start3A_479 : memref<8388608xf32, #tpu.memory_space<hbm>>) target(%dma_start3A_474 : memref<128xf32, #tpu.memory_space<vmem>>) offsets(%dma_start3A_477 : memref<128xi32, #tpu.memory_space<vmem>>) semaphore(%arg11 : memref<!tpu.dma_semaphore, #tpu.memory_space<semaphore_mem>>)
      %mul3A_480 = arith.constant 10 : i32
      %mul3A_481 = arith.muli %scan3A_383, %mul3A_480 : i32
      %add3A_482 = arith.constant 8 : i32
      %add3A_483 = arith.addi %mul3A_481, %add3A_482 : i32
      %dma_start3A_484 = arith.constant 0 : i32
      %dma_start3A_485 = tpu.memref_slice %arg8[%add3A_483, %dma_start3A_484] : memref<50x128xf32, #tpu.memory_space<vmem>> -> memref<1x128xf32, #tpu.memory_space<vmem>>
      %dma_start3A_486 = tpu.memref_squeeze %dma_start3A_485 : memref<1x128xf32, #tpu.memory_space<vmem>> -> memref<128xf32, #tpu.memory_space<vmem>>
      %dma_start3A_487 = arith.constant 0 : i32
      %dma_start3A_488 = tpu.memref_slice %arg7[%add3A_483, %dma_start3A_487] : memref<50x128xi32, #tpu.memory_space<vmem>> -> memref<1x128xi32, #tpu.memory_space<vmem>>
      %dma_start3A_489 = tpu.memref_squeeze %dma_start3A_488 : memref<1x128xi32, #tpu.memory_space<vmem>> -> memref<128xi32, #tpu.memory_space<vmem>>
      %dma_start3A_490 = arith.constant 0 : i32
      %dma_start3A_491 = tpu.memref_slice %arg2[%dma_start3A_490] : memref<8388608xf32, #tpu.memory_space<hbm>> -> memref<8388608xf32, #tpu.memory_space<hbm>>
      tpu.enqueue_indirect_dma source(%dma_start3A_491 : memref<8388608xf32, #tpu.memory_space<hbm>>) target(%dma_start3A_486 : memref<128xf32, #tpu.memory_space<vmem>>) offsets(%dma_start3A_489 : memref<128xi32, #tpu.memory_space<vmem>>) semaphore(%arg11 : memref<!tpu.dma_semaphore, #tpu.memory_space<semaphore_mem>>)
      %mul3A_492 = arith.constant 10 : i32
      %mul3A_493 = arith.muli %scan3A_383, %mul3A_492 : i32
      %add3A_494 = arith.constant 9 : i32
      %add3A_495 = arith.addi %mul3A_493, %add3A_494 : i32
      %dma_start3A_496 = arith.constant 0 : i32
      %dma_start3A_497 = tpu.memref_slice %arg8[%add3A_495, %dma_start3A_496] : memref<50x128xf32, #tpu.memory_space<vmem>> -> memref<1x128xf32, #tpu.memory_space<vmem>>
      %dma_start3A_498 = tpu.memref_squeeze %dma_start3A_497 : memref<1x128xf32, #tpu.memory_space<vmem>> -> memref<128xf32, #tpu.memory_space<vmem>>
      %dma_start3A_499 = arith.constant 0 : i32
      %dma_start3A_500 = tpu.memref_slice %arg7[%add3A_495, %dma_start3A_499] : memref<50x128xi32, #tpu.memory_space<vmem>> -> memref<1x128xi32, #tpu.memory_space<vmem>>
      %dma_start3A_501 = tpu.memref_squeeze %dma_start3A_500 : memref<1x128xi32, #tpu.memory_space<vmem>> -> memref<128xi32, #tpu.memory_space<vmem>>
      %dma_start3A_502 = arith.constant 0 : i32
      %dma_start3A_503 = tpu.memref_slice %arg2[%dma_start3A_502] : memref<8388608xf32, #tpu.memory_space<hbm>> -> memref<8388608xf32, #tpu.memory_space<hbm>>
      tpu.enqueue_indirect_dma source(%dma_start3A_503 : memref<8388608xf32, #tpu.memory_space<hbm>>) target(%dma_start3A_498 : memref<128xf32, #tpu.memory_space<vmem>>) offsets(%dma_start3A_501 : memref<128xi32, #tpu.memory_space<vmem>>) semaphore(%arg11 : memref<!tpu.dma_semaphore, #tpu.memory_space<semaphore_mem>>)
      %dma_wait3A_504 = arith.constant 0 : i32
      %dma_wait3A_505 = tpu.memref_slice %arg8[%add3A_387, %dma_wait3A_504] : memref<50x128xf32, #tpu.memory_space<vmem>> -> memref<1x128xf32, #tpu.memory_space<vmem>>
      %dma_wait3A_506 = tpu.memref_squeeze %dma_wait3A_505 : memref<1x128xf32, #tpu.memory_space<vmem>> -> memref<128xf32, #tpu.memory_space<vmem>>
      %dma_wait3A_507 = arith.constant 0 : i32
      %dma_wait3A_508 = tpu.memref_slice %arg7[%add3A_387, %dma_wait3A_507] : memref<50x128xi32, #tpu.memory_space<vmem>> -> memref<1x128xi32, #tpu.memory_space<vmem>>
      %dma_wait3A_509 = tpu.memref_squeeze %dma_wait3A_508 : memref<1x128xi32, #tpu.memory_space<vmem>> -> memref<128xi32, #tpu.memory_space<vmem>>
      %dma_wait3A_510 = arith.constant 0 : i32
      %dma_wait3A_511 = tpu.memref_slice %arg2[%dma_wait3A_510] : memref<8388608xf32, #tpu.memory_space<hbm>> -> memref<8388608xf32, #tpu.memory_space<hbm>>
      tpu.wait_indirect_dma semaphore(%arg11 : memref<!tpu.dma_semaphore, #tpu.memory_space<semaphore_mem>>) src(%dma_wait3A_511 : memref<8388608xf32, #tpu.memory_space<hbm>>) dst(%dma_wait3A_506 : memref<128xf32, #tpu.memory_space<vmem>>)
      %dma_wait3A_512 = arith.constant 0 : i32
      %dma_wait3A_513 = tpu.memref_slice %arg8[%add3A_399, %dma_wait3A_512] : memref<50x128xf32, #tpu.memory_space<vmem>> -> memref<1x128xf32, #tpu.memory_space<vmem>>
      %dma_wait3A_514 = tpu.memref_squeeze %dma_wait3A_513 : memref<1x128xf32, #tpu.memory_space<vmem>> -> memref<128xf32, #tpu.memory_space<vmem>>
      %dma_wait3A_515 = arith.constant 0 : i32
      %dma_wait3A_516 = tpu.memref_slice %arg7[%add3A_399, %dma_wait3A_515] : memref<50x128xi32, #tpu.memory_space<vmem>> -> memref<1x128xi32, #tpu.memory_space<vmem>>
      %dma_wait3A_517 = tpu.memref_squeeze %dma_wait3A_516 : memref<1x128xi32, #tpu.memory_space<vmem>> -> memref<128xi32, #tpu.memory_space<vmem>>
      %dma_wait3A_518 = arith.constant 0 : i32
      %dma_wait3A_519 = tpu.memref_slice %arg2[%dma_wait3A_518] : memref<8388608xf32, #tpu.memory_space<hbm>> -> memref<8388608xf32, #tpu.memory_space<hbm>>
      tpu.wait_indirect_dma semaphore(%arg11 : memref<!tpu.dma_semaphore, #tpu.memory_space<semaphore_mem>>) src(%dma_wait3A_519 : memref<8388608xf32, #tpu.memory_space<hbm>>) dst(%dma_wait3A_514 : memref<128xf32, #tpu.memory_space<vmem>>)
      %dma_wait3A_520 = arith.constant 0 : i32
      %dma_wait3A_521 = tpu.memref_slice %arg8[%add3A_411, %dma_wait3A_520] : memref<50x128xf32, #tpu.memory_space<vmem>> -> memref<1x128xf32, #tpu.memory_space<vmem>>
      %dma_wait3A_522 = tpu.memref_squeeze %dma_wait3A_521 : memref<1x128xf32, #tpu.memory_space<vmem>> -> memref<128xf32, #tpu.memory_space<vmem>>
      %dma_wait3A_523 = arith.constant 0 : i32
      %dma_wait3A_524 = tpu.memref_slice %arg7[%add3A_411, %dma_wait3A_523] : memref<50x128xi32, #tpu.memory_space<vmem>> -> memref<1x128xi32, #tpu.memory_space<vmem>>
      %dma_wait3A_525 = tpu.memref_squeeze %dma_wait3A_524 : memref<1x128xi32, #tpu.memory_space<vmem>> -> memref<128xi32, #tpu.memory_space<vmem>>
      %dma_wait3A_526 = arith.constant 0 : i32
      %dma_wait3A_527 = tpu.memref_slice %arg2[%dma_wait3A_526] : memref<8388608xf32, #tpu.memory_space<hbm>> -> memref<8388608xf32, #tpu.memory_space<hbm>>
      tpu.wait_indirect_dma semaphore(%arg11 : memref<!tpu.dma_semaphore, #tpu.memory_space<semaphore_mem>>) src(%dma_wait3A_527 : memref<8388608xf32, #tpu.memory_space<hbm>>) dst(%dma_wait3A_522 : memref<128xf32, #tpu.memory_space<vmem>>)
      %dma_wait3A_528 = arith.constant 0 : i32
      %dma_wait3A_529 = tpu.memref_slice %arg8[%add3A_423, %dma_wait3A_528] : memref<50x128xf32, #tpu.memory_space<vmem>> -> memref<1x128xf32, #tpu.memory_space<vmem>>
      %dma_wait3A_530 = tpu.memref_squeeze %dma_wait3A_529 : memref<1x128xf32, #tpu.memory_space<vmem>> -> memref<128xf32, #tpu.memory_space<vmem>>
      %dma_wait3A_531 = arith.constant 0 : i32
      %dma_wait3A_532 = tpu.memref_slice %arg7[%add3A_423, %dma_wait3A_531] : memref<50x128xi32, #tpu.memory_space<vmem>> -> memref<1x128xi32, #tpu.memory_space<vmem>>
      %dma_wait3A_533 = tpu.memref_squeeze %dma_wait3A_532 : memref<1x128xi32, #tpu.memory_space<vmem>> -> memref<128xi32, #tpu.memory_space<vmem>>
      %dma_wait3A_534 = arith.constant 0 : i32
      %dma_wait3A_535 = tpu.memref_slice %arg2[%dma_wait3A_534] : memref<8388608xf32, #tpu.memory_space<hbm>> -> memref<8388608xf32, #tpu.memory_space<hbm>>
      tpu.wait_indirect_dma semaphore(%arg11 : memref<!tpu.dma_semaphore, #tpu.memory_space<semaphore_mem>>) src(%dma_wait3A_535 : memref<8388608xf32, #tpu.memory_space<hbm>>) dst(%dma_wait3A_530 : memref<128xf32, #tpu.memory_space<vmem>>)
      %dma_wait3A_536 = arith.constant 0 : i32
      %dma_wait3A_537 = tpu.memref_slice %arg8[%add3A_435, %dma_wait3A_536] : memref<50x128xf32, #tpu.memory_space<vmem>> -> memref<1x128xf32, #tpu.memory_space<vmem>>
      %dma_wait3A_538 = tpu.memref_squeeze %dma_wait3A_537 : memref<1x128xf32, #tpu.memory_space<vmem>> -> memref<128xf32, #tpu.memory_space<vmem>>
      %dma_wait3A_539 = arith.constant 0 : i32
      %dma_wait3A_540 = tpu.memref_slice %arg7[%add3A_435, %dma_wait3A_539] : memref<50x128xi32, #tpu.memory_space<vmem>> -> memref<1x128xi32, #tpu.memory_space<vmem>>
      %dma_wait3A_541 = tpu.memref_squeeze %dma_wait3A_540 : memref<1x128xi32, #tpu.memory_space<vmem>> -> memref<128xi32, #tpu.memory_space<vmem>>
      %dma_wait3A_542 = arith.constant 0 : i32
      %dma_wait3A_543 = tpu.memref_slice %arg2[%dma_wait3A_542] : memref<8388608xf32, #tpu.memory_space<hbm>> -> memref<8388608xf32, #tpu.memory_space<hbm>>
      tpu.wait_indirect_dma semaphore(%arg11 : memref<!tpu.dma_semaphore, #tpu.memory_space<semaphore_mem>>) src(%dma_wait3A_543 : memref<8388608xf32, #tpu.memory_space<hbm>>) dst(%dma_wait3A_538 : memref<128xf32, #tpu.memory_space<vmem>>)
      %dma_wait3A_544 = arith.constant 0 : i32
      %dma_wait3A_545 = tpu.memref_slice %arg8[%add3A_447, %dma_wait3A_544] : memref<50x128xf32, #tpu.memory_space<vmem>> -> memref<1x128xf32, #tpu.memory_space<vmem>>
      %dma_wait3A_546 = tpu.memref_squeeze %dma_wait3A_545 : memref<1x128xf32, #tpu.memory_space<vmem>> -> memref<128xf32, #tpu.memory_space<vmem>>
      %dma_wait3A_547 = arith.constant 0 : i32
      %dma_wait3A_548 = tpu.memref_slice %arg7[%add3A_447, %dma_wait3A_547] : memref<50x128xi32, #tpu.memory_space<vmem>> -> memref<1x128xi32, #tpu.memory_space<vmem>>
      %dma_wait3A_549 = tpu.memref_squeeze %dma_wait3A_548 : memref<1x128xi32, #tpu.memory_space<vmem>> -> memref<128xi32, #tpu.memory_space<vmem>>
      %dma_wait3A_550 = arith.constant 0 : i32
      %dma_wait3A_551 = tpu.memref_slice %arg2[%dma_wait3A_550] : memref<8388608xf32, #tpu.memory_space<hbm>> -> memref<8388608xf32, #tpu.memory_space<hbm>>
      tpu.wait_indirect_dma semaphore(%arg11 : memref<!tpu.dma_semaphore, #tpu.memory_space<semaphore_mem>>) src(%dma_wait3A_551 : memref<8388608xf32, #tpu.memory_space<hbm>>) dst(%dma_wait3A_546 : memref<128xf32, #tpu.memory_space<vmem>>)
      %dma_wait3A_552 = arith.constant 0 : i32
      %dma_wait3A_553 = tpu.memref_slice %arg8[%add3A_459, %dma_wait3A_552] : memref<50x128xf32, #tpu.memory_space<vmem>> -> memref<1x128xf32, #tpu.memory_space<vmem>>
      %dma_wait3A_554 = tpu.memref_squeeze %dma_wait3A_553 : memref<1x128xf32, #tpu.memory_space<vmem>> -> memref<128xf32, #tpu.memory_space<vmem>>
      %dma_wait3A_555 = arith.constant 0 : i32
      %dma_wait3A_556 = tpu.memref_slice %arg7[%add3A_459, %dma_wait3A_555] : memref<50x128xi32, #tpu.memory_space<vmem>> -> memref<1x128xi32, #tpu.memory_space<vmem>>
      %dma_wait3A_557 = tpu.memref_squeeze %dma_wait3A_556 : memref<1x128xi32, #tpu.memory_space<vmem>> -> memref<128xi32, #tpu.memory_space<vmem>>
      %dma_wait3A_558 = arith.constant 0 : i32
      %dma_wait3A_559 = tpu.memref_slice %arg2[%dma_wait3A_558] : memref<8388608xf32, #tpu.memory_space<hbm>> -> memref<8388608xf32, #tpu.memory_space<hbm>>
      tpu.wait_indirect_dma semaphore(%arg11 : memref<!tpu.dma_semaphore, #tpu.memory_space<semaphore_mem>>) src(%dma_wait3A_559 : memref<8388608xf32, #tpu.memory_space<hbm>>) dst(%dma_wait3A_554 : memref<128xf32, #tpu.memory_space<vmem>>)
      %dma_wait3A_560 = arith.constant 0 : i32
      %dma_wait3A_561 = tpu.memref_slice %arg8[%add3A_471, %dma_wait3A_560] : memref<50x128xf32, #tpu.memory_space<vmem>> -> memref<1x128xf32, #tpu.memory_space<vmem>>
      %dma_wait3A_562 = tpu.memref_squeeze %dma_wait3A_561 : memref<1x128xf32, #tpu.memory_space<vmem>> -> memref<128xf32, #tpu.memory_space<vmem>>
      %dma_wait3A_563 = arith.constant 0 : i32
      %dma_wait3A_564 = tpu.memref_slice %arg7[%add3A_471, %dma_wait3A_563] : memref<50x128xi32, #tpu.memory_space<vmem>> -> memref<1x128xi32, #tpu.memory_space<vmem>>
      %dma_wait3A_565 = tpu.memref_squeeze %dma_wait3A_564 : memref<1x128xi32, #tpu.memory_space<vmem>> -> memref<128xi32, #tpu.memory_space<vmem>>
      %dma_wait3A_566 = arith.constant 0 : i32
      %dma_wait3A_567 = tpu.memref_slice %arg2[%dma_wait3A_566] : memref<8388608xf32, #tpu.memory_space<hbm>> -> memref<8388608xf32, #tpu.memory_space<hbm>>
      tpu.wait_indirect_dma semaphore(%arg11 : memref<!tpu.dma_semaphore, #tpu.memory_space<semaphore_mem>>) src(%dma_wait3A_567 : memref<8388608xf32, #tpu.memory_space<hbm>>) dst(%dma_wait3A_562 : memref<128xf32, #tpu.memory_space<vmem>>)
      %dma_wait3A_568 = arith.constant 0 : i32
      %dma_wait3A_569 = tpu.memref_slice %arg8[%add3A_483, %dma_wait3A_568] : memref<50x128xf32, #tpu.memory_space<vmem>> -> memref<1x128xf32, #tpu.memory_space<vmem>>
      %dma_wait3A_570 = tpu.memref_squeeze %dma_wait3A_569 : memref<1x128xf32, #tpu.memory_space<vmem>> -> memref<128xf32, #tpu.memory_space<vmem>>
      %dma_wait3A_571 = arith.constant 0 : i32
      %dma_wait3A_572 = tpu.memref_slice %arg7[%add3A_483, %dma_wait3A_571] : memref<50x128xi32, #tpu.memory_space<vmem>> -> memref<1x128xi32, #tpu.memory_space<vmem>>
      %dma_wait3A_573 = tpu.memref_squeeze %dma_wait3A_572 : memref<1x128xi32, #tpu.memory_space<vmem>> -> memref<128xi32, #tpu.memory_space<vmem>>
      %dma_wait3A_574 = arith.constant 0 : i32
      %dma_wait3A_575 = tpu.memref_slice %arg2[%dma_wait3A_574] : memref<8388608xf32, #tpu.memory_space<hbm>> -> memref<8388608xf32, #tpu.memory_space<hbm>>
      tpu.wait_indirect_dma semaphore(%arg11 : memref<!tpu.dma_semaphore, #tpu.memory_space<semaphore_mem>>) src(%dma_wait3A_575 : memref<8388608xf32, #tpu.memory_space<hbm>>) dst(%dma_wait3A_570 : memref<128xf32, #tpu.memory_space<vmem>>)
      %dma_wait3A_576 = arith.constant 0 : i32
      %dma_wait3A_577 = tpu.memref_slice %arg8[%add3A_495, %dma_wait3A_576] : memref<50x128xf32, #tpu.memory_space<vmem>> -> memref<1x128xf32, #tpu.memory_space<vmem>>
      %dma_wait3A_578 = tpu.memref_squeeze %dma_wait3A_577 : memref<1x128xf32, #tpu.memory_space<vmem>> -> memref<128xf32, #tpu.memory_space<vmem>>
      %dma_wait3A_579 = arith.constant 0 : i32
      %dma_wait3A_580 = tpu.memref_slice %arg7[%add3A_495, %dma_wait3A_579] : memref<50x128xi32, #tpu.memory_space<vmem>> -> memref<1x128xi32, #tpu.memory_space<vmem>>
      %dma_wait3A_581 = tpu.memref_squeeze %dma_wait3A_580 : memref<1x128xi32, #tpu.memory_space<vmem>> -> memref<128xi32, #tpu.memory_space<vmem>>
      %dma_wait3A_582 = arith.constant 0 : i32
      %dma_wait3A_583 = tpu.memref_slice %arg2[%dma_wait3A_582] : memref<8388608xf32, #tpu.memory_space<hbm>> -> memref<8388608xf32, #tpu.memory_space<hbm>>
      tpu.wait_indirect_dma semaphore(%arg11 : memref<!tpu.dma_semaphore, #tpu.memory_space<semaphore_mem>>) src(%dma_wait3A_583 : memref<8388608xf32, #tpu.memory_space<hbm>>) dst(%dma_wait3A_578 : memref<128xf32, #tpu.memory_space<vmem>>)
    }
    %scan3A_26 = arith.constant 5 : i32
    %dma_wait3A = arith.constant 0 : i32
    %dma_wait3A_27 = arith.constant 0 : i32
    %dma_wait3A_28 = arith.constant 0 : i32
    %dma_wait3A_29 = tpu.memref_slice %arg10[%dma_wait3A_27, %dma_wait3A_28] : memref<2x128xf32, #tpu.memory_space<vmem>> -> memref<1x128xf32, #tpu.memory_space<vmem>>
    %dma_wait3A_30 = tpu.memref_squeeze %dma_wait3A_29 : memref<1x128xf32, #tpu.memory_space<vmem>> -> memref<128xf32, #tpu.memory_space<vmem>>
    %dma_wait3A_31 = arith.constant 0 : i32
    %dma_wait3A_32 = tpu.memref_slice %arg9[%dma_wait3A, %dma_wait3A_31] : memref<2x128xi32, #tpu.memory_space<vmem>> -> memref<1x128xi32, #tpu.memory_space<vmem>>
    %dma_wait3A_33 = tpu.memref_squeeze %dma_wait3A_32 : memref<1x128xi32, #tpu.memory_space<vmem>> -> memref<128xi32, #tpu.memory_space<vmem>>
    %dma_wait3A_34 = arith.constant 0 : i32
    %dma_wait3A_35 = tpu.memref_slice %arg2[%dma_wait3A_34] : memref<8388608xf32, #tpu.memory_space<hbm>> -> memref<8388608xf32, #tpu.memory_space<hbm>>
    tpu.wait_indirect_dma semaphore(%arg11 : memref<!tpu.dma_semaphore, #tpu.memory_space<semaphore_mem>>) src(%dma_wait3A_35 : memref<8388608xf32, #tpu.memory_space<hbm>>) dst(%dma_wait3A_30 : memref<128xf32, #tpu.memory_space<vmem>>)
    %dma_wait3A_36 = arith.constant 1 : i32
    %dma_wait3A_37 = arith.constant 1 : i32
    %dma_wait3A_38 = arith.constant 0 : i32
    %dma_wait3A_39 = tpu.memref_slice %arg10[%dma_wait3A_37, %dma_wait3A_38] : memref<2x128xf32, #tpu.memory_space<vmem>> -> memref<1x128xf32, #tpu.memory_space<vmem>>
    %dma_wait3A_40 = tpu.memref_squeeze %dma_wait3A_39 : memref<1x128xf32, #tpu.memory_space<vmem>> -> memref<128xf32, #tpu.memory_space<vmem>>
    %dma_wait3A_41 = arith.constant 0 : i32
    %dma_wait3A_42 = tpu.memref_slice %arg9[%dma_wait3A_36, %dma_wait3A_41] : memref<2x128xi32, #tpu.memory_space<vmem>> -> memref<1x128xi32, #tpu.memory_space<vmem>>
    %dma_wait3A_43 = tpu.memref_squeeze %dma_wait3A_42 : memref<1x128xi32, #tpu.memory_space<vmem>> -> memref<128xi32, #tpu.memory_space<vmem>>
    %dma_wait3A_44 = arith.constant 0 : i32
    %dma_wait3A_45 = tpu.memref_slice %arg2[%dma_wait3A_44] : memref<8388608xf32, #tpu.memory_space<hbm>> -> memref<8388608xf32, #tpu.memory_space<hbm>>
    tpu.wait_indirect_dma semaphore(%arg11 : memref<!tpu.dma_semaphore, #tpu.memory_space<semaphore_mem>>) src(%dma_wait3A_45 : memref<8388608xf32, #tpu.memory_space<hbm>>) dst(%dma_wait3A_40 : memref<128xf32, #tpu.memory_space<vmem>>)
    %get3A = arith.constant 0 : i32
    %get3A_46 = arith.index_cast %get3A : i32 to index
    %get3A_47 = arith.constant 0 : index
    %get3A_48 = tpu.vector_load %arg10[%get3A_46, %get3A_47] {strides = array<i32>} : memref<2x128xf32, #tpu.memory_space<vmem>>, vector<1x16xf32>,
    %get3A_49 = vector.shape_cast %get3A_48 : vector<1x16xf32> to vector<16xf32>
    %sub3A = arith.constant -3.68887949 : f32
    %sub3A_50 = vector.broadcast %sub3A : f32 to vector<16xf32>
    %sub3A_51 = arith.subf %sub3A_50, %get3A_49 : vector<16xf32>
    %exp3A = math.exp %sub3A_51 : vector<16xf32>
    %add3A_52 = arith.constant 1.000000e+00 : f32
    %add3A_53 = vector.broadcast %add3A_52 : f32 to vector<16xf32>
    %add3A_54 = arith.addf %add3A_53, %exp3A : vector<16xf32>
    %div3A = arith.constant 1.000000e+00 : f32
    %div3A_55 = vector.broadcast %div3A : f32 to vector<16xf32>
    %div3A_56 = arith.divf %div3A_55, %add3A_54 : vector<16xf32>
    %swap3A = arith.constant 0 : i32
    %swap3A_57 = arith.index_cast %swap3A : i32 to index
    %swap3A_58 = arith.constant 0 : index
    %swap3A_59 = tpu.vector_load %arg10[%swap3A_57, %swap3A_58] {strides = array<i32>} : memref<2x128xf32, #tpu.memory_space<vmem>>, vector<1x16xf32>,
    %swap3A_60 = vector.shape_cast %swap3A_59 : vector<1x16xf32> to vector<16xf32>
    %swap3A_61 = vector.shape_cast %div3A_56 : vector<16xf32> to vector<1x16xf32>
    tpu.vector_store %arg10[%swap3A_57, %swap3A_58], %swap3A_61 {strides = array<i32>} : memref<2x128xf32, #tpu.memory_space<vmem>>, vector<1x16xf32>,
    %get3A_62 = arith.constant 0 : i32
    %get3A_63 = arith.index_cast %get3A_62 : i32 to index
    %get3A_64 = arith.constant 16 : index
    %get3A_65 = tpu.vector_load %arg10[%get3A_63, %get3A_64] {strides = array<i32>} : memref<2x128xf32, #tpu.memory_space<vmem>>, vector<1x16xf32>,
    %get3A_66 = vector.shape_cast %get3A_65 : vector<1x16xf32> to vector<16xf32>
    %sub3A_67 = arith.constant -3.68887949 : f32
    %sub3A_68 = vector.broadcast %sub3A_67 : f32 to vector<16xf32>
    %sub3A_69 = arith.subf %sub3A_68, %get3A_66 : vector<16xf32>
    %exp3A_70 = math.exp %sub3A_69 : vector<16xf32>
    %add3A_71 = arith.constant 1.000000e+00 : f32
    %add3A_72 = vector.broadcast %add3A_71 : f32 to vector<16xf32>
    %add3A_73 = arith.addf %add3A_72, %exp3A_70 : vector<16xf32>
    %div3A_74 = arith.constant 1.000000e+00 : f32
    %div3A_75 = vector.broadcast %div3A_74 : f32 to vector<16xf32>
    %div3A_76 = arith.divf %div3A_75, %add3A_73 : vector<16xf32>
    %swap3A_77 = arith.constant 0 : i32
    %swap3A_78 = arith.index_cast %swap3A_77 : i32 to index
    %swap3A_79 = arith.constant 16 : index
    %swap3A_80 = tpu.vector_load %arg10[%swap3A_78, %swap3A_79] {strides = array<i32>} : memref<2x128xf32, #tpu.memory_space<vmem>>, vector<1x16xf32>,
    %swap3A_81 = vector.shape_cast %swap3A_80 : vector<1x16xf32> to vector<16xf32>
    %swap3A_82 = vector.shape_cast %div3A_76 : vector<16xf32> to vector<1x16xf32>
    tpu.vector_store %arg10[%swap3A_78, %swap3A_79], %swap3A_82 {strides = array<i32>} : memref<2x128xf32, #tpu.memory_space<vmem>>, vector<1x16xf32>,
    %get3A_83 = arith.constant 0 : i32
    %get3A_84 = arith.index_cast %get3A_83 : i32 to index
    %get3A_85 = arith.constant 32 : index
    %get3A_86 = tpu.vector_load %arg10[%get3A_84, %get3A_85] {strides = array<i32>} : memref<2x128xf32, #tpu.memory_space<vmem>>, vector<1x16xf32>,
    %get3A_87 = vector.shape_cast %get3A_86 : vector<1x16xf32> to vector<16xf32>
    %sub3A_88 = arith.constant -3.68887949 : f32
    %sub3A_89 = vector.broadcast %sub3A_88 : f32 to vector<16xf32>
    %sub3A_90 = arith.subf %sub3A_89, %get3A_87 : vector<16xf32>
    %exp3A_91 = math.exp %sub3A_90 : vector<16xf32>
    %add3A_92 = arith.constant 1.000000e+00 : f32
    %add3A_93 = vector.broadcast %add3A_92 : f32 to vector<16xf32>
    %add3A_94 = arith.addf %add3A_93, %exp3A_91 : vector<16xf32>
    %div3A_95 = arith.constant 1.000000e+00 : f32
    %div3A_96 = vector.broadcast %div3A_95 : f32 to vector<16xf32>
    %div3A_97 = arith.divf %div3A_96, %add3A_94 : vector<16xf32>
    %swap3A_98 = arith.constant 0 : i32
    %swap3A_99 = arith.index_cast %swap3A_98 : i32 to index
    %swap3A_100 = arith.constant 32 : index
    %swap3A_101 = tpu.vector_load %arg10[%swap3A_99, %swap3A_100] {strides = array<i32>} : memref<2x128xf32, #tpu.memory_space<vmem>>, vector<1x16xf32>,
    %swap3A_102 = vector.shape_cast %swap3A_101 : vector<1x16xf32> to vector<16xf32>
    %swap3A_103 = vector.shape_cast %div3A_97 : vector<16xf32> to vector<1x16xf32>
    tpu.vector_store %arg10[%swap3A_99, %swap3A_100], %swap3A_103 {strides = array<i32>} : memref<2x128xf32, #tpu.memory_space<vmem>>, vector<1x16xf32>,
    %get3A_104 = arith.constant 0 : i32
    %get3A_105 = arith.index_cast %get3A_104 : i32 to index
    %get3A_106 = arith.constant 48 : index
    %get3A_107 = tpu.vector_load %arg10[%get3A_105, %get3A_106] {strides = array<i32>} : memref<2x128xf32, #tpu.memory_space<vmem>>, vector<1x16xf32>,
    %get3A_108 = vector.shape_cast %get3A_107 : vector<1x16xf32> to vector<16xf32>
    %sub3A_109 = arith.constant -3.68887949 : f32
    %sub3A_110 = vector.broadcast %sub3A_109 : f32 to vector<16xf32>
    %sub3A_111 = arith.subf %sub3A_110, %get3A_108 : vector<16xf32>
    %exp3A_112 = math.exp %sub3A_111 : vector<16xf32>
    %add3A_113 = arith.constant 1.000000e+00 : f32
    %add3A_114 = vector.broadcast %add3A_113 : f32 to vector<16xf32>
    %add3A_115 = arith.addf %add3A_114, %exp3A_112 : vector<16xf32>
    %div3A_116 = arith.constant 1.000000e+00 : f32
    %div3A_117 = vector.broadcast %div3A_116 : f32 to vector<16xf32>
    %div3A_118 = arith.divf %div3A_117, %add3A_115 : vector<16xf32>
    %swap3A_119 = arith.constant 0 : i32
    %swap3A_120 = arith.index_cast %swap3A_119 : i32 to index
    %swap3A_121 = arith.constant 48 : index
    %swap3A_122 = tpu.vector_load %arg10[%swap3A_120, %swap3A_121] {strides = array<i32>} : memref<2x128xf32, #tpu.memory_space<vmem>>, vector<1x16xf32>,
    %swap3A_123 = vector.shape_cast %swap3A_122 : vector<1x16xf32> to vector<16xf32>
    %swap3A_124 = vector.shape_cast %div3A_118 : vector<16xf32> to vector<1x16xf32>
    tpu.vector_store %arg10[%swap3A_120, %swap3A_121], %swap3A_124 {strides = array<i32>} : memref<2x128xf32, #tpu.memory_space<vmem>>, vector<1x16xf32>,
    %get3A_125 = arith.constant 0 : i32
    %get3A_126 = arith.index_cast %get3A_125 : i32 to index
    %get3A_127 = arith.constant 64 : index
    %get3A_128 = tpu.vector_load %arg10[%get3A_126, %get3A_127] {strides = array<i32>} : memref<2x128xf32, #tpu.memory_space<vmem>>, vector<1x16xf32>,
    %get3A_129 = vector.shape_cast %get3A_128 : vector<1x16xf32> to vector<16xf32>
    %sub3A_130 = arith.constant -3.68887949 : f32
    %sub3A_131 = vector.broadcast %sub3A_130 : f32 to vector<16xf32>
    %sub3A_132 = arith.subf %sub3A_131, %get3A_129 : vector<16xf32>
    %exp3A_133 = math.exp %sub3A_132 : vector<16xf32>
    %add3A_134 = arith.constant 1.000000e+00 : f32
    %add3A_135 = vector.broadcast %add3A_134 : f32 to vector<16xf32>
    %add3A_136 = arith.addf %add3A_135, %exp3A_133 : vector<16xf32>
    %div3A_137 = arith.constant 1.000000e+00 : f32
    %div3A_138 = vector.broadcast %div3A_137 : f32 to vector<16xf32>
    %div3A_139 = arith.divf %div3A_138, %add3A_136 : vector<16xf32>
    %swap3A_140 = arith.constant 0 : i32
    %swap3A_141 = arith.index_cast %swap3A_140 : i32 to index
    %swap3A_142 = arith.constant 64 : index
    %swap3A_143 = tpu.vector_load %arg10[%swap3A_141, %swap3A_142] {strides = array<i32>} : memref<2x128xf32, #tpu.memory_space<vmem>>, vector<1x16xf32>,
    %swap3A_144 = vector.shape_cast %swap3A_143 : vector<1x16xf32> to vector<16xf32>
    %swap3A_145 = vector.shape_cast %div3A_139 : vector<16xf32> to vector<1x16xf32>
    tpu.vector_store %arg10[%swap3A_141, %swap3A_142], %swap3A_145 {strides = array<i32>} : memref<2x128xf32, #tpu.memory_space<vmem>>, vector<1x16xf32>,
    %get3A_146 = arith.constant 0 : i32
    %get3A_147 = arith.index_cast %get3A_146 : i32 to index
    %get3A_148 = arith.constant 80 : index
    %get3A_149 = tpu.vector_load %arg10[%get3A_147, %get3A_148] {strides = array<i32>} : memref<2x128xf32, #tpu.memory_space<vmem>>, vector<1x16xf32>,
    %get3A_150 = vector.shape_cast %get3A_149 : vector<1x16xf32> to vector<16xf32>
    %sub3A_151 = arith.constant -3.68887949 : f32
    %sub3A_152 = vector.broadcast %sub3A_151 : f32 to vector<16xf32>
    %sub3A_153 = arith.subf %sub3A_152, %get3A_150 : vector<16xf32>
    %exp3A_154 = math.exp %sub3A_153 : vector<16xf32>
    %add3A_155 = arith.constant 1.000000e+00 : f32
    %add3A_156 = vector.broadcast %add3A_155 : f32 to vector<16xf32>
    %add3A_157 = arith.addf %add3A_156, %exp3A_154 : vector<16xf32>
    %div3A_158 = arith.constant 1.000000e+00 : f32
    %div3A_159 = vector.broadcast %div3A_158 : f32 to vector<16xf32>
    %div3A_160 = arith.divf %div3A_159, %add3A_157 : vector<16xf32>
    %swap3A_161 = arith.constant 0 : i32
    %swap3A_162 = arith.index_cast %swap3A_161 : i32 to index
    %swap3A_163 = arith.constant 80 : index
    %swap3A_164 = tpu.vector_load %arg10[%swap3A_162, %swap3A_163] {strides = array<i32>} : memref<2x128xf32, #tpu.memory_space<vmem>>, vector<1x16xf32>,
    %swap3A_165 = vector.shape_cast %swap3A_164 : vector<1x16xf32> to vector<16xf32>
    %swap3A_166 = vector.shape_cast %div3A_160 : vector<16xf32> to vector<1x16xf32>
    tpu.vector_store %arg10[%swap3A_162, %swap3A_163], %swap3A_166 {strides = array<i32>} : memref<2x128xf32, #tpu.memory_space<vmem>>, vector<1x16xf32>,
    %get3A_167 = arith.constant 0 : i32
    %get3A_168 = arith.index_cast %get3A_167 : i32 to index
    %get3A_169 = arith.constant 96 : index
    %get3A_170 = tpu.vector_load %arg10[%get3A_168, %get3A_169] {strides = array<i32>} : memref<2x128xf32, #tpu.memory_space<vmem>>, vector<1x16xf32>,
    %get3A_171 = vector.shape_cast %get3A_170 : vector<1x16xf32> to vector<16xf32>
    %sub3A_172 = arith.constant -3.68887949 : f32
    %sub3A_173 = vector.broadcast %sub3A_172 : f32 to vector<16xf32>
    %sub3A_174 = arith.subf %sub3A_173, %get3A_171 : vector<16xf32>
    %exp3A_175 = math.exp %sub3A_174 : vector<16xf32>
    %add3A_176 = arith.constant 1.000000e+00 : f32
    %add3A_177 = vector.broadcast %add3A_176 : f32 to vector<16xf32>
    %add3A_178 = arith.addf %add3A_177, %exp3A_175 : vector<16xf32>
    %div3A_179 = arith.constant 1.000000e+00 : f32
    %div3A_180 = vector.broadcast %div3A_179 : f32 to vector<16xf32>
    %div3A_181 = arith.divf %div3A_180, %add3A_178 : vector<16xf32>
    %swap3A_182 = arith.constant 0 : i32
    %swap3A_183 = arith.index_cast %swap3A_182 : i32 to index
    %swap3A_184 = arith.constant 96 : index
    %swap3A_185 = tpu.vector_load %arg10[%swap3A_183, %swap3A_184] {strides = array<i32>} : memref<2x128xf32, #tpu.memory_space<vmem>>, vector<1x16xf32>,
    %swap3A_186 = vector.shape_cast %swap3A_185 : vector<1x16xf32> to vector<16xf32>
    %swap3A_187 = vector.shape_cast %div3A_181 : vector<16xf32> to vector<1x16xf32>
    tpu.vector_store %arg10[%swap3A_183, %swap3A_184], %swap3A_187 {strides = array<i32>} : memref<2x128xf32, #tpu.memory_space<vmem>>, vector<1x16xf32>,
    %get3A_188 = arith.constant 0 : i32
    %get3A_189 = arith.index_cast %get3A_188 : i32 to index
    %get3A_190 = arith.constant 112 : index
    %get3A_191 = tpu.vector_load %arg10[%get3A_189, %get3A_190] {strides = array<i32>} : memref<2x128xf32, #tpu.memory_space<vmem>>, vector<1x16xf32>,
    %get3A_192 = vector.shape_cast %get3A_191 : vector<1x16xf32> to vector<16xf32>
    %sub3A_193 = arith.constant -3.68887949 : f32
    %sub3A_194 = vector.broadcast %sub3A_193 : f32 to vector<16xf32>
    %sub3A_195 = arith.subf %sub3A_194, %get3A_192 : vector<16xf32>
    %exp3A_196 = math.exp %sub3A_195 : vector<16xf32>
    %add3A_197 = arith.constant 1.000000e+00 : f32
    %add3A_198 = vector.broadcast %add3A_197 : f32 to vector<16xf32>
    %add3A_199 = arith.addf %add3A_198, %exp3A_196 : vector<16xf32>
    %div3A_200 = arith.constant 1.000000e+00 : f32
    %div3A_201 = vector.broadcast %div3A_200 : f32 to vector<16xf32>
    %div3A_202 = arith.divf %div3A_201, %add3A_199 : vector<16xf32>
    %swap3A_203 = arith.constant 0 : i32
    %swap3A_204 = arith.index_cast %swap3A_203 : i32 to index
    %swap3A_205 = arith.constant 112 : index
    %swap3A_206 = tpu.vector_load %arg10[%swap3A_204, %swap3A_205] {strides = array<i32>} : memref<2x128xf32, #tpu.memory_space<vmem>>, vector<1x16xf32>,
    %swap3A_207 = vector.shape_cast %swap3A_206 : vector<1x16xf32> to vector<16xf32>
    %swap3A_208 = vector.shape_cast %div3A_202 : vector<16xf32> to vector<1x16xf32>
    tpu.vector_store %arg10[%swap3A_204, %swap3A_205], %swap3A_208 {strides = array<i32>} : memref<2x128xf32, #tpu.memory_space<vmem>>, vector<1x16xf32>,
    %get3A_209 = arith.constant 1 : i32
    %get3A_210 = arith.index_cast %get3A_209 : i32 to index
    %get3A_211 = arith.constant 0 : index
    %get3A_212 = tpu.vector_load %arg10[%get3A_210, %get3A_211] {strides = array<i32>} : memref<2x128xf32, #tpu.memory_space<vmem>>, vector<1x16xf32>,
    %get3A_213 = vector.shape_cast %get3A_212 : vector<1x16xf32> to vector<16xf32>
    %sub3A_214 = arith.constant -3.68887949 : f32
    %sub3A_215 = vector.broadcast %sub3A_214 : f32 to vector<16xf32>
    %sub3A_216 = arith.subf %sub3A_215, %get3A_213 : vector<16xf32>
    %exp3A_217 = math.exp %sub3A_216 : vector<16xf32>
    %add3A_218 = arith.constant 1.000000e+00 : f32
    %add3A_219 = vector.broadcast %add3A_218 : f32 to vector<16xf32>
    %add3A_220 = arith.addf %add3A_219, %exp3A_217 : vector<16xf32>
    %div3A_221 = arith.constant 1.000000e+00 : f32
    %div3A_222 = vector.broadcast %div3A_221 : f32 to vector<16xf32>
    %div3A_223 = arith.divf %div3A_222, %add3A_220 : vector<16xf32>
    %swap3A_224 = arith.constant 1 : i32
    %swap3A_225 = arith.index_cast %swap3A_224 : i32 to index
    %swap3A_226 = arith.constant 0 : index
    %swap3A_227 = tpu.vector_load %arg10[%swap3A_225, %swap3A_226] {strides = array<i32>} : memref<2x128xf32, #tpu.memory_space<vmem>>, vector<1x16xf32>,
    %swap3A_228 = vector.shape_cast %swap3A_227 : vector<1x16xf32> to vector<16xf32>
    %swap3A_229 = vector.shape_cast %div3A_223 : vector<16xf32> to vector<1x16xf32>
    tpu.vector_store %arg10[%swap3A_225, %swap3A_226], %swap3A_229 {strides = array<i32>} : memref<2x128xf32, #tpu.memory_space<vmem>>, vector<1x16xf32>,
    %get3A_230 = arith.constant 1 : i32
    %get3A_231 = arith.index_cast %get3A_230 : i32 to index
    %get3A_232 = arith.constant 16 : index
    %get3A_233 = tpu.vector_load %arg10[%get3A_231, %get3A_232] {strides = array<i32>} : memref<2x128xf32, #tpu.memory_space<vmem>>, vector<1x16xf32>,
    %get3A_234 = vector.shape_cast %get3A_233 : vector<1x16xf32> to vector<16xf32>
    %sub3A_235 = arith.constant -3.68887949 : f32
    %sub3A_236 = vector.broadcast %sub3A_235 : f32 to vector<16xf32>
    %sub3A_237 = arith.subf %sub3A_236, %get3A_234 : vector<16xf32>
    %exp3A_238 = math.exp %sub3A_237 : vector<16xf32>
    %add3A_239 = arith.constant 1.000000e+00 : f32
    %add3A_240 = vector.broadcast %add3A_239 : f32 to vector<16xf32>
    %add3A_241 = arith.addf %add3A_240, %exp3A_238 : vector<16xf32>
    %div3A_242 = arith.constant 1.000000e+00 : f32
    %div3A_243 = vector.broadcast %div3A_242 : f32 to vector<16xf32>
    %div3A_244 = arith.divf %div3A_243, %add3A_241 : vector<16xf32>
    %swap3A_245 = arith.constant 1 : i32
    %swap3A_246 = arith.index_cast %swap3A_245 : i32 to index
    %swap3A_247 = arith.constant 16 : index
    %swap3A_248 = tpu.vector_load %arg10[%swap3A_246, %swap3A_247] {strides = array<i32>} : memref<2x128xf32, #tpu.memory_space<vmem>>, vector<1x16xf32>,
    %swap3A_249 = vector.shape_cast %swap3A_248 : vector<1x16xf32> to vector<16xf32>
    %swap3A_250 = vector.shape_cast %div3A_244 : vector<16xf32> to vector<1x16xf32>
    tpu.vector_store %arg10[%swap3A_246, %swap3A_247], %swap3A_250 {strides = array<i32>} : memref<2x128xf32, #tpu.memory_space<vmem>>, vector<1x16xf32>,
    %get3A_251 = arith.constant 1 : i32
    %get3A_252 = arith.index_cast %get3A_251 : i32 to index
    %get3A_253 = arith.constant 32 : index
    %get3A_254 = tpu.vector_load %arg10[%get3A_252, %get3A_253] {strides = array<i32>} : memref<2x128xf32, #tpu.memory_space<vmem>>, vector<1x16xf32>,
    %get3A_255 = vector.shape_cast %get3A_254 : vector<1x16xf32> to vector<16xf32>
    %sub3A_256 = arith.constant -3.68887949 : f32
    %sub3A_257 = vector.broadcast %sub3A_256 : f32 to vector<16xf32>
    %sub3A_258 = arith.subf %sub3A_257, %get3A_255 : vector<16xf32>
    %exp3A_259 = math.exp %sub3A_258 : vector<16xf32>
    %add3A_260 = arith.constant 1.000000e+00 : f32
    %add3A_261 = vector.broadcast %add3A_260 : f32 to vector<16xf32>
    %add3A_262 = arith.addf %add3A_261, %exp3A_259 : vector<16xf32>
    %div3A_263 = arith.constant 1.000000e+00 : f32
    %div3A_264 = vector.broadcast %div3A_263 : f32 to vector<16xf32>
    %div3A_265 = arith.divf %div3A_264, %add3A_262 : vector<16xf32>
    %swap3A_266 = arith.constant 1 : i32
    %swap3A_267 = arith.index_cast %swap3A_266 : i32 to index
    %swap3A_268 = arith.constant 32 : index
    %swap3A_269 = tpu.vector_load %arg10[%swap3A_267, %swap3A_268] {strides = array<i32>} : memref<2x128xf32, #tpu.memory_space<vmem>>, vector<1x16xf32>,
    %swap3A_270 = vector.shape_cast %swap3A_269 : vector<1x16xf32> to vector<16xf32>
    %swap3A_271 = vector.shape_cast %div3A_265 : vector<16xf32> to vector<1x16xf32>
    tpu.vector_store %arg10[%swap3A_267, %swap3A_268], %swap3A_271 {strides = array<i32>} : memref<2x128xf32, #tpu.memory_space<vmem>>, vector<1x16xf32>,
    %get3A_272 = arith.constant 1 : i32
    %get3A_273 = arith.index_cast %get3A_272 : i32 to index
    %get3A_274 = arith.constant 48 : index
    %get3A_275 = tpu.vector_load %arg10[%get3A_273, %get3A_274] {strides = array<i32>} : memref<2x128xf32, #tpu.memory_space<vmem>>, vector<1x16xf32>,
    %get3A_276 = vector.shape_cast %get3A_275 : vector<1x16xf32> to vector<16xf32>
    %sub3A_277 = arith.constant -3.68887949 : f32
    %sub3A_278 = vector.broadcast %sub3A_277 : f32 to vector<16xf32>
    %sub3A_279 = arith.subf %sub3A_278, %get3A_276 : vector<16xf32>
    %exp3A_280 = math.exp %sub3A_279 : vector<16xf32>
    %add3A_281 = arith.constant 1.000000e+00 : f32
    %add3A_282 = vector.broadcast %add3A_281 : f32 to vector<16xf32>
    %add3A_283 = arith.addf %add3A_282, %exp3A_280 : vector<16xf32>
    %div3A_284 = arith.constant 1.000000e+00 : f32
    %div3A_285 = vector.broadcast %div3A_284 : f32 to vector<16xf32>
    %div3A_286 = arith.divf %div3A_285, %add3A_283 : vector<16xf32>
    %swap3A_287 = arith.constant 1 : i32
    %swap3A_288 = arith.index_cast %swap3A_287 : i32 to index
    %swap3A_289 = arith.constant 48 : index
    %swap3A_290 = tpu.vector_load %arg10[%swap3A_288, %swap3A_289] {strides = array<i32>} : memref<2x128xf32, #tpu.memory_space<vmem>>, vector<1x16xf32>,
    %swap3A_291 = vector.shape_cast %swap3A_290 : vector<1x16xf32> to vector<16xf32>
    %swap3A_292 = vector.shape_cast %div3A_286 : vector<16xf32> to vector<1x16xf32>
    tpu.vector_store %arg10[%swap3A_288, %swap3A_289], %swap3A_292 {strides = array<i32>} : memref<2x128xf32, #tpu.memory_space<vmem>>, vector<1x16xf32>,
    %get3A_293 = arith.constant 1 : i32
    %get3A_294 = arith.index_cast %get3A_293 : i32 to index
    %get3A_295 = arith.constant 64 : index
    %get3A_296 = tpu.vector_load %arg10[%get3A_294, %get3A_295] {strides = array<i32>} : memref<2x128xf32, #tpu.memory_space<vmem>>, vector<1x16xf32>,
    %get3A_297 = vector.shape_cast %get3A_296 : vector<1x16xf32> to vector<16xf32>
    %sub3A_298 = arith.constant -3.68887949 : f32
    %sub3A_299 = vector.broadcast %sub3A_298 : f32 to vector<16xf32>
    %sub3A_300 = arith.subf %sub3A_299, %get3A_297 : vector<16xf32>
    %exp3A_301 = math.exp %sub3A_300 : vector<16xf32>
    %add3A_302 = arith.constant 1.000000e+00 : f32
    %add3A_303 = vector.broadcast %add3A_302 : f32 to vector<16xf32>
    %add3A_304 = arith.addf %add3A_303, %exp3A_301 : vector<16xf32>
    %div3A_305 = arith.constant 1.000000e+00 : f32
    %div3A_306 = vector.broadcast %div3A_305 : f32 to vector<16xf32>
    %div3A_307 = arith.divf %div3A_306, %add3A_304 : vector<16xf32>
    %swap3A_308 = arith.constant 1 : i32
    %swap3A_309 = arith.index_cast %swap3A_308 : i32 to index
    %swap3A_310 = arith.constant 64 : index
    %swap3A_311 = tpu.vector_load %arg10[%swap3A_309, %swap3A_310] {strides = array<i32>} : memref<2x128xf32, #tpu.memory_space<vmem>>, vector<1x16xf32>,
    %swap3A_312 = vector.shape_cast %swap3A_311 : vector<1x16xf32> to vector<16xf32>
    %swap3A_313 = vector.shape_cast %div3A_307 : vector<16xf32> to vector<1x16xf32>
    tpu.vector_store %arg10[%swap3A_309, %swap3A_310], %swap3A_313 {strides = array<i32>} : memref<2x128xf32, #tpu.memory_space<vmem>>, vector<1x16xf32>,
    %get3A_314 = arith.constant 1 : i32
    %get3A_315 = arith.index_cast %get3A_314 : i32 to index
    %get3A_316 = arith.constant 80 : index
    %get3A_317 = tpu.vector_load %arg10[%get3A_315, %get3A_316] {strides = array<i32>} : memref<2x128xf32, #tpu.memory_space<vmem>>, vector<1x16xf32>,
    %get3A_318 = vector.shape_cast %get3A_317 : vector<1x16xf32> to vector<16xf32>
    %sub3A_319 = arith.constant -3.68887949 : f32
    %sub3A_320 = vector.broadcast %sub3A_319 : f32 to vector<16xf32>
    %sub3A_321 = arith.subf %sub3A_320, %get3A_318 : vector<16xf32>
    %exp3A_322 = math.exp %sub3A_321 : vector<16xf32>
    %add3A_323 = arith.constant 1.000000e+00 : f32
    %add3A_324 = vector.broadcast %add3A_323 : f32 to vector<16xf32>
    %add3A_325 = arith.addf %add3A_324, %exp3A_322 : vector<16xf32>
    %div3A_326 = arith.constant 1.000000e+00 : f32
    %div3A_327 = vector.broadcast %div3A_326 : f32 to vector<16xf32>
    %div3A_328 = arith.divf %div3A_327, %add3A_325 : vector<16xf32>
    %swap3A_329 = arith.constant 1 : i32
    %swap3A_330 = arith.index_cast %swap3A_329 : i32 to index
    %swap3A_331 = arith.constant 80 : index
    %swap3A_332 = tpu.vector_load %arg10[%swap3A_330, %swap3A_331] {strides = array<i32>} : memref<2x128xf32, #tpu.memory_space<vmem>>, vector<1x16xf32>,
    %swap3A_333 = vector.shape_cast %swap3A_332 : vector<1x16xf32> to vector<16xf32>
    %swap3A_334 = vector.shape_cast %div3A_328 : vector<16xf32> to vector<1x16xf32>
    tpu.vector_store %arg10[%swap3A_330, %swap3A_331], %swap3A_334 {strides = array<i32>} : memref<2x128xf32, #tpu.memory_space<vmem>>, vector<1x16xf32>,
    %get3A_335 = arith.constant 1 : i32
    %get3A_336 = arith.index_cast %get3A_335 : i32 to index
    %get3A_337 = arith.constant 96 : index
    %get3A_338 = tpu.vector_load %arg10[%get3A_336, %get3A_337] {strides = array<i32>} : memref<2x128xf32, #tpu.memory_space<vmem>>, vector<1x16xf32>,
    %get3A_339 = vector.shape_cast %get3A_338 : vector<1x16xf32> to vector<16xf32>
    %sub3A_340 = arith.constant -3.68887949 : f32
    %sub3A_341 = vector.broadcast %sub3A_340 : f32 to vector<16xf32>
    %sub3A_342 = arith.subf %sub3A_341, %get3A_339 : vector<16xf32>
    %exp3A_343 = math.exp %sub3A_342 : vector<16xf32>
    %add3A_344 = arith.constant 1.000000e+00 : f32
    %add3A_345 = vector.broadcast %add3A_344 : f32 to vector<16xf32>
    %add3A_346 = arith.addf %add3A_345, %exp3A_343 : vector<16xf32>
    %div3A_347 = arith.constant 1.000000e+00 : f32
    %div3A_348 = vector.broadcast %div3A_347 : f32 to vector<16xf32>
    %div3A_349 = arith.divf %div3A_348, %add3A_346 : vector<16xf32>
    %swap3A_350 = arith.constant 1 : i32
    %swap3A_351 = arith.index_cast %swap3A_350 : i32 to index
    %swap3A_352 = arith.constant 96 : index
    %swap3A_353 = tpu.vector_load %arg10[%swap3A_351, %swap3A_352] {strides = array<i32>} : memref<2x128xf32, #tpu.memory_space<vmem>>, vector<1x16xf32>,
    %swap3A_354 = vector.shape_cast %swap3A_353 : vector<1x16xf32> to vector<16xf32>
    %swap3A_355 = vector.shape_cast %div3A_349 : vector<16xf32> to vector<1x16xf32>
    tpu.vector_store %arg10[%swap3A_351, %swap3A_352], %swap3A_355 {strides = array<i32>} : memref<2x128xf32, #tpu.memory_space<vmem>>, vector<1x16xf32>,
    %get3A_356 = arith.constant 1 : i32
    %get3A_357 = arith.index_cast %get3A_356 : i32 to index
    %get3A_358 = arith.constant 112 : index
    %get3A_359 = tpu.vector_load %arg10[%get3A_357, %get3A_358] {strides = array<i32>} : memref<2x128xf32, #tpu.memory_space<vmem>>, vector<1x16xf32>,
    %get3A_360 = vector.shape_cast %get3A_359 : vector<1x16xf32> to vector<16xf32>
    %sub3A_361 = arith.constant -3.68887949 : f32
    %sub3A_362 = vector.broadcast %sub3A_361 : f32 to vector<16xf32>
    %sub3A_363 = arith.subf %sub3A_362, %get3A_360 : vector<16xf32>
    %exp3A_364 = math.exp %sub3A_363 : vector<16xf32>
    %add3A_365 = arith.constant 1.000000e+00 : f32
    %add3A_366 = vector.broadcast %add3A_365 : f32 to vector<16xf32>
    %add3A_367 = arith.addf %add3A_366, %exp3A_364 : vector<16xf32>
    %div3A_368 = arith.constant 1.000000e+00 : f32
    %div3A_369 = vector.broadcast %div3A_368 : f32 to vector<16xf32>
    %div3A_370 = arith.divf %div3A_369, %add3A_367 : vector<16xf32>
    %swap3A_371 = arith.constant 1 : i32
    %swap3A_372 = arith.index_cast %swap3A_371 : i32 to index
    %swap3A_373 = arith.constant 112 : index
    %swap3A_374 = tpu.vector_load %arg10[%swap3A_372, %swap3A_373] {strides = array<i32>} : memref<2x128xf32, #tpu.memory_space<vmem>>, vector<1x16xf32>,
    %swap3A_375 = vector.shape_cast %swap3A_374 : vector<1x16xf32> to vector<16xf32>
    %swap3A_376 = vector.shape_cast %div3A_370 : vector<16xf32> to vector<1x16xf32>
    tpu.vector_store %arg10[%swap3A_372, %swap3A_373], %swap3A_376 {strides = array<i32>} : memref<2x128xf32, #tpu.memory_space<vmem>>, vector<1x16xf32>,
    %scan3A_377 = arith.constant 0 : i32
    %scan3A_378 = arith.constant 0 : i32
    %scan3A_379 = arith.constant 50 : i32
    %scan3A_380 = arith.addi %scan3A_378, %scan3A_379 : i32
    %scan3A_381 = arith.constant 1 : i32
    scf.for %scan3A_383 = %scan3A_378 to %scan3A_380 step %scan3A_381  : i32 {
      %get3A_384 = arith.index_cast %scan3A_383 : i32 to index
      %get3A_385 = arith.constant 0 : index
      %get3A_386 = tpu.vector_load %arg8[%get3A_384, %get3A_385] {strides = array<i32>} : memref<50x128xf32, #tpu.memory_space<vmem>>, vector<1x16xf32>,
      %get3A_387 = vector.shape_cast %get3A_386 : vector<1x16xf32> to vector<16xf32>
      %sub3A_388 = arith.constant -3.68887949 : f32
      %sub3A_389 = vector.broadcast %sub3A_388 : f32 to vector<16xf32>
      %sub3A_390 = arith.subf %sub3A_389, %get3A_387 : vector<16xf32>
      %exp3A_391 = math.exp %sub3A_390 : vector<16xf32>
      %add3A_392 = arith.constant 1.000000e+00 : f32
      %add3A_393 = vector.broadcast %add3A_392 : f32 to vector<16xf32>
      %add3A_394 = arith.addf %add3A_393, %exp3A_391 : vector<16xf32>
      %div3A_395 = arith.constant 1.000000e+00 : f32
      %div3A_396 = vector.broadcast %div3A_395 : f32 to vector<16xf32>
      %div3A_397 = arith.divf %div3A_396, %add3A_394 : vector<16xf32>
      %swap3A_398 = arith.index_cast %scan3A_383 : i32 to index
      %swap3A_399 = arith.constant 0 : index
      %swap3A_400 = tpu.vector_load %arg8[%swap3A_398, %swap3A_399] {strides = array<i32>} : memref<50x128xf32, #tpu.memory_space<vmem>>, vector<1x16xf32>,
      %swap3A_401 = vector.shape_cast %swap3A_400 : vector<1x16xf32> to vector<16xf32>
      %swap3A_402 = vector.shape_cast %div3A_397 : vector<16xf32> to vector<1x16xf32>
      tpu.vector_store %arg8[%swap3A_398, %swap3A_399], %swap3A_402 {strides = array<i32>} : memref<50x128xf32, #tpu.memory_space<vmem>>, vector<1x16xf32>,
      %get3A_403 = arith.index_cast %scan3A_383 : i32 to index
      %get3A_404 = arith.constant 16 : index
      %get3A_405 = tpu.vector_load %arg8[%get3A_403, %get3A_404] {strides = array<i32>} : memref<50x128xf32, #tpu.memory_space<vmem>>, vector<1x16xf32>,
      %get3A_406 = vector.shape_cast %get3A_405 : vector<1x16xf32> to vector<16xf32>
      %sub3A_407 = arith.constant -3.68887949 : f32
      %sub3A_408 = vector.broadcast %sub3A_407 : f32 to vector<16xf32>
      %sub3A_409 = arith.subf %sub3A_408, %get3A_406 : vector<16xf32>
      %exp3A_410 = math.exp %sub3A_409 : vector<16xf32>
      %add3A_411 = arith.constant 1.000000e+00 : f32
      %add3A_412 = vector.broadcast %add3A_411 : f32 to vector<16xf32>
      %add3A_413 = arith.addf %add3A_412, %exp3A_410 : vector<16xf32>
      %div3A_414 = arith.constant 1.000000e+00 : f32
      %div3A_415 = vector.broadcast %div3A_414 : f32 to vector<16xf32>
      %div3A_416 = arith.divf %div3A_415, %add3A_413 : vector<16xf32>
      %swap3A_417 = arith.index_cast %scan3A_383 : i32 to index
      %swap3A_418 = arith.constant 16 : index
      %swap3A_419 = tpu.vector_load %arg8[%swap3A_417, %swap3A_418] {strides = array<i32>} : memref<50x128xf32, #tpu.memory_space<vmem>>, vector<1x16xf32>,
      %swap3A_420 = vector.shape_cast %swap3A_419 : vector<1x16xf32> to vector<16xf32>
      %swap3A_421 = vector.shape_cast %div3A_416 : vector<16xf32> to vector<1x16xf32>
      tpu.vector_store %arg8[%swap3A_417, %swap3A_418], %swap3A_421 {strides = array<i32>} : memref<50x128xf32, #tpu.memory_space<vmem>>, vector<1x16xf32>,
      %get3A_422 = arith.index_cast %scan3A_383 : i32 to index
      %get3A_423 = arith.constant 32 : index
      %get3A_424 = tpu.vector_load %arg8[%get3A_422, %get3A_423] {strides = array<i32>} : memref<50x128xf32, #tpu.memory_space<vmem>>, vector<1x16xf32>,
      %get3A_425 = vector.shape_cast %get3A_424 : vector<1x16xf32> to vector<16xf32>
      %sub3A_426 = arith.constant -3.68887949 : f32
      %sub3A_427 = vector.broadcast %sub3A_426 : f32 to vector<16xf32>
      %sub3A_428 = arith.subf %sub3A_427, %get3A_425 : vector<16xf32>
      %exp3A_429 = math.exp %sub3A_428 : vector<16xf32>
      %add3A_430 = arith.constant 1.000000e+00 : f32
      %add3A_431 = vector.broadcast %add3A_430 : f32 to vector<16xf32>
      %add3A_432 = arith.addf %add3A_431, %exp3A_429 : vector<16xf32>
      %div3A_433 = arith.constant 1.000000e+00 : f32
      %div3A_434 = vector.broadcast %div3A_433 : f32 to vector<16xf32>
      %div3A_435 = arith.divf %div3A_434, %add3A_432 : vector<16xf32>
      %swap3A_436 = arith.index_cast %scan3A_383 : i32 to index
      %swap3A_437 = arith.constant 32 : index
      %swap3A_438 = tpu.vector_load %arg8[%swap3A_436, %swap3A_437] {strides = array<i32>} : memref<50x128xf32, #tpu.memory_space<vmem>>, vector<1x16xf32>,
      %swap3A_439 = vector.shape_cast %swap3A_438 : vector<1x16xf32> to vector<16xf32>
      %swap3A_440 = vector.shape_cast %div3A_435 : vector<16xf32> to vector<1x16xf32>
      tpu.vector_store %arg8[%swap3A_436, %swap3A_437], %swap3A_440 {strides = array<i32>} : memref<50x128xf32, #tpu.memory_space<vmem>>, vector<1x16xf32>,
      %get3A_441 = arith.index_cast %scan3A_383 : i32 to index
      %get3A_442 = arith.constant 48 : index
      %get3A_443 = tpu.vector_load %arg8[%get3A_441, %get3A_442] {strides = array<i32>} : memref<50x128xf32, #tpu.memory_space<vmem>>, vector<1x16xf32>,
      %get3A_444 = vector.shape_cast %get3A_443 : vector<1x16xf32> to vector<16xf32>
      %sub3A_445 = arith.constant -3.68887949 : f32
      %sub3A_446 = vector.broadcast %sub3A_445 : f32 to vector<16xf32>
      %sub3A_447 = arith.subf %sub3A_446, %get3A_444 : vector<16xf32>
      %exp3A_448 = math.exp %sub3A_447 : vector<16xf32>
      %add3A_449 = arith.constant 1.000000e+00 : f32
      %add3A_450 = vector.broadcast %add3A_449 : f32 to vector<16xf32>
      %add3A_451 = arith.addf %add3A_450, %exp3A_448 : vector<16xf32>
      %div3A_452 = arith.constant 1.000000e+00 : f32
      %div3A_453 = vector.broadcast %div3A_452 : f32 to vector<16xf32>
      %div3A_454 = arith.divf %div3A_453, %add3A_451 : vector<16xf32>
      %swap3A_455 = arith.index_cast %scan3A_383 : i32 to index
      %swap3A_456 = arith.constant 48 : index
      %swap3A_457 = tpu.vector_load %arg8[%swap3A_455, %swap3A_456] {strides = array<i32>} : memref<50x128xf32, #tpu.memory_space<vmem>>, vector<1x16xf32>,
      %swap3A_458 = vector.shape_cast %swap3A_457 : vector<1x16xf32> to vector<16xf32>
      %swap3A_459 = vector.shape_cast %div3A_454 : vector<16xf32> to vector<1x16xf32>
      tpu.vector_store %arg8[%swap3A_455, %swap3A_456], %swap3A_459 {strides = array<i32>} : memref<50x128xf32, #tpu.memory_space<vmem>>, vector<1x16xf32>,
      %get3A_460 = arith.index_cast %scan3A_383 : i32 to index
      %get3A_461 = arith.constant 64 : index
      %get3A_462 = tpu.vector_load %arg8[%get3A_460, %get3A_461] {strides = array<i32>} : memref<50x128xf32, #tpu.memory_space<vmem>>, vector<1x16xf32>,
      %get3A_463 = vector.shape_cast %get3A_462 : vector<1x16xf32> to vector<16xf32>
      %sub3A_464 = arith.constant -3.68887949 : f32
      %sub3A_465 = vector.broadcast %sub3A_464 : f32 to vector<16xf32>
      %sub3A_466 = arith.subf %sub3A_465, %get3A_463 : vector<16xf32>
      %exp3A_467 = math.exp %sub3A_466 : vector<16xf32>
      %add3A_468 = arith.constant 1.000000e+00 : f32
      %add3A_469 = vector.broadcast %add3A_468 : f32 to vector<16xf32>
      %add3A_470 = arith.addf %add3A_469, %exp3A_467 : vector<16xf32>
      %div3A_471 = arith.constant 1.000000e+00 : f32
      %div3A_472 = vector.broadcast %div3A_471 : f32 to vector<16xf32>
      %div3A_473 = arith.divf %div3A_472, %add3A_470 : vector<16xf32>
      %swap3A_474 = arith.index_cast %scan3A_383 : i32 to index
      %swap3A_475 = arith.constant 64 : index
      %swap3A_476 = tpu.vector_load %arg8[%swap3A_474, %swap3A_475] {strides = array<i32>} : memref<50x128xf32, #tpu.memory_space<vmem>>, vector<1x16xf32>,
      %swap3A_477 = vector.shape_cast %swap3A_476 : vector<1x16xf32> to vector<16xf32>
      %swap3A_478 = vector.shape_cast %div3A_473 : vector<16xf32> to vector<1x16xf32>
      tpu.vector_store %arg8[%swap3A_474, %swap3A_475], %swap3A_478 {strides = array<i32>} : memref<50x128xf32, #tpu.memory_space<vmem>>, vector<1x16xf32>,
      %get3A_479 = arith.index_cast %scan3A_383 : i32 to index
      %get3A_480 = arith.constant 80 : index
      %get3A_481 = tpu.vector_load %arg8[%get3A_479, %get3A_480] {strides = array<i32>} : memref<50x128xf32, #tpu.memory_space<vmem>>, vector<1x16xf32>,
      %get3A_482 = vector.shape_cast %get3A_481 : vector<1x16xf32> to vector<16xf32>
      %sub3A_483 = arith.constant -3.68887949 : f32
      %sub3A_484 = vector.broadcast %sub3A_483 : f32 to vector<16xf32>
      %sub3A_485 = arith.subf %sub3A_484, %get3A_482 : vector<16xf32>
      %exp3A_486 = math.exp %sub3A_485 : vector<16xf32>
      %add3A_487 = arith.constant 1.000000e+00 : f32
      %add3A_488 = vector.broadcast %add3A_487 : f32 to vector<16xf32>
      %add3A_489 = arith.addf %add3A_488, %exp3A_486 : vector<16xf32>
      %div3A_490 = arith.constant 1.000000e+00 : f32
      %div3A_491 = vector.broadcast %div3A_490 : f32 to vector<16xf32>
      %div3A_492 = arith.divf %div3A_491, %add3A_489 : vector<16xf32>
      %swap3A_493 = arith.index_cast %scan3A_383 : i32 to index
      %swap3A_494 = arith.constant 80 : index
      %swap3A_495 = tpu.vector_load %arg8[%swap3A_493, %swap3A_494] {strides = array<i32>} : memref<50x128xf32, #tpu.memory_space<vmem>>, vector<1x16xf32>,
      %swap3A_496 = vector.shape_cast %swap3A_495 : vector<1x16xf32> to vector<16xf32>
      %swap3A_497 = vector.shape_cast %div3A_492 : vector<16xf32> to vector<1x16xf32>
      tpu.vector_store %arg8[%swap3A_493, %swap3A_494], %swap3A_497 {strides = array<i32>} : memref<50x128xf32, #tpu.memory_space<vmem>>, vector<1x16xf32>,
      %get3A_498 = arith.index_cast %scan3A_383 : i32 to index
      %get3A_499 = arith.constant 96 : index
      %get3A_500 = tpu.vector_load %arg8[%get3A_498, %get3A_499] {strides = array<i32>} : memref<50x128xf32, #tpu.memory_space<vmem>>, vector<1x16xf32>,
      %get3A_501 = vector.shape_cast %get3A_500 : vector<1x16xf32> to vector<16xf32>
      %sub3A_502 = arith.constant -3.68887949 : f32
      %sub3A_503 = vector.broadcast %sub3A_502 : f32 to vector<16xf32>
      %sub3A_504 = arith.subf %sub3A_503, %get3A_501 : vector<16xf32>
      %exp3A_505 = math.exp %sub3A_504 : vector<16xf32>
      %add3A_506 = arith.constant 1.000000e+00 : f32
      %add3A_507 = vector.broadcast %add3A_506 : f32 to vector<16xf32>
      %add3A_508 = arith.addf %add3A_507, %exp3A_505 : vector<16xf32>
      %div3A_509 = arith.constant 1.000000e+00 : f32
      %div3A_510 = vector.broadcast %div3A_509 : f32 to vector<16xf32>
      %div3A_511 = arith.divf %div3A_510, %add3A_508 : vector<16xf32>
      %swap3A_512 = arith.index_cast %scan3A_383 : i32 to index
      %swap3A_513 = arith.constant 96 : index
      %swap3A_514 = tpu.vector_load %arg8[%swap3A_512, %swap3A_513] {strides = array<i32>} : memref<50x128xf32, #tpu.memory_space<vmem>>, vector<1x16xf32>,
      %swap3A_515 = vector.shape_cast %swap3A_514 : vector<1x16xf32> to vector<16xf32>
      %swap3A_516 = vector.shape_cast %div3A_511 : vector<16xf32> to vector<1x16xf32>
      tpu.vector_store %arg8[%swap3A_512, %swap3A_513], %swap3A_516 {strides = array<i32>} : memref<50x128xf32, #tpu.memory_space<vmem>>, vector<1x16xf32>,
      %get3A_517 = arith.index_cast %scan3A_383 : i32 to index
      %get3A_518 = arith.constant 112 : index
      %get3A_519 = tpu.vector_load %arg8[%get3A_517, %get3A_518] {strides = array<i32>} : memref<50x128xf32, #tpu.memory_space<vmem>>, vector<1x16xf32>,
      %get3A_520 = vector.shape_cast %get3A_519 : vector<1x16xf32> to vector<16xf32>
      %sub3A_521 = arith.constant -3.68887949 : f32
      %sub3A_522 = vector.broadcast %sub3A_521 : f32 to vector<16xf32>
      %sub3A_523 = arith.subf %sub3A_522, %get3A_520 : vector<16xf32>
      %exp3A_524 = math.exp %sub3A_523 : vector<16xf32>
      %add3A_525 = arith.constant 1.000000e+00 : f32
      %add3A_526 = vector.broadcast %add3A_525 : f32 to vector<16xf32>
      %add3A_527 = arith.addf %add3A_526, %exp3A_524 : vector<16xf32>
      %div3A_528 = arith.constant 1.000000e+00 : f32
      %div3A_529 = vector.broadcast %div3A_528 : f32 to vector<16xf32>
      %div3A_530 = arith.divf %div3A_529, %add3A_527 : vector<16xf32>
      %swap3A_531 = arith.index_cast %scan3A_383 : i32 to index
      %swap3A_532 = arith.constant 112 : index
      %swap3A_533 = tpu.vector_load %arg8[%swap3A_531, %swap3A_532] {strides = array<i32>} : memref<50x128xf32, #tpu.memory_space<vmem>>, vector<1x16xf32>,
      %swap3A_534 = vector.shape_cast %swap3A_533 : vector<1x16xf32> to vector<16xf32>
      %swap3A_535 = vector.shape_cast %div3A_530 : vector<16xf32> to vector<1x16xf32>
      tpu.vector_store %arg8[%swap3A_531, %swap3A_532], %swap3A_535 {strides = array<i32>} : memref<50x128xf32, #tpu.memory_space<vmem>>, vector<1x16xf32>,
    }
    %scan3A_382 = arith.constant 50 : i32
    "tpu.region"() ({
      %run_scoped3A = tpu.sem_alloc : memref<!tpu.dma_semaphore, #tpu.memory_space<semaphore_mem>>
      %dma_start3A_383 = arith.constant 0 : i32
      %dma_start3A_384 = arith.constant 0 : i32
      %dma_start3A_385 = tpu.memref_slice %arg5[%add3A, %dma_start3A_383, %dma_start3A_384] : memref<32x50x128xf32, #tpu.memory_space<hbm>> -> memref<1x50x128xf32, #tpu.memory_space<hbm>>
      %dma_start3A_386 = tpu.memref_squeeze %dma_start3A_385 : memref<1x50x128xf32, #tpu.memory_space<hbm>> -> memref<50x128xf32, #tpu.memory_space<hbm>>
      %dma_start3A_387 = arith.constant 0 : i32
      %dma_start3A_388 = arith.constant 0 : i32
      %dma_start3A_389 = tpu.memref_slice %arg5[%add3A, %dma_start3A_387, %dma_start3A_388] : memref<32x50x128xf32, #tpu.memory_space<hbm>> -> memref<1x50x128xf32, #tpu.memory_space<hbm>>
      %dma_start3A_390 = tpu.memref_squeeze %dma_start3A_389 : memref<1x50x128xf32, #tpu.memory_space<hbm>> -> memref<50x128xf32, #tpu.memory_space<hbm>>
      tpu.enqueue_dma source(%arg8 : memref<50x128xf32, #tpu.memory_space<vmem>>) target(%dma_start3A_390 : memref<50x128xf32, #tpu.memory_space<hbm>>) target_semaphore(%run_scoped3A : memref<!tpu.dma_semaphore, #tpu.memory_space<semaphore_mem>>)
      %dma_wait3A_391 = arith.constant 0 : i32
      %dma_wait3A_392 = arith.constant 0 : i32
      %dma_wait3A_393 = tpu.memref_slice %arg5[%add3A, %dma_wait3A_391, %dma_wait3A_392] : memref<32x50x128xf32, #tpu.memory_space<hbm>> -> memref<1x50x128xf32, #tpu.memory_space<hbm>>
      %dma_wait3A_394 = tpu.memref_squeeze %dma_wait3A_393 : memref<1x50x128xf32, #tpu.memory_space<hbm>> -> memref<50x128xf32, #tpu.memory_space<hbm>>
      %dma_wait3A_395 = arith.constant 0 : i32
      %dma_wait3A_396 = arith.constant 0 : i32
      %dma_wait3A_397 = tpu.memref_slice %arg5[%add3A, %dma_wait3A_395, %dma_wait3A_396] : memref<32x50x128xf32, #tpu.memory_space<hbm>> -> memref<1x50x128xf32, #tpu.memory_space<hbm>>
      %dma_wait3A_398 = tpu.memref_squeeze %dma_wait3A_397 : memref<1x50x128xf32, #tpu.memory_space<hbm>> -> memref<50x128xf32, #tpu.memory_space<hbm>>
      tpu.wait_dma2 semaphore(%run_scoped3A : memref<!tpu.dma_semaphore, #tpu.memory_space<semaphore_mem>>) src(%arg8 : memref<50x128xf32, #tpu.memory_space<vmem>>) dst(%dma_wait3A_398 : memref<50x128xf32, #tpu.memory_space<hbm>>)
      tpu.yield
    }) : () -> ()
    "tpu.region"() ({
      %run_scoped3A = tpu.sem_alloc : memref<!tpu.dma_semaphore, #tpu.memory_space<semaphore_mem>>
      %dma_start3A_383 = arith.constant 0 : i32
      %dma_start3A_384 = arith.constant 0 : i32
      %dma_start3A_385 = tpu.memref_slice %arg6[%add3A, %dma_start3A_383, %dma_start3A_384] : memref<32x2x128xf32, #tpu.memory_space<hbm>> -> memref<1x2x128xf32, #tpu.memory_space<hbm>>
      %dma_start3A_386 = tpu.memref_squeeze %dma_start3A_385 : memref<1x2x128xf32, #tpu.memory_space<hbm>> -> memref<2x128xf32, #tpu.memory_space<hbm>>
      %dma_start3A_387 = arith.constant 0 : i32
      %dma_start3A_388 = arith.constant 0 : i32
      %dma_start3A_389 = tpu.memref_slice %arg6[%add3A, %dma_start3A_387, %dma_start3A_388] : memref<32x2x128xf32, #tpu.memory_space<hbm>> -> memref<1x2x128xf32, #tpu.memory_space<hbm>>
      %dma_start3A_390 = tpu.memref_squeeze %dma_start3A_389 : memref<1x2x128xf32, #tpu.memory_space<hbm>> -> memref<2x128xf32, #tpu.memory_space<hbm>>
      tpu.enqueue_dma source(%arg10 : memref<2x128xf32, #tpu.memory_space<vmem>>) target(%dma_start3A_390 : memref<2x128xf32, #tpu.memory_space<hbm>>) target_semaphore(%run_scoped3A : memref<!tpu.dma_semaphore, #tpu.memory_space<semaphore_mem>>)
      %dma_wait3A_391 = arith.constant 0 : i32
      %dma_wait3A_392 = arith.constant 0 : i32
      %dma_wait3A_393 = tpu.memref_slice %arg6[%add3A, %dma_wait3A_391, %dma_wait3A_392] : memref<32x2x128xf32, #tpu.memory_space<hbm>> -> memref<1x2x128xf32, #tpu.memory_space<hbm>>
      %dma_wait3A_394 = tpu.memref_squeeze %dma_wait3A_393 : memref<1x2x128xf32, #tpu.memory_space<hbm>> -> memref<2x128xf32, #tpu.memory_space<hbm>>
      %dma_wait3A_395 = arith.constant 0 : i32
      %dma_wait3A_396 = arith.constant 0 : i32
      %dma_wait3A_397 = tpu.memref_slice %arg6[%add3A, %dma_wait3A_395, %dma_wait3A_396] : memref<32x2x128xf32, #tpu.memory_space<hbm>> -> memref<1x2x128xf32, #tpu.memory_space<hbm>>
      %dma_wait3A_398 = tpu.memref_squeeze %dma_wait3A_397 : memref<1x2x128xf32, #tpu.memory_space<hbm>> -> memref<2x128xf32, #tpu.memory_space<hbm>>
      tpu.wait_dma2 semaphore(%run_scoped3A : memref<!tpu.dma_semaphore, #tpu.memory_space<semaphore_mem>>) src(%arg10 : memref<2x128xf32, #tpu.memory_space<vmem>>) dst(%dma_wait3A_398 : memref<2x128xf32, #tpu.memory_space<hbm>>)
      tpu.yield
    }) : () -> ()
    return
  }
}

module attributes {stable_mosaic.version = 14 : i64} {
  func.func @_mm_body(%arg0: i32, %arg1: memref<1024x128xf32, #tpu.memory_space<vmem>>, %arg2: memref<128x1024xf32, #tpu.memory_space<vmem>>, %arg3: memref<1x1024xf32, #tpu.memory_space<vmem>>, %arg4: memref<128x8x8x128xf32, #tpu.memory_space<vmem>>) attributes {dimension_semantics = [#tpu.dimension_semantics<arbitrary>], iteration_bounds = array<i64: 8>, scalar_prefetch = 0 : i64, scratch_operands = 0 : i64, tpu.core_type = #tpu.core_type<tc>, window_params = [{transform_indices = @transform_0, window_bounds = array<i64: 1024, 128>}, {pipeline_mode = #tpu.pipeline_mode<synchronous>, transform_indices = @transform_1, window_bounds = array<i64: 128, 1024>}, {pipeline_mode = #tpu.pipeline_mode<synchronous>, transform_indices = @transform_2, window_bounds = array<i64: 1, 1024>}, {transform_indices = @transform_3, window_bounds = array<i64: 128, 8, 8, 128>}]} {
    %get3A = arith.constant 0 : index
    %get3A_0 = arith.constant 0 : index
    %get3A_1 = vector.load %arg1[%get3A, %get3A_0] : memref<1024x128xf32, #tpu.memory_space<vmem>>, vector<1024x128xf32>
    %get3A_2 = arith.constant 0 : index
    %get3A_3 = arith.constant 0 : index
    %get3A_4 = vector.load %arg2[%get3A_2, %get3A_3] : memref<128x1024xf32, #tpu.memory_space<vmem>>, vector<128x1024xf32>
    %dot_general3A = arith.constant dense<0.000000e+00> : vector<1024x1024xf32>
    %dot_general3A_5 = tpu.matmul %get3A_1, %get3A_4, %dot_general3A {dimension_numbers = #tpu.dot_dimension_numbers<[1], [0], [0], [1], [0, 0, 1, 1], [], []>, transpose_lhs_hint = false} : vector<1024x128xf32>, vector<128x1024xf32>, vector<1024x1024xf32> -> vector<1024x1024xf32>
    %get3A_6 = arith.constant 0 : index
    %get3A_7 = arith.constant 0 : index
    %get3A_8 = vector.load %arg3[%get3A_6, %get3A_7] : memref<1x1024xf32, #tpu.memory_space<vmem>>, vector<1x1024xf32>
    %add3A = vector.broadcast %get3A_8 : vector<1x1024xf32> to vector<1024x1024xf32>
    %add3A_9 = arith.addf %dot_general3A_5, %add3A : vector<1024x1024xf32>
    %slice3A = vector.extract_strided_slice %add3A_9 {offsets = [0, 0], sizes = [1024, 128], strides = [1, 1]} : vector<1024x1024xf32> to vector<1024x128xf32>
    %reshape3A = vector.shape_cast %slice3A : vector<1024x128xf32> to vector<128x8x128xf32>
    %swap3A = arith.constant 0 : index
    %swap3A_10 = arith.constant 0 : index
    %swap3A_11 = arith.constant 0 : index
    %swap3A_12 = arith.constant 0 : index
    %swap3A_13 = vector.load %arg4[%swap3A, %swap3A_10, %swap3A_11, %swap3A_12] : memref<128x8x8x128xf32, #tpu.memory_space<vmem>>, vector<128x1x8x128xf32>
    %swap3A_14 = vector.shape_cast %swap3A_13 : vector<128x1x8x128xf32> to vector<128x8x128xf32>
    %swap3A_15 = vector.shape_cast %reshape3A : vector<128x8x128xf32> to vector<128x1x8x128xf32>
    tpu.vector_store %arg4[%swap3A, %swap3A_10, %swap3A_11, %swap3A_12], %swap3A_15 {strides = array<i32>} : memref<128x8x8x128xf32, #tpu.memory_space<vmem>>, vector<128x1x8x128xf32>,
    %slice3A_16 = vector.extract_strided_slice %add3A_9 {offsets = [0, 128], sizes = [1024, 128], strides = [1, 1]} : vector<1024x1024xf32> to vector<1024x128xf32>
    %reshape3A_17 = vector.shape_cast %slice3A_16 : vector<1024x128xf32> to vector<128x8x128xf32>
    %swap3A_18 = arith.constant 0 : index
    %swap3A_19 = arith.constant 1 : index
    %swap3A_20 = arith.constant 0 : index
    %swap3A_21 = arith.constant 0 : index
    %swap3A_22 = vector.load %arg4[%swap3A_18, %swap3A_19, %swap3A_20, %swap3A_21] : memref<128x8x8x128xf32, #tpu.memory_space<vmem>>, vector<128x1x8x128xf32>
    %swap3A_23 = vector.shape_cast %swap3A_22 : vector<128x1x8x128xf32> to vector<128x8x128xf32>
    %swap3A_24 = vector.shape_cast %reshape3A_17 : vector<128x8x128xf32> to vector<128x1x8x128xf32>
    tpu.vector_store %arg4[%swap3A_18, %swap3A_19, %swap3A_20, %swap3A_21], %swap3A_24 {strides = array<i32>} : memref<128x8x8x128xf32, #tpu.memory_space<vmem>>, vector<128x1x8x128xf32>,
    %slice3A_25 = vector.extract_strided_slice %add3A_9 {offsets = [0, 256], sizes = [1024, 128], strides = [1, 1]} : vector<1024x1024xf32> to vector<1024x128xf32>
    %reshape3A_26 = vector.shape_cast %slice3A_25 : vector<1024x128xf32> to vector<128x8x128xf32>
    %swap3A_27 = arith.constant 0 : index
    %swap3A_28 = arith.constant 2 : index
    %swap3A_29 = arith.constant 0 : index
    %swap3A_30 = arith.constant 0 : index
    %swap3A_31 = vector.load %arg4[%swap3A_27, %swap3A_28, %swap3A_29, %swap3A_30] : memref<128x8x8x128xf32, #tpu.memory_space<vmem>>, vector<128x1x8x128xf32>
    %swap3A_32 = vector.shape_cast %swap3A_31 : vector<128x1x8x128xf32> to vector<128x8x128xf32>
    %swap3A_33 = vector.shape_cast %reshape3A_26 : vector<128x8x128xf32> to vector<128x1x8x128xf32>
    tpu.vector_store %arg4[%swap3A_27, %swap3A_28, %swap3A_29, %swap3A_30], %swap3A_33 {strides = array<i32>} : memref<128x8x8x128xf32, #tpu.memory_space<vmem>>, vector<128x1x8x128xf32>,
    %slice3A_34 = vector.extract_strided_slice %add3A_9 {offsets = [0, 384], sizes = [1024, 128], strides = [1, 1]} : vector<1024x1024xf32> to vector<1024x128xf32>
    %reshape3A_35 = vector.shape_cast %slice3A_34 : vector<1024x128xf32> to vector<128x8x128xf32>
    %swap3A_36 = arith.constant 0 : index
    %swap3A_37 = arith.constant 3 : index
    %swap3A_38 = arith.constant 0 : index
    %swap3A_39 = arith.constant 0 : index
    %swap3A_40 = vector.load %arg4[%swap3A_36, %swap3A_37, %swap3A_38, %swap3A_39] : memref<128x8x8x128xf32, #tpu.memory_space<vmem>>, vector<128x1x8x128xf32>
    %swap3A_41 = vector.shape_cast %swap3A_40 : vector<128x1x8x128xf32> to vector<128x8x128xf32>
    %swap3A_42 = vector.shape_cast %reshape3A_35 : vector<128x8x128xf32> to vector<128x1x8x128xf32>
    tpu.vector_store %arg4[%swap3A_36, %swap3A_37, %swap3A_38, %swap3A_39], %swap3A_42 {strides = array<i32>} : memref<128x8x8x128xf32, #tpu.memory_space<vmem>>, vector<128x1x8x128xf32>,
    %slice3A_43 = vector.extract_strided_slice %add3A_9 {offsets = [0, 512], sizes = [1024, 128], strides = [1, 1]} : vector<1024x1024xf32> to vector<1024x128xf32>
    %reshape3A_44 = vector.shape_cast %slice3A_43 : vector<1024x128xf32> to vector<128x8x128xf32>
    %swap3A_45 = arith.constant 0 : index
    %swap3A_46 = arith.constant 4 : index
    %swap3A_47 = arith.constant 0 : index
    %swap3A_48 = arith.constant 0 : index
    %swap3A_49 = vector.load %arg4[%swap3A_45, %swap3A_46, %swap3A_47, %swap3A_48] : memref<128x8x8x128xf32, #tpu.memory_space<vmem>>, vector<128x1x8x128xf32>
    %swap3A_50 = vector.shape_cast %swap3A_49 : vector<128x1x8x128xf32> to vector<128x8x128xf32>
    %swap3A_51 = vector.shape_cast %reshape3A_44 : vector<128x8x128xf32> to vector<128x1x8x128xf32>
    tpu.vector_store %arg4[%swap3A_45, %swap3A_46, %swap3A_47, %swap3A_48], %swap3A_51 {strides = array<i32>} : memref<128x8x8x128xf32, #tpu.memory_space<vmem>>, vector<128x1x8x128xf32>,
    %slice3A_52 = vector.extract_strided_slice %add3A_9 {offsets = [0, 640], sizes = [1024, 128], strides = [1, 1]} : vector<1024x1024xf32> to vector<1024x128xf32>
    %reshape3A_53 = vector.shape_cast %slice3A_52 : vector<1024x128xf32> to vector<128x8x128xf32>
    %swap3A_54 = arith.constant 0 : index
    %swap3A_55 = arith.constant 5 : index
    %swap3A_56 = arith.constant 0 : index
    %swap3A_57 = arith.constant 0 : index
    %swap3A_58 = vector.load %arg4[%swap3A_54, %swap3A_55, %swap3A_56, %swap3A_57] : memref<128x8x8x128xf32, #tpu.memory_space<vmem>>, vector<128x1x8x128xf32>
    %swap3A_59 = vector.shape_cast %swap3A_58 : vector<128x1x8x128xf32> to vector<128x8x128xf32>
    %swap3A_60 = vector.shape_cast %reshape3A_53 : vector<128x8x128xf32> to vector<128x1x8x128xf32>
    tpu.vector_store %arg4[%swap3A_54, %swap3A_55, %swap3A_56, %swap3A_57], %swap3A_60 {strides = array<i32>} : memref<128x8x8x128xf32, #tpu.memory_space<vmem>>, vector<128x1x8x128xf32>,
    %slice3A_61 = vector.extract_strided_slice %add3A_9 {offsets = [0, 768], sizes = [1024, 128], strides = [1, 1]} : vector<1024x1024xf32> to vector<1024x128xf32>
    %reshape3A_62 = vector.shape_cast %slice3A_61 : vector<1024x128xf32> to vector<128x8x128xf32>
    %swap3A_63 = arith.constant 0 : index
    %swap3A_64 = arith.constant 6 : index
    %swap3A_65 = arith.constant 0 : index
    %swap3A_66 = arith.constant 0 : index
    %swap3A_67 = vector.load %arg4[%swap3A_63, %swap3A_64, %swap3A_65, %swap3A_66] : memref<128x8x8x128xf32, #tpu.memory_space<vmem>>, vector<128x1x8x128xf32>
    %swap3A_68 = vector.shape_cast %swap3A_67 : vector<128x1x8x128xf32> to vector<128x8x128xf32>
    %swap3A_69 = vector.shape_cast %reshape3A_62 : vector<128x8x128xf32> to vector<128x1x8x128xf32>
    tpu.vector_store %arg4[%swap3A_63, %swap3A_64, %swap3A_65, %swap3A_66], %swap3A_69 {strides = array<i32>} : memref<128x8x8x128xf32, #tpu.memory_space<vmem>>, vector<128x1x8x128xf32>,
    %slice3A_70 = vector.extract_strided_slice %add3A_9 {offsets = [0, 896], sizes = [1024, 128], strides = [1, 1]} : vector<1024x1024xf32> to vector<1024x128xf32>
    %reshape3A_71 = vector.shape_cast %slice3A_70 : vector<1024x128xf32> to vector<128x8x128xf32>
    %swap3A_72 = arith.constant 0 : index
    %swap3A_73 = arith.constant 7 : index
    %swap3A_74 = arith.constant 0 : index
    %swap3A_75 = arith.constant 0 : index
    %swap3A_76 = vector.load %arg4[%swap3A_72, %swap3A_73, %swap3A_74, %swap3A_75] : memref<128x8x8x128xf32, #tpu.memory_space<vmem>>, vector<128x1x8x128xf32>
    %swap3A_77 = vector.shape_cast %swap3A_76 : vector<128x1x8x128xf32> to vector<128x8x128xf32>
    %swap3A_78 = vector.shape_cast %reshape3A_71 : vector<128x8x128xf32> to vector<128x1x8x128xf32>
    tpu.vector_store %arg4[%swap3A_72, %swap3A_73, %swap3A_74, %swap3A_75], %swap3A_78 {strides = array<i32>} : memref<128x8x8x128xf32, #tpu.memory_space<vmem>>, vector<128x1x8x128xf32>,
    return
  }
  func.func @transform_0(%arg0: i32) -> (i32, i32) {
    %add3A = arith.constant 8 : i32
    %add3A_0 = arith.addi %arg0, %add3A : i32
    %c0_i32 = arith.constant 0 : i32
    %c0_i32_1 = arith.constant 0 : i32
    return %add3A_0, %c0_i32 : i32, i32
  }
  func.func @transform_1(%arg0: i32) -> (i32, i32) {
    %c0_i32 = arith.constant 0 : i32
    %c0_i32_0 = arith.constant 0 : i32
    %c0_i32_1 = arith.constant 0 : i32
    return %c0_i32, %c0_i32_0 : i32, i32
  }
  func.func @transform_2(%arg0: i32) -> (i32, i32) {
    %c0_i32 = arith.constant 0 : i32
    %c0_i32_0 = arith.constant 0 : i32
    %c0_i32_1 = arith.constant 0 : i32
    return %c0_i32, %c0_i32_0 : i32, i32
  }
  func.func @transform_3(%arg0: i32) -> (i32, i32, i32, i32) {
    %c0_i32 = arith.constant 0 : i32
    %c0_i32_0 = arith.constant 0 : i32
    %c0_i32_1 = arith.constant 0 : i32
    %c0_i32_2 = arith.constant 0 : i32
    return %arg0, %c0_i32, %c0_i32_0, %c0_i32_1 : i32, i32, i32, i32
  }
}

module attributes {stable_mosaic.version = 14 : i64} {
  func.func @_mm_body(%arg0: i32, %arg1: memref<1024x128xf32, #tpu.memory_space<vmem>>, %arg2: memref<128x1024xf32, #tpu.memory_space<vmem>>, %arg3: memref<1x1024xf32, #tpu.memory_space<vmem>>, %arg4: memref<128x8x8x128xf32, #tpu.memory_space<vmem>>) attributes {dimension_semantics = [#tpu.dimension_semantics<arbitrary>], iteration_bounds = array<i64: 8>, scalar_prefetch = 0 : i64, scratch_operands = 0 : i64, tpu.core_type = #tpu.core_type<tc>, window_params = [{transform_indices = @transform_0, window_bounds = array<i64: 1024, 128>}, {pipeline_mode = #tpu.pipeline_mode<synchronous>, transform_indices = @transform_1, window_bounds = array<i64: 128, 1024>}, {pipeline_mode = #tpu.pipeline_mode<synchronous>, transform_indices = @transform_2, window_bounds = array<i64: 1, 1024>}, {transform_indices = @transform_3, window_bounds = array<i64: 128, 8, 8, 128>}]} {
    %get3A = arith.constant 0 : index
    %get3A_0 = arith.constant 0 : index
    %get3A_1 = vector.load %arg1[%get3A, %get3A_0] : memref<1024x128xf32, #tpu.memory_space<vmem>>, vector<1024x128xf32>
    %get3A_2 = arith.constant 0 : index
    %get3A_3 = arith.constant 0 : index
    %get3A_4 = vector.load %arg2[%get3A_2, %get3A_3] : memref<128x1024xf32, #tpu.memory_space<vmem>>, vector<128x1024xf32>
    %dot_general3A = arith.constant dense<0.000000e+00> : vector<1024x1024xf32>
    %dot_general3A_5 = tpu.matmul %get3A_1, %get3A_4, %dot_general3A {dimension_numbers = #tpu.dot_dimension_numbers<[1], [0], [0], [1], [0, 0, 1, 1], [], []>, transpose_lhs_hint = false} : vector<1024x128xf32>, vector<128x1024xf32>, vector<1024x1024xf32> -> vector<1024x1024xf32>
    %get3A_6 = arith.constant 0 : index
    %get3A_7 = arith.constant 0 : index
    %get3A_8 = vector.load %arg3[%get3A_6, %get3A_7] : memref<1x1024xf32, #tpu.memory_space<vmem>>, vector<1x1024xf32>
    %add3A = vector.broadcast %get3A_8 : vector<1x1024xf32> to vector<1024x1024xf32>
    %add3A_9 = arith.addf %dot_general3A_5, %add3A : vector<1024x1024xf32>
    %slice3A = vector.extract_strided_slice %add3A_9 {offsets = [0, 0], sizes = [1024, 128], strides = [1, 1]} : vector<1024x1024xf32> to vector<1024x128xf32>
    %reshape3A = vector.shape_cast %slice3A : vector<1024x128xf32> to vector<128x8x128xf32>
    %swap3A = arith.constant 0 : index
    %swap3A_10 = arith.constant 0 : index
    %swap3A_11 = arith.constant 0 : index
    %swap3A_12 = arith.constant 0 : index
    %swap3A_13 = vector.load %arg4[%swap3A, %swap3A_10, %swap3A_11, %swap3A_12] : memref<128x8x8x128xf32, #tpu.memory_space<vmem>>, vector<128x1x8x128xf32>
    %swap3A_14 = vector.shape_cast %swap3A_13 : vector<128x1x8x128xf32> to vector<128x8x128xf32>
    %swap3A_15 = vector.shape_cast %reshape3A : vector<128x8x128xf32> to vector<128x1x8x128xf32>
    tpu.vector_store %arg4[%swap3A, %swap3A_10, %swap3A_11, %swap3A_12], %swap3A_15 {strides = array<i32>} : memref<128x8x8x128xf32, #tpu.memory_space<vmem>>, vector<128x1x8x128xf32>,
    %slice3A_16 = vector.extract_strided_slice %add3A_9 {offsets = [0, 128], sizes = [1024, 128], strides = [1, 1]} : vector<1024x1024xf32> to vector<1024x128xf32>
    %reshape3A_17 = vector.shape_cast %slice3A_16 : vector<1024x128xf32> to vector<128x8x128xf32>
    %swap3A_18 = arith.constant 0 : index
    %swap3A_19 = arith.constant 1 : index
    %swap3A_20 = arith.constant 0 : index
    %swap3A_21 = arith.constant 0 : index
    %swap3A_22 = vector.load %arg4[%swap3A_18, %swap3A_19, %swap3A_20, %swap3A_21] : memref<128x8x8x128xf32, #tpu.memory_space<vmem>>, vector<128x1x8x128xf32>
    %swap3A_23 = vector.shape_cast %swap3A_22 : vector<128x1x8x128xf32> to vector<128x8x128xf32>
    %swap3A_24 = vector.shape_cast %reshape3A_17 : vector<128x8x128xf32> to vector<128x1x8x128xf32>
    tpu.vector_store %arg4[%swap3A_18, %swap3A_19, %swap3A_20, %swap3A_21], %swap3A_24 {strides = array<i32>} : memref<128x8x8x128xf32, #tpu.memory_space<vmem>>, vector<128x1x8x128xf32>,
    %slice3A_25 = vector.extract_strided_slice %add3A_9 {offsets = [0, 256], sizes = [1024, 128], strides = [1, 1]} : vector<1024x1024xf32> to vector<1024x128xf32>
    %reshape3A_26 = vector.shape_cast %slice3A_25 : vector<1024x128xf32> to vector<128x8x128xf32>
    %swap3A_27 = arith.constant 0 : index
    %swap3A_28 = arith.constant 2 : index
    %swap3A_29 = arith.constant 0 : index
    %swap3A_30 = arith.constant 0 : index
    %swap3A_31 = vector.load %arg4[%swap3A_27, %swap3A_28, %swap3A_29, %swap3A_30] : memref<128x8x8x128xf32, #tpu.memory_space<vmem>>, vector<128x1x8x128xf32>
    %swap3A_32 = vector.shape_cast %swap3A_31 : vector<128x1x8x128xf32> to vector<128x8x128xf32>
    %swap3A_33 = vector.shape_cast %reshape3A_26 : vector<128x8x128xf32> to vector<128x1x8x128xf32>
    tpu.vector_store %arg4[%swap3A_27, %swap3A_28, %swap3A_29, %swap3A_30], %swap3A_33 {strides = array<i32>} : memref<128x8x8x128xf32, #tpu.memory_space<vmem>>, vector<128x1x8x128xf32>,
    %slice3A_34 = vector.extract_strided_slice %add3A_9 {offsets = [0, 384], sizes = [1024, 128], strides = [1, 1]} : vector<1024x1024xf32> to vector<1024x128xf32>
    %reshape3A_35 = vector.shape_cast %slice3A_34 : vector<1024x128xf32> to vector<128x8x128xf32>
    %swap3A_36 = arith.constant 0 : index
    %swap3A_37 = arith.constant 3 : index
    %swap3A_38 = arith.constant 0 : index
    %swap3A_39 = arith.constant 0 : index
    %swap3A_40 = vector.load %arg4[%swap3A_36, %swap3A_37, %swap3A_38, %swap3A_39] : memref<128x8x8x128xf32, #tpu.memory_space<vmem>>, vector<128x1x8x128xf32>
    %swap3A_41 = vector.shape_cast %swap3A_40 : vector<128x1x8x128xf32> to vector<128x8x128xf32>
    %swap3A_42 = vector.shape_cast %reshape3A_35 : vector<128x8x128xf32> to vector<128x1x8x128xf32>
    tpu.vector_store %arg4[%swap3A_36, %swap3A_37, %swap3A_38, %swap3A_39], %swap3A_42 {strides = array<i32>} : memref<128x8x8x128xf32, #tpu.memory_space<vmem>>, vector<128x1x8x128xf32>,
    %slice3A_43 = vector.extract_strided_slice %add3A_9 {offsets = [0, 512], sizes = [1024, 128], strides = [1, 1]} : vector<1024x1024xf32> to vector<1024x128xf32>
    %reshape3A_44 = vector.shape_cast %slice3A_43 : vector<1024x128xf32> to vector<128x8x128xf32>
    %swap3A_45 = arith.constant 0 : index
    %swap3A_46 = arith.constant 4 : index
    %swap3A_47 = arith.constant 0 : index
    %swap3A_48 = arith.constant 0 : index
    %swap3A_49 = vector.load %arg4[%swap3A_45, %swap3A_46, %swap3A_47, %swap3A_48] : memref<128x8x8x128xf32, #tpu.memory_space<vmem>>, vector<128x1x8x128xf32>
    %swap3A_50 = vector.shape_cast %swap3A_49 : vector<128x1x8x128xf32> to vector<128x8x128xf32>
    %swap3A_51 = vector.shape_cast %reshape3A_44 : vector<128x8x128xf32> to vector<128x1x8x128xf32>
    tpu.vector_store %arg4[%swap3A_45, %swap3A_46, %swap3A_47, %swap3A_48], %swap3A_51 {strides = array<i32>} : memref<128x8x8x128xf32, #tpu.memory_space<vmem>>, vector<128x1x8x128xf32>,
    %slice3A_52 = vector.extract_strided_slice %add3A_9 {offsets = [0, 640], sizes = [1024, 128], strides = [1, 1]} : vector<1024x1024xf32> to vector<1024x128xf32>
    %reshape3A_53 = vector.shape_cast %slice3A_52 : vector<1024x128xf32> to vector<128x8x128xf32>
    %swap3A_54 = arith.constant 0 : index
    %swap3A_55 = arith.constant 5 : index
    %swap3A_56 = arith.constant 0 : index
    %swap3A_57 = arith.constant 0 : index
    %swap3A_58 = vector.load %arg4[%swap3A_54, %swap3A_55, %swap3A_56, %swap3A_57] : memref<128x8x8x128xf32, #tpu.memory_space<vmem>>, vector<128x1x8x128xf32>
    %swap3A_59 = vector.shape_cast %swap3A_58 : vector<128x1x8x128xf32> to vector<128x8x128xf32>
    %swap3A_60 = vector.shape_cast %reshape3A_53 : vector<128x8x128xf32> to vector<128x1x8x128xf32>
    tpu.vector_store %arg4[%swap3A_54, %swap3A_55, %swap3A_56, %swap3A_57], %swap3A_60 {strides = array<i32>} : memref<128x8x8x128xf32, #tpu.memory_space<vmem>>, vector<128x1x8x128xf32>,
    %slice3A_61 = vector.extract_strided_slice %add3A_9 {offsets = [0, 768], sizes = [1024, 128], strides = [1, 1]} : vector<1024x1024xf32> to vector<1024x128xf32>
    %reshape3A_62 = vector.shape_cast %slice3A_61 : vector<1024x128xf32> to vector<128x8x128xf32>
    %swap3A_63 = arith.constant 0 : index
    %swap3A_64 = arith.constant 6 : index
    %swap3A_65 = arith.constant 0 : index
    %swap3A_66 = arith.constant 0 : index
    %swap3A_67 = vector.load %arg4[%swap3A_63, %swap3A_64, %swap3A_65, %swap3A_66] : memref<128x8x8x128xf32, #tpu.memory_space<vmem>>, vector<128x1x8x128xf32>
    %swap3A_68 = vector.shape_cast %swap3A_67 : vector<128x1x8x128xf32> to vector<128x8x128xf32>
    %swap3A_69 = vector.shape_cast %reshape3A_62 : vector<128x8x128xf32> to vector<128x1x8x128xf32>
    tpu.vector_store %arg4[%swap3A_63, %swap3A_64, %swap3A_65, %swap3A_66], %swap3A_69 {strides = array<i32>} : memref<128x8x8x128xf32, #tpu.memory_space<vmem>>, vector<128x1x8x128xf32>,
    %slice3A_70 = vector.extract_strided_slice %add3A_9 {offsets = [0, 896], sizes = [1024, 128], strides = [1, 1]} : vector<1024x1024xf32> to vector<1024x128xf32>
    %reshape3A_71 = vector.shape_cast %slice3A_70 : vector<1024x128xf32> to vector<128x8x128xf32>
    %swap3A_72 = arith.constant 0 : index
    %swap3A_73 = arith.constant 7 : index
    %swap3A_74 = arith.constant 0 : index
    %swap3A_75 = arith.constant 0 : index
    %swap3A_76 = vector.load %arg4[%swap3A_72, %swap3A_73, %swap3A_74, %swap3A_75] : memref<128x8x8x128xf32, #tpu.memory_space<vmem>>, vector<128x1x8x128xf32>
    %swap3A_77 = vector.shape_cast %swap3A_76 : vector<128x1x8x128xf32> to vector<128x8x128xf32>
    %swap3A_78 = vector.shape_cast %reshape3A_71 : vector<128x8x128xf32> to vector<128x1x8x128xf32>
    tpu.vector_store %arg4[%swap3A_72, %swap3A_73, %swap3A_74, %swap3A_75], %swap3A_78 {strides = array<i32>} : memref<128x8x8x128xf32, #tpu.memory_space<vmem>>, vector<128x1x8x128xf32>,
    return
  }
  func.func @transform_0(%arg0: i32) -> (i32, i32) {
    %add3A = arith.constant 0 : i32
    %add3A_0 = arith.addi %arg0, %add3A : i32
    %c0_i32 = arith.constant 0 : i32
    %c0_i32_1 = arith.constant 0 : i32
    return %add3A_0, %c0_i32 : i32, i32
  }
  func.func @transform_1(%arg0: i32) -> (i32, i32) {
    %c0_i32 = arith.constant 0 : i32
    %c0_i32_0 = arith.constant 0 : i32
    %c0_i32_1 = arith.constant 0 : i32
    return %c0_i32, %c0_i32_0 : i32, i32
  }
  func.func @transform_2(%arg0: i32) -> (i32, i32) {
    %c0_i32 = arith.constant 0 : i32
    %c0_i32_0 = arith.constant 0 : i32
    %c0_i32_1 = arith.constant 0 : i32
    return %c0_i32, %c0_i32_0 : i32, i32
  }
  func.func @transform_3(%arg0: i32) -> (i32, i32, i32, i32) {
    %c0_i32 = arith.constant 0 : i32
    %c0_i32_0 = arith.constant 0 : i32
    %c0_i32_1 = arith.constant 0 : i32
    %c0_i32_2 = arith.constant 0 : i32
    return %arg0, %c0_i32, %c0_i32_0, %c0_i32_1 : i32, i32, i32, i32
  }
}

</mosaic_0001>

<sc_bundles>
// kernel: kernel.6.cloned.1.call-start
scs
__scs_entry_jumppad:
0x0: {  	(pc) =	sbr.rel $0x88, $3  }
0x1: {  	(tag) =	ssettag $0x0;
	lr =	simm.s32 $0x1  }
0x2: {  	[smem:$0x3F9D] =	sst lr;
	_ =	strace $0xD0000000  }
0x3: {  	_ = 	snop  }
0x4: {  	_ = 	snop  }
0x5: {  	_ = 	snop  }
0x6: {  	_ = 	snop  }
0x7: {  	_ = 	snop  }
__scs_overlays_trampoline_lowered:
0x8: {  	[smem:$0x3FAC] =	sst s0  }
0x9: {  	[smem:$0x3FAD] =	sst s1  }
0xa: {  	[smem:$0x3FAE] =	sst s2  }
0xb: {  	[smem:$0x3FAF] =	sst s3  }
0xc: {  	[smem:$0x3FB0] =	sst s4  }
0xd: {  	[smem:$0x3FB1] =	sst s5  }
0xe: {  	[smem:$0x3FB2] =	sst s6  }
0xf: {  	[smem:$0x3FB3] =	sst s7  }
0x10: {  	[smem:$0x3FB4] =	sst s8  }
0x11: {  	[smem:$0x3FB5] =	sst s9;
	s0 =	simm.s32 @!p0 $0x0  }
0x12: {  	s1 =	sld [smem:$0x3F9B];
	s0 =	simm.s32 @p0 $0x1  }
0x13: {  	[smem:$0x3FB6] =	sst s0;
	s0 =	simm.s32 @!p1 $0x0  }
0x14: {  	s2 =	sld [smem:$0x3F9A];
	s0 =	simm.s32 @p1 $0x1  }
0x15: {  	[smem:$0x3FB7] =	sst s0;
	s0 =	simm.s32 @!p2 $0x0  }
0x16: {  	s3 =	sld [smem:$0x3FDB];
	s0 =	simm.s32 @p2 $0x1  }
0x17: {  	s4 =	simm.s32 $0x1BF5;
	[smem:$0x3FB9] =	sst s0  }
0x18: {  	s0 =	sld [smem:$0x3F9C];
	_ =	swait.ge [sflag:s4], $0x0  }
0x19: {  	s7 =	sld [smem:$0x3F9D]  }
0x1a: {  	s8 =	sadd.s32 $0xFFFFE003, lr  }
0x1b: {  	s9 =	sadd.s32 $0xFFFFFEF7, lr;
	s5 =	simm.s32 $0xFFFFFFFF;
	p2 =	slt.u32 s8, $0xFFFFF086  }
0x1c: {  	p1 =	slt.u32 s9, $0xF7A;
	s5 =	simm.s32 @!p2 $0x0  }
0x1d: {  	s5 =	simm.s32 @p1 $0x1;
	p0 =	seq.s32 s7, s2  }
0x1e: {  	s7 =	smul.u32 @!p0 $0xF7A, s2;
	p2 =	seq.s32 @!p0 s5, $0x0  }
0x1f: {  	s9 =	smul.u32 $0xF7A, s1;
	s8 =	simm.s32 @!p0 $0x1BF5;
	p2 =	por !p2, p0  }
0x20: {  	[sflag:s8] =	ssyncset.s32 @!p0 $0xFFFFF086;
	s6 =	sadd.s32 @!p0 s3, s7;
	s7 =	simm.s32 @!p0 $0x108  }
0x21: {  	s3 =	sadd.s32 s3, s9;
	s6 =	sadd.s32 @!p0 $0x88, s6;
	s7 =	simm.s32 @p2 $0x1082  }
0x22: {  	[simem:s7], [sflag:s8] =	dma.local @!p0 [hbm:s6], $0xF7A  }
0x23: {  	s9 =	sor.u32 $0xD0000000, s2;
	s6 =	simm.s32 $0x108;
	_ =	swait.ge @!p0 [sflag:s8], $0x0  }
0x24: {  	s3 =	sadd.s32 $0x88, s3;
	s6 =	simm.s32 @!p1 $0x1082;
	[sflag:s4] =	ssyncset.s32 $0xFFFFF086  }
0x25: {  	[simem:s6], [sflag:s4] =	dma.local [hbm:s3], $0xF7A  }
0x26: {  	[smem:$0x3F9D] =	sst s1;
	(tag) =	ssettag s2;
	_ =	strace s9  }
0x27: {  	s1 =	sld [smem:$0x3FAD]  }
0x28: {  	s2 =	sld [smem:$0x3FAE]  }
0x29: {  	s4 =	sld [smem:$0x3FB0]  }
0x2a: {  	p0 =	seq.s32 s5, $0x0;
	s5 =	sld [smem:$0x3FB1]  }
0x2b: {  	s6 =	sld [smem:$0x3FB2]  }
0x2c: {  	s7 =	sld [smem:$0x3FB3]  }
0x2d: {  	s3 =	simm.s32 $0x108;
	s8 =	sld [smem:$0x3FB4]  }
0x2e: {  	s3 =	simm.s32 @!p0 $0x1082;
	s9 =	sld [smem:$0x3FB5]  }
0x2f: {  	lr =	sadd.s32 s0, s3;
	s0 =	sld [smem:$0x3FAC]  }
0x30: {  	s3 =	sld [smem:$0x3FAF]  }
0x31: {  	[smem:$0x3FB8] =	sst s10  }
0x32: {  	s10 =	sld [smem:$0x3FB6];
	_ =	sdelay $0x3  }
0x33: {  	p0 =	seq.s32 s10, $0x1;
	s10 =	sld [smem:$0x3FB8];
	_ =	sdelay $0x3  }
0x34: {  	[smem:$0x3FB8] =	sst s10  }
0x35: {  	s10 =	sld [smem:$0x3FB7];
	_ =	sdelay $0x3  }
0x36: {  	p1 =	seq.s32 s10, $0x1;
	s10 =	sld [smem:$0x3FB8];
	_ =	sdelay $0x3  }
0x37: {  	[smem:$0x3FB8] =	sst s10  }
0x38: {  	s10 =	sld [smem:$0x3FB9]  }
0x39: {  	_ = 	snop;
	(pc) =	sbr.ind lr, $3  }
0x3a: {  	_ = 	snop  }
0x3b: {  	_ = 	snop  }
0x3c: {  	p2 =	seq.s32 s10, $0x1;
	s10 =	sld [smem:$0x3FB8]  }
0x3d: {  	_ =	shalt  }
0x3e: {  	_ =	shalt  }
0x3f: {  	_ =	shalt  }
0x40: {  	_ =	shalt  }
0x41: {  	_ =	shalt  }
0x42: {  	_ =	shalt  }
0x43: {  	_ =	shalt  }
0x44: {  	_ =	shalt  }
0x45: {  	_ =	shalt  }
0x46: {  	_ =	shalt  }
0x47: {  	_ =	shalt  }
0x48: {  	_ =	shalt  }
0x49: {  	_ =	shalt  }
0x4a: {  	_ =	shalt  }
0x4b: {  	_ =	shalt  }
0x4c: {  	_ =	shalt  }
0x4d: {  	_ =	shalt  }
0x4e: {  	_ =	shalt  }
0x4f: {  	_ =	shalt  }
0x50: {  	_ =	shalt  }
0x51: {  	_ =	shalt  }
0x52: {  	_ =	shalt  }
0x53: {  	_ =	shalt  }
0x54: {  	_ =	shalt  }
0x55: {  	_ =	shalt  }
0x56: {  	_ =	shalt  }
0x57: {  	_ =	shalt  }
0x58: {  	_ =	shalt  }
0x59: {  	_ =	shalt  }
0x5a: {  	_ =	shalt  }
0x5b: {  	_ =	shalt  }
0x5c: {  	_ =	shalt  }
0x5d: {  	_ =	shalt  }
0x5e: {  	_ =	shalt  }
0x5f: {  	_ =	shalt  }
0x60: {  	_ =	shalt  }
0x61: {  	_ =	shalt  }
0x62: {  	_ =	shalt  }
0x63: {  	_ =	shalt  }
0x64: {  	_ =	shalt  }
0x65: {  	_ =	shalt  }
0x66: {  	_ =	shalt  }
0x67: {  	_ =	shalt  }
0x68: {  	_ =	shalt  }
0x69: {  	_ =	shalt  }
0x6a: {  	_ =	shalt  }
0x6b: {  	_ =	shalt  }
0x6c: {  	_ =	shalt  }
0x6d: {  	_ =	shalt  }
0x6e: {  	_ =	shalt  }
0x6f: {  	_ =	shalt  }
0x70: {  	_ =	shalt  }
0x71: {  	_ =	shalt  }
0x72: {  	_ =	shalt  }
0x73: {  	_ =	shalt  }
0x74: {  	_ =	shalt  }
0x75: {  	_ =	shalt  }
0x76: {  	_ =	shalt  }
0x77: {  	_ =	shalt  }
0x78: {  	_ =	shalt  }
0x79: {  	_ =	shalt  }
0x7a: {  	_ =	shalt  }
0x7b: {  	_ =	shalt  }
0x7c: {  	_ =	shalt  }
0x7d: {  	_ =	shalt  }
0x7e: {  	_ =	shalt  }
0x7f: {  	_ =	shalt  }
0x80: {  	_ =	shalt  }
0x81: {  	_ =	shalt  }
0x82: {  	_ =	shalt  }
0x83: {  	_ =	shalt  }
0x84: {  	_ =	shalt  }
0x85: {  	_ =	shalt  }
0x86: {  	_ =	shalt  }
0x87: {  	_ =	shalt  }
.Lfunc_end0:
.L_simem_size_0:
called_computation_lowered:
.L_overlay_start_0:
0x88: {  	s2 =	sld [smem:$0x3FD9]  }
0x89: {  	s3 =	sld [smem:$0x3FFE];
	_ =	sdelay $0x1  }
0x8a: {  	s1 =	srdreg.scid  }
0x8b: {  	s0 =	sand.u32 $0x1, s1  }
0x8c: {  	s16 =	sshll.u32 s0, $0xA;
	s2 =	sadd.s32 s3, s2  }
0x8d: {  	s2 =	sadd.s32 s2, s16  }
0x8e: {  	[smem:$0x3FC4] =	sst s2  }
0x8f: {  	_ = 	snop  }
0x90: {  	(tm) =	ssettm $0x1  }
0x91: {  	s17 =	sld [smem:$0x3FFB];
	_ =	sdelay $0x3  }
0x92: {  	_ =	strace s17  }
0x93: {  	s2 =	sld [smem:$0x3FFC];
	_ =	sdelay $0x3  }
0x94: {  	_ =	strace s2  }
0x95: {  	s2 =	sld [smem:$0x3FFD];
	_ =	sdelay $0x3  }
0x96: {  	_ =	strace s2  }
0x97: {  	_ =	strace $0x8FFFFFFF  }
0x98: {  	s18 =	sld [smem:$0x3FDB];
	_ =	sdelay $0x1  }
0x99: {  	s19 =	simm.s32 $_scs_section_size  }
0x9a: {  	s4 =	simm.s32 $_size__tile_overlayer_lowered;
	s5 =	simm.s32 $_tile_overlayer_lowered  }
0x9b: {  	s22 =	simm.s32 $0x1BFF;
	s21 =	sshll.u32 s5, $0x1;
	s2 =	sadd.s32 s19, s18  }
0x9c: {  	s6 =	simm.s32 $0x0;
	s20 =	sshll.u32 s4, $0x1;
	s4 =	sadd.s32 s21, s2  }
0x9d: {  	[timem:s6], [sflag:s22] =	dma.local [hbm:s4], s20  }
0x9e: {  	_ =	swait.ge [sflag:s22], s20  }
0x9f: {  	s3 =	ssub.s32 $0x0, s20;
	[sflag:s22] =	ssyncset.done $0x0  }
0xa0: {  	[sflag:s22] =	ssyncadd.s32 s3;
	_ =	sdelay $0x1  }
0xa1: {  	s23 =	simm.s32 $0x1B8B  }
0xa2: {  	_ =	swait.ge [sflag:s23], $0x1  }
0xa3: {  	[sflag:s23] =	ssyncset.done $0x0  }
0xa4: {  	s25 =	simm.s32 $0x1B8E;
	s24 =	sld [smem:$0x3FFE];
	[sflag:s23] =	ssyncadd.s32 $0xFFFFFFFF  }
0xa5: {  	s26 =	simm.s32 $execute0_lowered;
	[smem:$0x3FD2] =	sst s25  }
0xa6: {  	s4 =	sshll.u32 s26, $0x1;
	_ =	strace $0x80000046;
	[dreg:$0x1] =	wrdreg $0xFFFFFFFF  }
0xa7: {  	s28 =	simm.s32 $_size_execute0_lowered;
	s2 =	sadd.s32 s2, s4;
	[dreg:$0x0] =	wrdreg $0x0  }
0xa8: {  	s4 =	sshll.u32 s28, $0x1;
	[dreg:$0x2] =	wrdreg s2  }
0xa9: {  	[dreg:$0x3] =	wrdreg s4  }
0xaa: {  	[dreg:$0x4] =	wrdreg $0xC0  }
0xab: {  	_ =	task [dreg:s6], $0x5FFFF  }
0xac: {  	[dreg:$0x1] =	wrdreg $0xFFFFFFFF  }
0xad: {  	[dreg:$0x0] =	wrdreg $0x60  }
0xae: {  	[dreg:$0x2] =	wrdreg s24  }
0xaf: {  	[dreg:$0x3] =	wrdreg $0x9  }
0xb0: {  	_ =	task.clear_ibuf [dreg:s6], $0x4FFFF;
	_ =	strace $0x90000046  }
0xb1: {  	s29 =	simm.s32 $0x9;
	_ =	strace $0x80000048  }
0xb2: {  	_ =	swait.ge [sflag:s29], $0x1  }
0xb3: {  	[sflag:s29] =	ssyncadd.s32 $0xFFFFFFFF  }
0xb4: {  	_ =	strace $0x90000048  }
0xb5: {  	_ =	sfence  }
0xb6: {  	s30 =	sld [smem:$0x0];
	_ =	sdelay $0x2  }
0xb7: {  	s31 =	sshll.u32 s1, $0xD;
	s1 =	sshrl.u32 s1, $0x2  }
0xb8: {  	s3 =	sand.u32 $0x4000, s31;
	s1 =	sadd.s32 s1, s30  }
0xb9: {  	s0 =	sor.u32 s3, s0;
	s1 =	sshll.u32 s1, $0x11  }
0xba: {  	s0 =	sor.u32 s1, s0  }
0xbb: {  	s0 =	sadd.s32 $0x8F2B, s0  }
0xbc: {  	[sflag:s0] =	ssyncadd.remote.s32 $0x1  }
0xbd: {  	_ =	sfence.sel $0xFFFF  }
0xbe: {  	[dreg:$0x0] =	wrdreg $0xFFFFFFFF;
	(pc) =	sbr.abs _section_cstart, $3  }
0xbf: {  	[dreg:$0x1] =	wrdreg $0xFFFFFFFF  }
0xc0: {  	_ =	task.clear_ibuf [dreg:s6], $0x2FFFF;
	_ =	strace $0x9FFFFFFF  }
0xc1: {  	(tm) =	ssettm $0x7FFFFFFF  }
tec
execute0_lowered:
.L_overlay_start_1:
0x0: {  	(tag) =	ssettag $0x1  }
0x1: {  	s0 =	rddreg [dreg:$0x0]  }
0x2: {  	s1 =	srdreg.scid;
	s3 =	stileid.u32  }
0x3: {  	s2 =	simm.s32 $0x0;
	s9 =	simm.s32 $0x2;
	s10 =	simm.s32 $0x3800  }
0x4: {  	s11 =	simm.s32 $0x80;
	s12 =	simm.s32 $0x3900;
	s15 =	simm.s32 $0x1C00  }
0x5: {  	s13 =	simm.s32 $0x1;
	s29 =	simm.s32 $0x3180;
	s30 =	simm.s32 $0x1600  }
0x6: {  	s31 =	simm.s32 $0x3200;
	s14 =	simm.s32 $0x1700;
	s16 =	simm.s32 $0x3300  }
0x7: {  	s17 =	simm.s32 $0x1780;
	s18 =	simm.s32 $0x3380;
	s19 =	simm.s32 $0x1800  }
0x8: {  	s20 =	simm.s32 $0x3400;
	s21 =	simm.s32 $0x1880;
	s22 =	simm.s32 $0x3480  }
0x9: {  	s23 =	simm.s32 $0x0;
	s1 =	sand.u32 $0x1, s1;
	s3 =	sshll.u32 s3, $0x1  }
0xa: {  	[smem:$0x7FF] =	sst s2;
	s4 =	sor.u32 s1, s3;
	s1 =	ssub.s32 $0x2, s1  }
0xb: {  	_ =	strace $0x80000047;
	s5 =	smul.u32 $0x380, s4;
	s6 =	sshrl.u32 s1, $0x1  }
0xc: {  	s3 =	sadd.s32 $0x2000, s0;
	s4 =	sshll.u32 s4, $0x5;
	s1 =	ssub.s32 s1, s6  }
0xd: {  	s7 =	sadd.s32 s5, s0;
	s0 =	sadd.s32 s4, s0;
	s8 =	smax.u32 s1, $0x1  }
0xe: {  	s1 =	simm.s32 $0x3280;
	s4 =	sadd.s32 $0x102000, s7;
	s5 =	sadd.s32 $0x1C00, s0  }
0xf: {  	s6 =	sadd.s32 $0x109000, s7;
	s7 =	sadd.s32 $0x110000, s0;
	s0 =	simm.s32 $0x1680  }
.LBB2_1:
0x10: {  	[tilespmem:s2], [sflag:$0x2] =	stream.linear.gather [hbm4b:s4+s2], $0x1900, $0x38;
	[tilespmem:$0x3A00] =	vst v63  }
0x11: {  	_ =	swait.ge [sflag:s9], $0x1900  }
0x12: {  	[sflag:s9] =	ssyncset.done $0x0  }
0x13: {  	[sflag:s9] =	ssyncadd.s32 $0xFFFFE700  }
0x14: {  	[tilespmem:s10], [sflag:$0x2] =	stream.linear.gather [hbm4b:s5+s2], $0x100, $0x38;
	[tilespmem:$0x3A00] =	vst v63  }
0x15: {  	_ =	swait.ge [sflag:s9], $0x100  }
0x16: {  	[sflag:s9] =	ssyncset.done $0x0  }
0x17: {  	[sflag:s9] =	ssyncadd.s32 $0xFFFFFF00  }
0x18: {  	[tilespmem:s12], [sflag:$0x1] =	stream.indirect.gather [hbm4b:s3+s11], $0x1, s10, s11, $0xb8;
	[tilespmem:$0x3A00] =	vst v63  }
0x19: {  	s24 =	simm.s32 $0x3880;
	s25 =	simm.s32 $0x3980  }
0x1a: {  	[tilespmem:s25], [sflag:$0x1] =	stream.indirect.gather [hbm4b:s3+s11], $0x1, s24, s11, $0xb8;
	[tilespmem:$0x3A00] =	vst v63  }
0x1b: {  	_ = 	snop  }
0x1c: {  	[tilespmem:s15], [sflag:$0x1] =	stream.indirect.gather [hbm4b:s3+s11], $0x1, s2, s11, $0xb8;
	[tilespmem:$0x3A00] =	vst v63  }
0x1d: {  	s25 =	simm.s32 $0x1C80  }
0x1e: {  	[tilespmem:s25], [sflag:$0x1] =	stream.indirect.gather [hbm4b:s3+s11], $0x1, s11, s11, $0xb8;
	[tilespmem:$0x3A00] =	vst v63  }
0x1f: {  	s26 =	simm.s32 $0x100;
	s28 =	simm.s32 $0x1D00  }
0x20: {  	[tilespmem:s28], [sflag:$0x1] =	stream.indirect.gather [hbm4b:s3+s11], $0x1, s26, s11, $0xb8;
	[tilespmem:$0x3A00] =	vst v63  }
0x21: {  	s26 =	simm.s32 $0x180;
	s28 =	simm.s32 $0x1D80  }
0x22: {  	[tilespmem:s28], [sflag:$0x1] =	stream.indirect.gather [hbm4b:s3+s11], $0x1, s26, s11, $0xb8;
	[tilespmem:$0x3A00] =	vst v63  }
0x23: {  	s26 =	simm.s32 $0x200;
	s28 =	simm.s32 $0x1E00  }
0x24: {  	[tilespmem:s28], [sflag:$0x1] =	stream.indirect.gather [hbm4b:s3+s11], $0x1, s26, s11, $0xb8;
	[tilespmem:$0x3A00] =	vst v63  }
0x25: {  	s26 =	simm.s32 $0x280;
	s28 =	simm.s32 $0x1E80  }
0x26: {  	[tilespmem:s28], [sflag:$0x1] =	stream.indirect.gather [hbm4b:s3+s11], $0x1, s26, s11, $0xb8;
	[tilespmem:$0x3A00] =	vst v63  }
0x27: {  	s26 =	simm.s32 $0x300;
	s28 =	simm.s32 $0x1F00  }
0x28: {  	[tilespmem:s28], [sflag:$0x1] =	stream.indirect.gather [hbm4b:s3+s11], $0x1, s26, s11, $0xb8;
	[tilespmem:$0x3A00] =	vst v63  }
0x29: {  	s26 =	simm.s32 $0x380;
	s28 =	simm.s32 $0x1F80  }
0x2a: {  	[tilespmem:s28], [sflag:$0x1] =	stream.indirect.gather [hbm4b:s3+s11], $0x1, s26, s11, $0xb8;
	[tilespmem:$0x3A00] =	vst v63  }
0x2b: {  	s26 =	simm.s32 $0x400;
	s28 =	simm.s32 $0x2000  }
0x2c: {  	[tilespmem:s28], [sflag:$0x1] =	stream.indirect.gather [hbm4b:s3+s11], $0x1, s26, s11, $0xb8;
	[tilespmem:$0x3A00] =	vst v63  }
0x2d: {  	s26 =	simm.s32 $0x480;
	s28 =	simm.s32 $0x2080  }
0x2e: {  	[tilespmem:s28], [sflag:$0x1] =	stream.indirect.gather [hbm4b:s3+s11], $0x1, s26, s11, $0xb8;
	[tilespmem:$0x3A00] =	vst v63  }
0x2f: {  	_ =	swait.ge [sflag:s13], $0x80  }
0x30: {  	[sflag:s13] =	ssyncset.done $0x0  }
0x31: {  	[sflag:s13] =	ssyncadd.s32 $0xFFFFFF80  }
0x32: {  	_ =	swait.ge [sflag:s13], $0x80  }
0x33: {  	[sflag:s13] =	ssyncset.done $0x0  }
0x34: {  	[sflag:s13] =	ssyncadd.s32 $0xFFFFFF80  }
0x35: {  	_ =	swait.ge [sflag:s13], $0x80  }
0x36: {  	[sflag:s13] =	ssyncset.done $0x0  }
0x37: {  	[sflag:s13] =	ssyncadd.s32 $0xFFFFFF80  }
0x38: {  	_ =	swait.ge [sflag:s13], $0x80  }
0x39: {  	[sflag:s13] =	ssyncset.done $0x0  }
0x3a: {  	[sflag:s13] =	ssyncadd.s32 $0xFFFFFF80  }
0x3b: {  	_ =	swait.ge [sflag:s13], $0x80  }
0x3c: {  	[sflag:s13] =	ssyncset.done $0x0  }
0x3d: {  	[sflag:s13] =	ssyncadd.s32 $0xFFFFFF80  }
0x3e: {  	_ =	swait.ge [sflag:s13], $0x80  }
0x3f: {  	[sflag:s13] =	ssyncset.done $0x0  }
0x40: {  	[sflag:s13] =	ssyncadd.s32 $0xFFFFFF80  }
0x41: {  	_ =	swait.ge [sflag:s13], $0x80  }
0x42: {  	[sflag:s13] =	ssyncset.done $0x0  }
0x43: {  	[sflag:s13] =	ssyncadd.s32 $0xFFFFFF80  }
0x44: {  	_ =	swait.ge [sflag:s13], $0x80  }
0x45: {  	[sflag:s13] =	ssyncset.done $0x0  }
0x46: {  	[sflag:s13] =	ssyncadd.s32 $0xFFFFFF80  }
0x47: {  	_ =	swait.ge [sflag:s13], $0x80  }
0x48: {  	[sflag:s13] =	ssyncset.done $0x0  }
0x49: {  	[sflag:s13] =	ssyncadd.s32 $0xFFFFFF80  }
0x4a: {  	_ =	swait.ge [sflag:s13], $0x80  }
0x4b: {  	[sflag:s13] =	ssyncset.done $0x0  }
0x4c: {  	s26 =	simm.s32 $0x500;
	s28 =	simm.s32 $0x2100;
	[sflag:s13] =	ssyncadd.s32 $0xFFFFFF80  }
0x4d: {  	[tilespmem:s28], [sflag:$0x1] =	stream.indirect.gather [hbm4b:s3+s11], $0x1, s26, s11, $0xb8;
	[tilespmem:$0x3A00] =	vst v63  }
0x4e: {  	s26 =	simm.s32 $0x580;
	s28 =	simm.s32 $0x2180  }
0x4f: {  	[tilespmem:s28], [sflag:$0x1] =	stream.indirect.gather [hbm4b:s3+s11], $0x1, s26, s11, $0xb8;
	[tilespmem:$0x3A00] =	vst v63  }
0x50: {  	s26 =	simm.s32 $0x600;
	s28 =	simm.s32 $0x2200  }
0x51: {  	[tilespmem:s28], [sflag:$0x1] =	stream.indirect.gather [hbm4b:s3+s11], $0x1, s26, s11, $0xb8;
	[tilespmem:$0x3A00] =	vst v63  }
0x52: {  	s26 =	simm.s32 $0x680;
	s28 =	simm.s32 $0x2280  }
0x53: {  	[tilespmem:s28], [sflag:$0x1] =	stream.indirect.gather [hbm4b:s3+s11], $0x1, s26, s11, $0xb8;
	[tilespmem:$0x3A00] =	vst v63  }
0x54: {  	s26 =	simm.s32 $0x700;
	s28 =	simm.s32 $0x2300  }
0x55: {  	[tilespmem:s28], [sflag:$0x1] =	stream.indirect.gather [hbm4b:s3+s11], $0x1, s26, s11, $0xb8;
	[tilespmem:$0x3A00] =	vst v63  }
0x56: {  	s26 =	simm.s32 $0x780;
	s28 =	simm.s32 $0x2380  }
0x57: {  	[tilespmem:s28], [sflag:$0x1] =	stream.indirect.gather [hbm4b:s3+s11], $0x1, s26, s11, $0xb8;
	[tilespmem:$0x3A00] =	vst v63  }
0x58: {  	s26 =	simm.s32 $0x800;
	s28 =	simm.s32 $0x2400  }
0x59: {  	[tilespmem:s28], [sflag:$0x1] =	stream.indirect.gather [hbm4b:s3+s11], $0x1, s26, s11, $0xb8;
	[tilespmem:$0x3A00] =	vst v63  }
0x5a: {  	s26 =	simm.s32 $0x880;
	s28 =	simm.s32 $0x2480  }
0x5b: {  	[tilespmem:s28], [sflag:$0x1] =	stream.indirect.gather [hbm4b:s3+s11], $0x1, s26, s11, $0xb8;
	[tilespmem:$0x3A00] =	vst v63  }
0x5c: {  	s26 =	simm.s32 $0x900;
	s28 =	simm.s32 $0x2500  }
0x5d: {  	[tilespmem:s28], [sflag:$0x1] =	stream.indirect.gather [hbm4b:s3+s11], $0x1, s26, s11, $0xb8;
	[tilespmem:$0x3A00] =	vst v63  }
0x5e: {  	s26 =	simm.s32 $0x980;
	s28 =	simm.s32 $0x2580  }
0x5f: {  	[tilespmem:s28], [sflag:$0x1] =	stream.indirect.gather [hbm4b:s3+s11], $0x1, s26, s11, $0xb8;
	[tilespmem:$0x3A00] =	vst v63  }
0x60: {  	_ =	swait.ge [sflag:s13], $0x80  }
0x61: {  	[sflag:s13] =	ssyncset.done $0x0  }
0x62: {  	[sflag:s13] =	ssyncadd.s32 $0xFFFFFF80  }
0x63: {  	_ =	swait.ge [sflag:s13], $0x80  }
0x64: {  	[sflag:s13] =	ssyncset.done $0x0  }
0x65: {  	[sflag:s13] =	ssyncadd.s32 $0xFFFFFF80  }
0x66: {  	_ =	swait.ge [sflag:s13], $0x80  }
0x67: {  	[sflag:s13] =	ssyncset.done $0x0  }
0x68: {  	[sflag:s13] =	ssyncadd.s32 $0xFFFFFF80  }
0x69: {  	_ =	swait.ge [sflag:s13], $0x80  }
0x6a: {  	[sflag:s13] =	ssyncset.done $0x0  }
0x6b: {  	[sflag:s13] =	ssyncadd.s32 $0xFFFFFF80  }
0x6c: {  	_ =	swait.ge [sflag:s13], $0x80  }
0x6d: {  	[sflag:s13] =	ssyncset.done $0x0  }
0x6e: {  	[sflag:s13] =	ssyncadd.s32 $0xFFFFFF80  }
0x6f: {  	_ =	swait.ge [sflag:s13], $0x80  }
0x70: {  	[sflag:s13] =	ssyncset.done $0x0  }
0x71: {  	[sflag:s13] =	ssyncadd.s32 $0xFFFFFF80  }
0x72: {  	_ =	swait.ge [sflag:s13], $0x80  }
0x73: {  	[sflag:s13] =	ssyncset.done $0x0  }
0x74: {  	[sflag:s13] =	ssyncadd.s32 $0xFFFFFF80  }
0x75: {  	_ =	swait.ge [sflag:s13], $0x80  }
0x76: {  	[sflag:s13] =	ssyncset.done $0x0  }
0x77: {  	[sflag:s13] =	ssyncadd.s32 $0xFFFFFF80  }
0x78: {  	_ =	swait.ge [sflag:s13], $0x80  }
0x79: {  	[sflag:s13] =	ssyncset.done $0x0  }
0x7a: {  	[sflag:s13] =	ssyncadd.s32 $0xFFFFFF80  }
0x7b: {  	_ =	swait.ge [sflag:s13], $0x80  }
0x7c: {  	[sflag:s13] =	ssyncset.done $0x0  }
0x7d: {  	s26 =	simm.s32 $0xA00;
	s28 =	simm.s32 $0x2600;
	[sflag:s13] =	ssyncadd.s32 $0xFFFFFF80  }
0x7e: {  	[tilespmem:s28], [sflag:$0x1] =	stream.indirect.gather [hbm4b:s3+s11], $0x1, s26, s11, $0xb8;
	[tilespmem:$0x3A00] =	vst v63  }
0x7f: {  	s26 =	simm.s32 $0xA80;
	s28 =	simm.s32 $0x2680  }
0x80: {  	[tilespmem:s28], [sflag:$0x1] =	stream.indirect.gather [hbm4b:s3+s11], $0x1, s26, s11, $0xb8;
	[tilespmem:$0x3A00] =	vst v63  }
0x81: {  	s26 =	simm.s32 $0xB00;
	s28 =	simm.s32 $0x2700  }
0x82: {  	[tilespmem:s28], [sflag:$0x1] =	stream.indirect.gather [hbm4b:s3+s11], $0x1, s26, s11, $0xb8;
	[tilespmem:$0x3A00] =	vst v63  }
0x83: {  	s26 =	simm.s32 $0xB80;
	s28 =	simm.s32 $0x2780  }
0x84: {  	[tilespmem:s28], [sflag:$0x1] =	stream.indirect.gather [hbm4b:s3+s11], $0x1, s26, s11, $0xb8;
	[tilespmem:$0x3A00] =	vst v63  }
0x85: {  	s26 =	simm.s32 $0xC00;
	s28 =	simm.s32 $0x2800  }
0x86: {  	[tilespmem:s28], [sflag:$0x1] =	stream.indirect.gather [hbm4b:s3+s11], $0x1, s26, s11, $0xb8;
	[tilespmem:$0x3A00] =	vst v63  }
0x87: {  	s26 =	simm.s32 $0xC80;
	s28 =	simm.s32 $0x2880  }
0x88: {  	[tilespmem:s28], [sflag:$0x1] =	stream.indirect.gather [hbm4b:s3+s11], $0x1, s26, s11, $0xb8;
	[tilespmem:$0x3A00] =	vst v63  }
0x89: {  	s26 =	simm.s32 $0xD00;
	s28 =	simm.s32 $0x2900  }
0x8a: {  	[tilespmem:s28], [sflag:$0x1] =	stream.indirect.gather [hbm4b:s3+s11], $0x1, s26, s11, $0xb8;
	[tilespmem:$0x3A00] =	vst v63  }
0x8b: {  	s26 =	simm.s32 $0xD80;
	s28 =	simm.s32 $0x2980  }
0x8c: {  	[tilespmem:s28], [sflag:$0x1] =	stream.indirect.gather [hbm4b:s3+s11], $0x1, s26, s11, $0xb8;
	[tilespmem:$0x3A00] =	vst v63  }
0x8d: {  	s26 =	simm.s32 $0xE00;
	s28 =	simm.s32 $0x2A00  }
0x8e: {  	[tilespmem:s28], [sflag:$0x1] =	stream.indirect.gather [hbm4b:s3+s11], $0x1, s26, s11, $0xb8;
	[tilespmem:$0x3A00] =	vst v63  }
0x8f: {  	s26 =	simm.s32 $0xE80;
	s28 =	simm.s32 $0x2A80  }
0x90: {  	[tilespmem:s28], [sflag:$0x1] =	stream.indirect.gather [hbm4b:s3+s11], $0x1, s26, s11, $0xb8;
	[tilespmem:$0x3A00] =	vst v63  }
0x91: {  	_ =	swait.ge [sflag:s13], $0x80  }
0x92: {  	[sflag:s13] =	ssyncset.done $0x0  }
0x93: {  	[sflag:s13] =	ssyncadd.s32 $0xFFFFFF80  }
0x94: {  	_ =	swait.ge [sflag:s13], $0x80  }
0x95: {  	[sflag:s13] =	ssyncset.done $0x0  }
0x96: {  	[sflag:s13] =	ssyncadd.s32 $0xFFFFFF80  }
0x97: {  	_ =	swait.ge [sflag:s13], $0x80  }
0x98: {  	[sflag:s13] =	ssyncset.done $0x0  }
0x99: {  	[sflag:s13] =	ssyncadd.s32 $0xFFFFFF80  }
0x9a: {  	_ =	swait.ge [sflag:s13], $0x80  }
0x9b: {  	[sflag:s13] =	ssyncset.done $0x0  }
0x9c: {  	[sflag:s13] =	ssyncadd.s32 $0xFFFFFF80  }
0x9d: {  	_ =	swait.ge [sflag:s13], $0x80  }
0x9e: {  	[sflag:s13] =	ssyncset.done $0x0  }
0x9f: {  	[sflag:s13] =	ssyncadd.s32 $0xFFFFFF80  }
0xa0: {  	_ =	swait.ge [sflag:s13], $0x80  }
0xa1: {  	[sflag:s13] =	ssyncset.done $0x0  }
0xa2: {  	[sflag:s13] =	ssyncadd.s32 $0xFFFFFF80  }
0xa3: {  	_ =	swait.ge [sflag:s13], $0x80  }
0xa4: {  	[sflag:s13] =	ssyncset.done $0x0  }
0xa5: {  	[sflag:s13] =	ssyncadd.s32 $0xFFFFFF80  }
0xa6: {  	_ =	swait.ge [sflag:s13], $0x80  }
0xa7: {  	[sflag:s13] =	ssyncset.done $0x0  }
0xa8: {  	[sflag:s13] =	ssyncadd.s32 $0xFFFFFF80  }
0xa9: {  	_ =	swait.ge [sflag:s13], $0x80  }
0xaa: {  	[sflag:s13] =	ssyncset.done $0x0  }
0xab: {  	[sflag:s13] =	ssyncadd.s32 $0xFFFFFF80  }
0xac: {  	_ =	swait.ge [sflag:s13], $0x80  }
0xad: {  	[sflag:s13] =	ssyncset.done $0x0  }
0xae: {  	s26 =	simm.s32 $0xF00;
	s28 =	simm.s32 $0x2B00;
	[sflag:s13] =	ssyncadd.s32 $0xFFFFFF80  }
0xaf: {  	[tilespmem:s28], [sflag:$0x1] =	stream.indirect.gather [hbm4b:s3+s11], $0x1, s26, s11, $0xb8;
	[tilespmem:$0x3A00] =	vst v63  }
0xb0: {  	s26 =	simm.s32 $0xF80;
	s28 =	simm.s32 $0x2B80  }
0xb1: {  	[tilespmem:s28], [sflag:$0x1] =	stream.indirect.gather [hbm4b:s3+s11], $0x1, s26, s11, $0xb8;
	[tilespmem:$0x3A00] =	vst v63  }
0xb2: {  	s26 =	simm.s32 $0x1000;
	s28 =	simm.s32 $0x2C00  }
0xb3: {  	[tilespmem:s28], [sflag:$0x1] =	stream.indirect.gather [hbm4b:s3+s11], $0x1, s26, s11, $0xb8;
	[tilespmem:$0x3A00] =	vst v63  }
0xb4: {  	s26 =	simm.s32 $0x1080;
	s28 =	simm.s32 $0x2C80  }
0xb5: {  	[tilespmem:s28], [sflag:$0x1] =	stream.indirect.gather [hbm4b:s3+s11], $0x1, s26, s11, $0xb8;
	[tilespmem:$0x3A00] =	vst v63  }
0xb6: {  	s26 =	simm.s32 $0x1100;
	s28 =	simm.s32 $0x2D00  }
0xb7: {  	[tilespmem:s28], [sflag:$0x1] =	stream.indirect.gather [hbm4b:s3+s11], $0x1, s26, s11, $0xb8;
	[tilespmem:$0x3A00] =	vst v63  }
0xb8: {  	s26 =	simm.s32 $0x1180;
	s28 =	simm.s32 $0x2D80  }
0xb9: {  	[tilespmem:s28], [sflag:$0x1] =	stream.indirect.gather [hbm4b:s3+s11], $0x1, s26, s11, $0xb8;
	[tilespmem:$0x3A00] =	vst v63  }
0xba: {  	s26 =	simm.s32 $0x1200;
	s28 =	simm.s32 $0x2E00  }
0xbb: {  	[tilespmem:s28], [sflag:$0x1] =	stream.indirect.gather [hbm4b:s3+s11], $0x1, s26, s11, $0xb8;
	[tilespmem:$0x3A00] =	vst v63  }
0xbc: {  	s26 =	simm.s32 $0x1280;
	s28 =	simm.s32 $0x2E80  }
0xbd: {  	[tilespmem:s28], [sflag:$0x1] =	stream.indirect.gather [hbm4b:s3+s11], $0x1, s26, s11, $0xb8;
	[tilespmem:$0x3A00] =	vst v63  }
0xbe: {  	s26 =	simm.s32 $0x1300;
	s28 =	simm.s32 $0x2F00  }
0xbf: {  	[tilespmem:s28], [sflag:$0x1] =	stream.indirect.gather [hbm4b:s3+s11], $0x1, s26, s11, $0xb8;
	[tilespmem:$0x3A00] =	vst v63  }
0xc0: {  	s26 =	simm.s32 $0x1380;
	s28 =	simm.s32 $0x2F80  }
0xc1: {  	[tilespmem:s28], [sflag:$0x1] =	stream.indirect.gather [hbm4b:s3+s11], $0x1, s26, s11, $0xb8;
	[tilespmem:$0x3A00] =	vst v63  }
0xc2: {  	_ =	swait.ge [sflag:s13], $0x80  }
0xc3: {  	[sflag:s13] =	ssyncset.done $0x0  }
0xc4: {  	[sflag:s13] =	ssyncadd.s32 $0xFFFFFF80  }
0xc5: {  	_ =	swait.ge [sflag:s13], $0x80  }
0xc6: {  	[sflag:s13] =	ssyncset.done $0x0  }
0xc7: {  	[sflag:s13] =	ssyncadd.s32 $0xFFFFFF80  }
0xc8: {  	_ =	swait.ge [sflag:s13], $0x80  }
0xc9: {  	[sflag:s13] =	ssyncset.done $0x0  }
0xca: {  	[sflag:s13] =	ssyncadd.s32 $0xFFFFFF80  }
0xcb: {  	_ =	swait.ge [sflag:s13], $0x80  }
0xcc: {  	[sflag:s13] =	ssyncset.done $0x0  }
0xcd: {  	[sflag:s13] =	ssyncadd.s32 $0xFFFFFF80  }
0xce: {  	_ =	swait.ge [sflag:s13], $0x80  }
0xcf: {  	[sflag:s13] =	ssyncset.done $0x0  }
0xd0: {  	[sflag:s13] =	ssyncadd.s32 $0xFFFFFF80  }
0xd1: {  	_ =	swait.ge [sflag:s13], $0x80  }
0xd2: {  	[sflag:s13] =	ssyncset.done $0x0  }
0xd3: {  	[sflag:s13] =	ssyncadd.s32 $0xFFFFFF80  }
0xd4: {  	_ =	swait.ge [sflag:s13], $0x80  }
0xd5: {  	[sflag:s13] =	ssyncset.done $0x0  }
0xd6: {  	[sflag:s13] =	ssyncadd.s32 $0xFFFFFF80  }
0xd7: {  	_ =	swait.ge [sflag:s13], $0x80  }
0xd8: {  	[sflag:s13] =	ssyncset.done $0x0  }
0xd9: {  	[sflag:s13] =	ssyncadd.s32 $0xFFFFFF80  }
0xda: {  	_ =	swait.ge [sflag:s13], $0x80  }
0xdb: {  	[sflag:s13] =	ssyncset.done $0x0  }
0xdc: {  	[sflag:s13] =	ssyncadd.s32 $0xFFFFFF80  }
0xdd: {  	_ =	swait.ge [sflag:s13], $0x80  }
0xde: {  	[sflag:s13] =	ssyncset.done $0x0  }
0xdf: {  	s26 =	simm.s32 $0x1400;
	s28 =	simm.s32 $0x3000;
	[sflag:s13] =	ssyncadd.s32 $0xFFFFFF80  }
0xe0: {  	[tilespmem:s28], [sflag:$0x1] =	stream.indirect.gather [hbm4b:s3+s11], $0x1, s26, s11, $0xb8;
	[tilespmem:$0x3A00] =	vst v63  }
0xe1: {  	s26 =	simm.s32 $0x1480;
	s28 =	simm.s32 $0x3080  }
0xe2: {  	[tilespmem:s28], [sflag:$0x1] =	stream.indirect.gather [hbm4b:s3+s11], $0x1, s26, s11, $0xb8;
	[tilespmem:$0x3A00] =	vst v63  }
0xe3: {  	s25 =	simm.s32 $0x1500;
	s26 =	simm.s32 $0x3100  }
0xe4: {  	[tilespmem:s26], [sflag:$0x1] =	stream.indirect.gather [hbm4b:s3+s11], $0x1, s25, s11, $0xb8;
	[tilespmem:$0x3A00] =	vst v63  }
0xe5: {  	s28 =	simm.s32 $0x1580  }
0xe6: {  	[tilespmem:s29], [sflag:$0x1] =	stream.indirect.gather [hbm4b:s3+s11], $0x1, s28, s11, $0xb8;
	[tilespmem:$0x3A00] =	vst v63  }
0xe7: {  	_ = 	snop  }
0xe8: {  	[tilespmem:s31], [sflag:$0x1] =	stream.indirect.gather [hbm4b:s3+s11], $0x1, s30, s11, $0xb8;
	[tilespmem:$0x3A00] =	vst v63  }
0xe9: {  	_ = 	snop  }
0xea: {  	[tilespmem:s1], [sflag:$0x1] =	stream.indirect.gather [hbm4b:s3+s11], $0x1, s0, s11, $0xb8;
	[tilespmem:$0x3A00] =	vst v63  }
0xeb: {  	_ = 	snop  }
0xec: {  	[tilespmem:s16], [sflag:$0x1] =	stream.indirect.gather [hbm4b:s3+s11], $0x1, s14, s11, $0xb8;
	[tilespmem:$0x3A00] =	vst v63  }
0xed: {  	_ = 	snop  }
0xee: {  	[tilespmem:s18], [sflag:$0x1] =	stream.indirect.gather [hbm4b:s3+s11], $0x1, s17, s11, $0xb8;
	[tilespmem:$0x3A00] =	vst v63  }
0xef: {  	_ = 	snop  }
0xf0: {  	[tilespmem:s20], [sflag:$0x1] =	stream.indirect.gather [hbm4b:s3+s11], $0x1, s19, s11, $0xb8;
	[tilespmem:$0x3A00] =	vst v63  }
0xf1: {  	_ = 	snop  }
0xf2: {  	[tilespmem:s22], [sflag:$0x1] =	stream.indirect.gather [hbm4b:s3+s11], $0x1, s21, s11, $0xb8;
	[tilespmem:$0x3A00] =	vst v63  }
0xf3: {  	_ =	swait.ge [sflag:s13], $0x80  }
0xf4: {  	[sflag:s13] =	ssyncset.done $0x0  }
0xf5: {  	[sflag:s13] =	ssyncadd.s32 $0xFFFFFF80  }
0xf6: {  	_ =	swait.ge [sflag:s13], $0x80  }
0xf7: {  	[sflag:s13] =	ssyncset.done $0x0  }
0xf8: {  	[sflag:s13] =	ssyncadd.s32 $0xFFFFFF80  }
0xf9: {  	_ =	swait.ge [sflag:s13], $0x80  }
0xfa: {  	[sflag:s13] =	ssyncset.done $0x0  }
0xfb: {  	[sflag:s13] =	ssyncadd.s32 $0xFFFFFF80  }
0xfc: {  	_ =	swait.ge [sflag:s13], $0x80  }
0xfd: {  	[sflag:s13] =	ssyncset.done $0x0  }
0xfe: {  	[sflag:s13] =	ssyncadd.s32 $0xFFFFFF80  }
0xff: {  	_ =	swait.ge [sflag:s13], $0x80  }
0x100: {  	[sflag:s13] =	ssyncset.done $0x0  }
0x101: {  	[sflag:s13] =	ssyncadd.s32 $0xFFFFFF80  }
0x102: {  	_ =	swait.ge [sflag:s13], $0x80  }
0x103: {  	[sflag:s13] =	ssyncset.done $0x0  }
0x104: {  	[sflag:s13] =	ssyncadd.s32 $0xFFFFFF80  }
0x105: {  	_ =	swait.ge [sflag:s13], $0x80  }
0x106: {  	[sflag:s13] =	ssyncset.done $0x0  }
0x107: {  	[sflag:s13] =	ssyncadd.s32 $0xFFFFFF80  }
0x108: {  	_ =	swait.ge [sflag:s13], $0x80  }
0x109: {  	[sflag:s13] =	ssyncset.done $0x0  }
0x10a: {  	[sflag:s13] =	ssyncadd.s32 $0xFFFFFF80  }
0x10b: {  	_ =	swait.ge [sflag:s13], $0x80  }
0x10c: {  	[sflag:s13] =	ssyncset.done $0x0  }
0x10d: {  	[sflag:s13] =	ssyncadd.s32 $0xFFFFFF80  }
0x10e: {  	_ =	swait.ge [sflag:s13], $0x80  }
0x10f: {  	[sflag:s13] =	ssyncset.done $0x0  }
0x110: {  	[sflag:s13] =	ssyncadd.s32 $0xFFFFFF80  }
0x111: {  	_ =	swait.ge [sflag:s13], $0x80  }
0x112: {  	[sflag:s13] =	ssyncset.done $0x0  }
0x113: {  	[sflag:s13] =	ssyncadd.s32 $0xFFFFFF80  }
0x114: {  	_ =	swait.ge [sflag:s13], $0x80  }
0x115: {  	[sflag:s13] =	ssyncset.done $0x0  }
0x116: {  	[sflag:s13] =	ssyncadd.s32 $0xFFFFFF80  }
0x117: {  	v0 =	vld [tilespmem:$0x3900];
	_ =	sdelay $0x4  }
0x118: {  	v0 =	vsub.f32 $-3.688879490e+00, v0;
	_ =	sdelay $0x1  }
0x119: {  	v0 =	vmul.f32 $1.442695020e+00, v0;
	_ =	sdelay $0x1  }
0x11a: {  	(erf) = vpow2.f32 v0;
	_ =	sdelay $0x3  }
0x11b: {  	v0 =	vld [tilespmem:$0x3910];
	_ =	sdelay $0x4  }
0x11c: {  	v0 =	vsub.f32 $-3.688879490e+00, v0;
	v1 =	vpop (erf)  }
0x11d: {  	v1 =	vadd.f32 $1.000000000e+00, v1  }
0x11e: {  	v0 =	vmul.f32 $1.442695020e+00, v0  }
0x11f: {  	(erf) = vrcp.f32 v1  }
0x120: {  	(erf) = vpow2.f32 v0;
	_ =	sdelay $0x3  }
0x121: {  	v0 =	vld [tilespmem:$0x3920];
	_ =	sdelay $0x3  }
0x122: {  	v1 =	vpop (erf)  }
0x123: {  	v0 =	vsub.f32 $-3.688879490e+00, v0;
	v2 =	vpop (erf)  }
0x124: {  	v2 =	vadd.f32 $1.000000000e+00, v2  }
0x125: {  	v0 =	vmul.f32 $1.442695020e+00, v0  }
0x126: {  	(erf) = vrcp.f32 v2  }
0x127: {  	(erf) = vpow2.f32 v0;
	_ =	sdelay $0x3  }
0x128: {  	v0 =	vld [tilespmem:$0x3930];
	_ =	sdelay $0x3  }
0x129: {  	v2 =	vpop (erf)  }
0x12a: {  	v0 =	vsub.f32 $-3.688879490e+00, v0;
	v3 =	vpop (erf)  }
0x12b: {  	v3 =	vadd.f32 $1.000000000e+00, v3  }
0x12c: {  	v0 =	vmul.f32 $1.442695020e+00, v0  }
0x12d: {  	(erf) = vrcp.f32 v3  }
0x12e: {  	(erf) = vpow2.f32 v0;
	_ =	sdelay $0x3  }
0x12f: {  	v0 =	vld [tilespmem:$0x3940];
	_ =	sdelay $0x3  }
0x130: {  	v3 =	vpop (erf)  }
0x131: {  	v0 =	vsub.f32 $-3.688879490e+00, v0;
	v4 =	vpop (erf)  }
0x132: {  	v4 =	vadd.f32 $1.000000000e+00, v4  }
0x133: {  	v0 =	vmul.f32 $1.442695020e+00, v0  }
0x134: {  	(erf) = vrcp.f32 v4  }
0x135: {  	(erf) = vpow2.f32 v0;
	_ =	sdelay $0x3  }
0x136: {  	v0 =	vld [tilespmem:$0x3950];
	_ =	sdelay $0x3  }
0x137: {  	v4 =	vpop (erf)  }
0x138: {  	v0 =	vsub.f32 $-3.688879490e+00, v0;
	v5 =	vpop (erf)  }
0x139: {  	v5 =	vadd.f32 $1.000000000e+00, v5  }
0x13a: {  	v0 =	vmul.f32 $1.442695020e+00, v0  }
0x13b: {  	(erf) = vrcp.f32 v5  }
0x13c: {  	(erf) = vpow2.f32 v0;
	_ =	sdelay $0x3  }
0x13d: {  	v0 =	vld [tilespmem:$0x3960];
	_ =	sdelay $0x3  }
0x13e: {  	v5 =	vpop (erf)  }
0x13f: {  	v0 =	vsub.f32 $-3.688879490e+00, v0;
	v6 =	vpop (erf)  }
0x140: {  	v6 =	vadd.f32 $1.000000000e+00, v6  }
0x141: {  	v0 =	vmul.f32 $1.442695020e+00, v0  }
0x142: {  	(erf) = vrcp.f32 v6  }
0x143: {  	(erf) = vpow2.f32 v0;
	_ =	sdelay $0x3  }
0x144: {  	v0 =	vld [tilespmem:$0x3970];
	_ =	sdelay $0x3  }
0x145: {  	v6 =	vpop (erf)  }
0x146: {  	v0 =	vsub.f32 $-3.688879490e+00, v0;
	v7 =	vpop (erf)  }
0x147: {  	v7 =	vadd.f32 $1.000000000e+00, v7  }
0x148: {  	v0 =	vmul.f32 $1.442695020e+00, v0  }
0x149: {  	(erf) = vrcp.f32 v7  }
0x14a: {  	(erf) = vpow2.f32 v0;
	_ =	sdelay $0x3  }
0x14b: {  	v0 =	vld [tilespmem:$0x3980];
	_ =	sdelay $0x3  }
0x14c: {  	v7 =	vpop (erf)  }
0x14d: {  	v0 =	vsub.f32 $-3.688879490e+00, v0;
	v8 =	vpop (erf)  }
0x14e: {  	v8 =	vadd.f32 $1.000000000e+00, v8  }
0x14f: {  	v0 =	vmul.f32 $1.442695020e+00, v0  }
0x150: {  	(erf) = vrcp.f32 v8  }
0x151: {  	(erf) = vpow2.f32 v0;
	_ =	sdelay $0x3  }
0x152: {  	v0 =	vld [tilespmem:$0x3990];
	_ =	sdelay $0x3  }
0x153: {  	v8 =	vpop (erf)  }
0x154: {  	v0 =	vsub.f32 $-3.688879490e+00, v0;
	v9 =	vpop (erf)  }
0x155: {  	v9 =	vadd.f32 $1.000000000e+00, v9  }
0x156: {  	v0 =	vmul.f32 $1.442695020e+00, v0  }
0x157: {  	(erf) = vrcp.f32 v9  }
0x158: {  	(erf) = vpow2.f32 v0;
	_ =	sdelay $0x3  }
0x159: {  	v0 =	vld [tilespmem:$0x39A0];
	_ =	sdelay $0x3  }
0x15a: {  	v9 =	vpop (erf)  }
0x15b: {  	v0 =	vsub.f32 $-3.688879490e+00, v0;
	v10 =	vpop (erf)  }
0x15c: {  	v10 =	vadd.f32 $1.000000000e+00, v10  }
0x15d: {  	v0 =	vmul.f32 $1.442695020e+00, v0  }
0x15e: {  	(erf) = vrcp.f32 v10  }
0x15f: {  	(erf) = vpow2.f32 v0;
	_ =	sdelay $0x3  }
0x160: {  	v0 =	vld [tilespmem:$0x39B0];
	_ =	sdelay $0x3  }
0x161: {  	v10 =	vpop (erf)  }
0x162: {  	v0 =	vsub.f32 $-3.688879490e+00, v0;
	v11 =	vpop (erf)  }
0x163: {  	v11 =	vadd.f32 $1.000000000e+00, v11  }
0x164: {  	v0 =	vmul.f32 $1.442695020e+00, v0  }
0x165: {  	(erf) = vrcp.f32 v11  }
0x166: {  	(erf) = vpow2.f32 v0;
	_ =	sdelay $0x3  }
0x167: {  	v0 =	vld [tilespmem:$0x39C0];
	_ =	sdelay $0x3  }
0x168: {  	v11 =	vpop (erf)  }
0x169: {  	v0 =	vsub.f32 $-3.688879490e+00, v0;
	v12 =	vpop (erf)  }
0x16a: {  	v12 =	vadd.f32 $1.000000000e+00, v12  }
0x16b: {  	v0 =	vmul.f32 $1.442695020e+00, v0  }
0x16c: {  	(erf) = vrcp.f32 v12  }
0x16d: {  	(erf) = vpow2.f32 v0;
	_ =	sdelay $0x3  }
0x16e: {  	v0 =	vld [tilespmem:$0x39D0];
	_ =	sdelay $0x3  }
0x16f: {  	v12 =	vpop (erf)  }
0x170: {  	v0 =	vsub.f32 $-3.688879490e+00, v0;
	v13 =	vpop (erf)  }
0x171: {  	v13 =	vadd.f32 $1.000000000e+00, v13  }
0x172: {  	v0 =	vmul.f32 $1.442695020e+00, v0  }
0x173: {  	(erf) = vrcp.f32 v13  }
0x174: {  	(erf) = vpow2.f32 v0;
	_ =	sdelay $0x3  }
0x175: {  	v0 =	vld [tilespmem:$0x39E0];
	_ =	sdelay $0x3  }
0x176: {  	v13 =	vpop (erf)  }
0x177: {  	v0 =	vsub.f32 $-3.688879490e+00, v0;
	v14 =	vpop (erf)  }
0x178: {  	v14 =	vadd.f32 $1.000000000e+00, v14  }
0x179: {  	v0 =	vmul.f32 $1.442695020e+00, v0  }
0x17a: {  	(erf) = vrcp.f32 v14  }
0x17b: {  	(erf) = vpow2.f32 v0;
	_ =	sdelay $0x3  }
0x17c: {  	v0 =	vld [tilespmem:$0x39F0];
	_ =	sdelay $0x3  }
0x17d: {  	v14 =	vpop (erf)  }
0x17e: {  	v0 =	vsub.f32 $-3.688879490e+00, v0;
	v15 =	vpop (erf)  }
0x17f: {  	v15 =	vadd.f32 $1.000000000e+00, v15  }
0x180: {  	v0 =	vmul.f32 $1.442695020e+00, v0  }
0x181: {  	(erf) = vrcp.f32 v15  }
0x182: {  	(erf) = vpow2.f32 v0;
	_ =	sdelay $0x6  }
0x183: {  	[tilespmem:$0x3900] =	vst v1  }
0x184: {  	[tilespmem:$0x3910] =	vst v2;
	v0 =	vpop (erf)  }
0x185: {  	[tilespmem:$0x3920] =	vst v3;
	v1 =	vpop (erf)  }
0x186: {  	[tilespmem:$0x3930] =	vst v4;
	v1 =	vadd.f32 $1.000000000e+00, v1  }
0x187: {  	[tilespmem:$0x3940] =	vst v5  }
0x188: {  	[tilespmem:$0x3950] =	vst v6;
	(erf) = vrcp.f32 v1  }
0x189: {  	[tilespmem:$0x3960] =	vst v7  }
0x18a: {  	[tilespmem:$0x3970] =	vst v8  }
0x18b: {  	[tilespmem:$0x3980] =	vst v9  }
0x18c: {  	[tilespmem:$0x3990] =	vst v10  }
0x18d: {  	[tilespmem:$0x39A0] =	vst v11  }
0x18e: {  	[tilespmem:$0x39B0] =	vst v12  }
0x18f: {  	[tilespmem:$0x39C0] =	vst v13  }
0x190: {  	[tilespmem:$0x39D0] =	vst v14  }
0x191: {  	[tilespmem:$0x39E0] =	vst v0;
	v0 =	vpop (erf)  }
0x192: {  	s24 =	simm.s32 $0x0;
	[tilespmem:$0x39F0] =	vst v0  }
0x193: {  	v0 =	vld [tilespmem:s24+$0x1C70];
	_ =	sdelay $0x1  }
0x194: {  	v1 =	vld [tilespmem:s24+$0x1C50]  }
0x195: {  	v2 =	vld [tilespmem:s24+$0x1C40]  }
0x196: {  	v3 =	vld [tilespmem:s24+$0x1C30]  }
0x197: {  	v4 =	vld [tilespmem:s24+$0x1C10];
	v0 =	vsub.f32 $-3.688879490e+00, v0;
	_ =	sdelay $0x1  }
0x198: {  	v6 =	vld [tilespmem:s24+$0x1C20];
	v1 =	vsub.f32 $-3.688879490e+00, v1;
	v0 =	vmul.f32 $1.442695020e+00, v0  }
0x199: {  	v5 =	vld [tilespmem:s24+$0x1C00];
	v2 =	vsub.f32 $-3.688879490e+00, v2  }
0x19a: {  	v7 =	vld [tilespmem:s24+$0x1C60];
	v1 =	vmul.f32 $1.442695020e+00, v1;
	(erf) = vpow2.f32 v0;
	v0 =	vsub.f32 $-3.688879490e+00, v3  }
0x19b: {  	v2 =	vmul.f32 $1.442695020e+00, v2;
	v3 =	vsub.f32 $-3.688879490e+00, v4  }
0x19c: {  	(erf) = vpow2.f32 v1;
	v0 =	vmul.f32 $1.442695020e+00, v0  }
0x19d: {  	v1 =	vmul.f32 $1.442695020e+00, v3;
	v3 =	vsub.f32 $-3.688879490e+00, v6;
	(erf) = vpow2.f32 v2  }
0x19e: {  	v62 =	vsub.f32 $-3.688879490e+00, v5;
	(erf) = vpow2.f32 v0  }
0x19f: {  	v63 =	vsub.f32 $-3.688879490e+00, v7;
	v0 =	vmul.f32 $1.442695020e+00, v3;
	(erf) = vpow2.f32 v1  }
0x1a0: {  	v2 =	vmul.f32 $1.442695020e+00, v62  }
0x1a1: {  	v1 =	vmul.f32 $1.442695020e+00, v63  }
0x1a2: {  	(erf) = vpow2.f32 v2  }
0x1a3: {  	(erf) = vpow2.f32 v0;
	v0 =	vpop (erf)  }
0x1a4: {  	(erf) = vpow2.f32 v1;
	v0 =	vadd.f32 $1.000000000e+00, v0  }
0x1a5: {  	v1 =	vpop (erf)  }
0x1a6: {  	(erf) = vrcp.f32 v0;
	v0 =	vadd.f32 $1.000000000e+00, v1;
	v1 =	vpop (erf)  }
0x1a7: {  	v2 =	vpop (erf)  }
0x1a8: {  	v3 =	vpop (erf)  }
0x1a9: {  	v1 =	vadd.f32 $1.000000000e+00, v1;
	(erf) = vrcp.f32 v0;
	v0 =	vadd.f32 $1.000000000e+00, v3  }
0x1aa: {  	v2 =	vadd.f32 $1.000000000e+00, v2  }
0x1ab: {  	v3 =	vpop (erf);
	(erf) = vrcp.f32 v1  }
0x1ac: {  	v1 =	vadd.f32 $1.000000000e+00, v3;
	v3 =	vpop (erf);
	(erf) = vrcp.f32 v2  }
0x1ad: {  	(erf) = vrcp.f32 v0;
	v0 =	vpop (erf)  }
0x1ae: {  	v2 =	vadd.f32 $1.000000000e+00, v3;
	v0 =	vadd.f32 $1.000000000e+00, v0  }
0x1af: {  	(erf) = vrcp.f32 v1  }
0x1b0: {  	(erf) = vrcp.f32 v2  }
0x1b1: {  	(erf) = vrcp.f32 v0  }
0x1b2: {  	s26 =	simm.s32 $0x200;
	s25 =	simm.s32 $0x400;
	v0 =	vpop (erf)  }
.LBB2_2:
0x1b3: {  	p0 =	sne.s32 s25, $0x6200  }
0x1b4: {  	s28 =	sshra.s32 s26, $0x2;
	[tilespmem:s24+$0x1C70] =	vst v0;
	v0 =	vpop (erf);
	s26 =	smov.u32 s25;
	s25 =	sadd.s32 $0x200, s25  }
0x1b5: {  	v1 =	vld [tilespmem:s28+$0x1C70];
	[tilespmem:s24+$0x1C50] =	vst v0;
	v0 =	vpop (erf)  }
0x1b6: {  	v2 =	vld [tilespmem:s28+$0x1C50];
	[tilespmem:s24+$0x1C40] =	vst v0;
	v0 =	vpop (erf)  }
0x1b7: {  	v3 =	vld [tilespmem:s28+$0x1C40];
	[tilespmem:s24+$0x1C30] =	vst v0;
	v0 =	vpop (erf)  }
0x1b8: {  	v4 =	vld [tilespmem:s28+$0x1C30];
	[tilespmem:s24+$0x1C10] =	vst v0;
	v0 =	vpop (erf)  }
0x1b9: {  	v5 =	vld [tilespmem:s28+$0x1C10];
	[tilespmem:s24+$0x1C00] =	vst v0;
	v0 =	vpop (erf)  }
0x1ba: {  	v6 =	vld [tilespmem:s28+$0x1C00];
	v1 =	vsub.f32 $-3.688879490e+00, v1;
	[tilespmem:s24+$0x1C20] =	vst v0;
	v0 =	vpop (erf)  }
0x1bb: {  	v7 =	vld [tilespmem:s28+$0x1C20];
	v2 =	vsub.f32 $-3.688879490e+00, v2;
	[tilespmem:s24+$0x1C60] =	vst v0;
	s24 =	smov.u32 s28  }
0x1bc: {  	v0 =	vsub.f32 $-3.688879490e+00, v3;
	v3 =	vld [tilespmem:s24+$0x1C60];
	v1 =	vmul.f32 $1.442695020e+00, v1  }
0x1bd: {  	v4 =	vsub.f32 $-3.688879490e+00, v4;
	v2 =	vmul.f32 $1.442695020e+00, v2  }
0x1be: {  	v5 =	vsub.f32 $-3.688879490e+00, v5;
	v0 =	vmul.f32 $1.442695020e+00, v0;
	(erf) = vpow2.f32 v1  }
0x1bf: {  	v1 =	vsub.f32 $-3.688879490e+00, v6;
	v4 =	vmul.f32 $1.442695020e+00, v4;
	(erf) = vpow2.f32 v2  }
0x1c0: {  	v2 =	vmul.f32 $1.442695020e+00, v5;
	v5 =	vsub.f32 $-3.688879490e+00, v7;
	(erf) = vpow2.f32 v0  }
0x1c1: {  	v0 =	vmul.f32 $1.442695020e+00, v1;
	v1 =	vsub.f32 $-3.688879490e+00, v3;
	(erf) = vpow2.f32 v4  }
0x1c2: {  	v3 =	vmul.f32 $1.442695020e+00, v5;
	(erf) = vpow2.f32 v2  }
0x1c3: {  	v1 =	vmul.f32 $1.442695020e+00, v1;
	(erf) = vpow2.f32 v0  }
0x1c4: {  	(erf) = vpow2.f32 v3  }
0x1c5: {  	(erf) = vpow2.f32 v1;
	_ =	sdelay $0x1  }
0x1c6: {  	v0 =	vpop (erf)  }
0x1c7: {  	v0 =	vadd.f32 $1.000000000e+00, v0;
	v1 =	vpop (erf)  }
0x1c8: {  	v1 =	vadd.f32 $1.000000000e+00, v1;
	v2 =	vpop (erf)  }
0x1c9: {  	v2 =	vadd.f32 $1.000000000e+00, v2;
	v3 =	vpop (erf);
	(erf) = vrcp.f32 v0  }
0x1ca: {  	v0 =	vadd.f32 $1.000000000e+00, v3;
	v3 =	vpop (erf);
	(erf) = vrcp.f32 v1  }
0x1cb: {  	v4 =	vadd.f32 $1.000000000e+00, v3;
	v3 =	vpop (erf);
	(erf) = vrcp.f32 v2  }
0x1cc: {  	v2 =	vadd.f32 $1.000000000e+00, v3;
	v3 =	vpop (erf);
	(erf) = vrcp.f32 v0  }
0x1cd: {  	v0 =	vadd.f32 $1.000000000e+00, v3;
	(erf) = vrcp.f32 v4;
	v1 =	vpop (erf)  }
.Ltmp0:
0x1ce: {  	v1 =	vadd.f32 $1.000000000e+00, v1;
	(erf) = vrcp.f32 v2;
	(pc) =	sbr.rel @p0 .LBB2_2-.Ltmp0, $3  }
0x1cf: {  	(erf) = vrcp.f32 v0  }
0x1d0: {  	(erf) = vrcp.f32 v1;
	_ =	sdelay $0x1  }
0x1d1: {  	v0 =	vpop (erf)  }
0x1d2: {  	s25 =	sshra.s32 s26, $0x2;
	[tilespmem:s24+$0x1C70] =	vst v0;
	v29 =	vpop (erf)  }
0x1d3: {  	v1 =	vld [tilespmem:s25+$0x1C70];
	[tilespmem:s24+$0x1C50] =	vst v29;
	v30 =	vpop (erf)  }
0x1d4: {  	v2 =	vld [tilespmem:s25+$0x1C50];
	[tilespmem:s24+$0x1C40] =	vst v30;
	v31 =	vpop (erf)  }
0x1d5: {  	v3 =	vld [tilespmem:s25+$0x1C40];
	[tilespmem:s24+$0x1C30] =	vst v31;
	v32 =	vpop (erf)  }
0x1d6: {  	v4 =	vld [tilespmem:s25+$0x1C30];
	[tilespmem:s24+$0x1C10] =	vst v32;
	v33 =	vpop (erf)  }
0x1d7: {  	v5 =	vld [tilespmem:s25+$0x1C10];
	[tilespmem:s24+$0x1C00] =	vst v33;
	v34 =	vpop (erf)  }
0x1d8: {  	v6 =	vld [tilespmem:s25+$0x1C00];
	[tilespmem:s24+$0x1C20] =	vst v34;
	v35 =	vsub.f32 $-3.688879490e+00, v1;
	v36 =	vpop (erf)  }
0x1d9: {  	v7 =	vld [tilespmem:s25+$0x1C20];
	v2 =	vsub.f32 $-3.688879490e+00, v2;
	[tilespmem:s24+$0x1C60] =	vst v36  }
0x1da: {  	v37 =	vsub.f32 $-3.688879490e+00, v3;
	v38 =	vld [tilespmem:s25+$0x1C60];
	v0 =	vmul.f32 $1.442695020e+00, v35  }
0x1db: {  	v4 =	vsub.f32 $-3.688879490e+00, v4;
	v2 =	vmul.f32 $1.442695020e+00, v2  }
0x1dc: {  	v5 =	vsub.f32 $-3.688879490e+00, v5;
	v1 =	vmul.f32 $1.442695020e+00, v37;
	(erf) = vpow2.f32 v0  }
0x1dd: {  	v39 =	vsub.f32 $-3.688879490e+00, v6;
	v4 =	vmul.f32 $1.442695020e+00, v4;
	(erf) = vpow2.f32 v2  }
0x1de: {  	v40 =	vmul.f32 $1.442695020e+00, v5;
	v41 =	vsub.f32 $-3.688879490e+00, v7;
	(erf) = vpow2.f32 v1  }
0x1df: {  	v0 =	vmul.f32 $1.442695020e+00, v39;
	v42 =	vsub.f32 $-3.688879490e+00, v38;
	(erf) = vpow2.f32 v4  }
0x1e0: {  	v43 =	vmul.f32 $1.442695020e+00, v41;
	(erf) = vpow2.f32 v40  }
0x1e1: {  	v1 =	vmul.f32 $1.442695020e+00, v42;
	(erf) = vpow2.f32 v0  }
0x1e2: {  	(erf) = vpow2.f32 v43  }
0x1e3: {  	(erf) = vpow2.f32 v1;
	_ =	sdelay $0x1  }
0x1e4: {  	v44 =	vpop (erf)  }
0x1e5: {  	v0 =	vadd.f32 $1.000000000e+00, v44;
	v45 =	vpop (erf)  }
0x1e6: {  	v1 =	vadd.f32 $1.000000000e+00, v45;
	v46 =	vpop (erf)  }
0x1e7: {  	v2 =	vadd.f32 $1.000000000e+00, v46;
	v47 =	vpop (erf);
	(erf) = vrcp.f32 v0  }
0x1e8: {  	v48 =	vadd.f32 $1.000000000e+00, v47;
	v49 =	vpop (erf);
	(erf) = vrcp.f32 v1  }
0x1e9: {  	v50 =	vadd.f32 $1.000000000e+00, v49;
	v51 =	vpop (erf);
	(erf) = vrcp.f32 v2  }
0x1ea: {  	v52 =	vadd.f32 $1.000000000e+00, v51;
	v53 =	vpop (erf);
	(erf) = vrcp.f32 v48  }
0x1eb: {  	v54 =	vadd.f32 $1.000000000e+00, v53;
	(erf) = vrcp.f32 v50;
	v55 =	vpop (erf)  }
0x1ec: {  	v1 =	vadd.f32 $1.000000000e+00, v55;
	(erf) = vrcp.f32 v52  }
0x1ed: {  	(erf) = vrcp.f32 v54  }
0x1ee: {  	(erf) = vrcp.f32 v1;
	_ =	sdelay $0x1  }
0x1ef: {  	v56 =	vpop (erf)  }
0x1f0: {  	[tilespmem:s25+$0x1C70] =	vst v56;
	v57 =	vpop (erf)  }
0x1f1: {  	[tilespmem:s25+$0x1C50] =	vst v57;
	v58 =	vpop (erf)  }
0x1f2: {  	[tilespmem:s25+$0x1C40] =	vst v58;
	v59 =	vpop (erf)  }
0x1f3: {  	[tilespmem:s25+$0x1C30] =	vst v59;
	v60 =	vpop (erf)  }
0x1f4: {  	[tilespmem:s25+$0x1C10] =	vst v60;
	v61 =	vpop (erf)  }
0x1f5: {  	[tilespmem:s25+$0x1C00] =	vst v61;
	v62 =	vpop (erf)  }
0x1f6: {  	[tilespmem:s25+$0x1C20] =	vst v62;
	v63 =	vpop (erf)  }
0x1f7: {  	[tilespmem:s25+$0x1C60] =	vst v63  }
0x1f8: {  	[hbm4b:s6+s2] =	stream.linear.scatter [tilespmem:s15], [sflag:$0x2], $0x1900, $0x38;
	[tilespmem:$0x3A00] =	vst v63  }
0x1f9: {  	s23 =	sadd.s32 $0x1, s23;
	_ =	swait.ge [sflag:s9], $0x1900  }
0x1fa: {  	p0 =	sne.s32 s23, s8;
	[sflag:s9] =	ssyncset.done $0x0  }
.Ltmp1:
0x1fb: {  	[sflag:s9] =	ssyncadd.s32 $0xFFFFE700;
	(pc) =	sbr.rel @p0 .LBB2_1-.Ltmp1, $4  }
0x1fc: {  	[hbm4b:s7+s2] =	stream.linear.scatter [tilespmem:s12], [sflag:$0x2], $0x100, $0x38;
	[tilespmem:$0x3A00] =	vst v63  }
0x1fd: {  	_ =	swait.ge [sflag:s9], $0x100  }
0x1fe: {  	[sflag:s9] =	ssyncset.done $0x0  }
0x1ff: {  	[sflag:s9] =	ssyncadd.s32 $0xFFFFFF00  }
0x200: {  	_ =	sfence.sel $0x180000  }
0x201: {  	[bflag:$0x0] =	sbarrier.arrive $0xFFFF  }
0x202: {  	_ =	strace $0x90000047  }
0x203: {  	s0 =	stileid.u32;
	[bflag:$0x2] =	sbarrier.arrive $0xFFFF  }
0x204: {  	p0 =	sne.s32 s0, $0x0;
	s0 =	rddreg [dreg:$0x1]  }
0x205: {  	s0 =	sadd.s32 @!p0 $0x100000, s0  }
0x206: {  	[sflag:s0] =	ssyncadd.tile.s32 @!p0 $0x1;
	_ =	shalt  }
.Lfunc_end2:
_tile_overlayer_lowered:
.L_overlay_start_2:
0x207: {  	(tag) =	ssettag $0x2  }
0x208: {  	s0 =	rddreg [dreg:$0x0];
	s2 =	stileid.u32  }
0x209: {  	s1 =	rddreg [dreg:$0x1];
	p0 =	sne.s32 s2, $0x0  }
0x20a: {  	s3 =	rddreg [dreg:$0x2];
	[bflag:$0x3] =	sbarrier.arrive $0xFFFF;
	s2 =	simm.s32 @!p0 $0x1C02  }
0x20b: {  	[timem:s3], [sflag:s2] =	dma.local @!p0 [hbm:s0], s1  }
0x20c: {  	s0 =	simm.s32 @!p0 $0x2  }
0x20d: {  	_ =	swait.ge @!p0 [sflag:s0], s1  }
0x20e: {  	s1 =	ssub.s32 @!p0 $0x0, s1;
	[sflag:s0] =	ssyncset.done @!p0 $0x0  }
0x20f: {  	[sflag:s0] =	ssyncadd.s32 @!p0 s1  }
0x210: {  	[bflag:$0x3] =	sbarrier.arrive $0xFFFF  }
0x211: {  	_ =	shalt  }

// kernel: kernel.9.cloned.1.call-start
scs
__scs_entry_jumppad:
0x0: {  	(pc) =	sbr.rel $0x88, $3  }
0x1: {  	(tag) =	ssettag $0x0;
	lr =	simm.s32 $0x1  }
0x2: {  	[smem:$0x3F9D] =	sst lr;
	_ =	strace $0xD0000000  }
0x3: {  	_ = 	snop  }
0x4: {  	_ = 	snop  }
0x5: {  	_ = 	snop  }
0x6: {  	_ = 	snop  }
0x7: {  	_ = 	snop  }
__scs_overlays_trampoline_lowered:
0x8: {  	[smem:$0x3FAC] =	sst s0  }
0x9: {  	[smem:$0x3FAD] =	sst s1  }
0xa: {  	[smem:$0x3FAE] =	sst s2  }
0xb: {  	[smem:$0x3FAF] =	sst s3  }
0xc: {  	[smem:$0x3FB0] =	sst s4  }
0xd: {  	[smem:$0x3FB1] =	sst s5  }
0xe: {  	[smem:$0x3FB2] =	sst s6  }
0xf: {  	[smem:$0x3FB3] =	sst s7  }
0x10: {  	[smem:$0x3FB4] =	sst s8  }
0x11: {  	[smem:$0x3FB5] =	sst s9;
	s0 =	simm.s32 @!p0 $0x0  }
0x12: {  	s1 =	sld [smem:$0x3F9B];
	s0 =	simm.s32 @p0 $0x1  }
0x13: {  	[smem:$0x3FB6] =	sst s0;
	s0 =	simm.s32 @!p1 $0x0  }
0x14: {  	s2 =	sld [smem:$0x3F9A];
	s0 =	simm.s32 @p1 $0x1  }
0x15: {  	[smem:$0x3FB7] =	sst s0;
	s0 =	simm.s32 @!p2 $0x0  }
0x16: {  	s3 =	sld [smem:$0x3FDB];
	s0 =	simm.s32 @p2 $0x1  }
0x17: {  	s4 =	simm.s32 $0x1BF5;
	[smem:$0x3FB9] =	sst s0  }
0x18: {  	s0 =	sld [smem:$0x3F9C];
	_ =	swait.ge [sflag:s4], $0x0  }
0x19: {  	s7 =	sld [smem:$0x3F9D]  }
0x1a: {  	s8 =	sadd.s32 $0xFFFFE003, lr  }
0x1b: {  	s9 =	sadd.s32 $0xFFFFFEF7, lr;
	s5 =	simm.s32 $0xFFFFFFFF;
	p2 =	slt.u32 s8, $0xFFFFF086  }
0x1c: {  	p1 =	slt.u32 s9, $0xF7A;
	s5 =	simm.s32 @!p2 $0x0  }
0x1d: {  	s5 =	simm.s32 @p1 $0x1;
	p0 =	seq.s32 s7, s2  }
0x1e: {  	s7 =	smul.u32 @!p0 $0xF7A, s2;
	p2 =	seq.s32 @!p0 s5, $0x0  }
0x1f: {  	s9 =	smul.u32 $0xF7A, s1;
	s8 =	simm.s32 @!p0 $0x1BF5;
	p2 =	por !p2, p0  }
0x20: {  	[sflag:s8] =	ssyncset.s32 @!p0 $0xFFFFF086;
	s6 =	sadd.s32 @!p0 s3, s7;
	s7 =	simm.s32 @!p0 $0x108  }
0x21: {  	s3 =	sadd.s32 s3, s9;
	s6 =	sadd.s32 @!p0 $0x88, s6;
	s7 =	simm.s32 @p2 $0x1082  }
0x22: {  	[simem:s7], [sflag:s8] =	dma.local @!p0 [hbm:s6], $0xF7A  }
0x23: {  	s9 =	sor.u32 $0xD0000000, s2;
	s6 =	simm.s32 $0x108;
	_ =	swait.ge @!p0 [sflag:s8], $0x0  }
0x24: {  	s3 =	sadd.s32 $0x88, s3;
	s6 =	simm.s32 @!p1 $0x1082;
	[sflag:s4] =	ssyncset.s32 $0xFFFFF086  }
0x25: {  	[simem:s6], [sflag:s4] =	dma.local [hbm:s3], $0xF7A  }
0x26: {  	[smem:$0x3F9D] =	sst s1;
	(tag) =	ssettag s2;
	_ =	strace s9  }
0x27: {  	s1 =	sld [smem:$0x3FAD]  }
0x28: {  	s2 =	sld [smem:$0x3FAE]  }
0x29: {  	s4 =	sld [smem:$0x3FB0]  }
0x2a: {  	p0 =	seq.s32 s5, $0x0;
	s5 =	sld [smem:$0x3FB1]  }
0x2b: {  	s6 =	sld [smem:$0x3FB2]  }
0x2c: {  	s7 =	sld [smem:$0x3FB3]  }
0x2d: {  	s3 =	simm.s32 $0x108;
	s8 =	sld [smem:$0x3FB4]  }
0x2e: {  	s3 =	simm.s32 @!p0 $0x1082;
	s9 =	sld [smem:$0x3FB5]  }
0x2f: {  	lr =	sadd.s32 s0, s3;
	s0 =	sld [smem:$0x3FAC]  }
0x30: {  	s3 =	sld [smem:$0x3FAF]  }
0x31: {  	[smem:$0x3FB8] =	sst s10  }
0x32: {  	s10 =	sld [smem:$0x3FB6];
	_ =	sdelay $0x3  }
0x33: {  	p0 =	seq.s32 s10, $0x1;
	s10 =	sld [smem:$0x3FB8];
	_ =	sdelay $0x3  }
0x34: {  	[smem:$0x3FB8] =	sst s10  }
0x35: {  	s10 =	sld [smem:$0x3FB7];
	_ =	sdelay $0x3  }
0x36: {  	p1 =	seq.s32 s10, $0x1;
	s10 =	sld [smem:$0x3FB8];
	_ =	sdelay $0x3  }
0x37: {  	[smem:$0x3FB8] =	sst s10  }
0x38: {  	s10 =	sld [smem:$0x3FB9]  }
0x39: {  	_ = 	snop;
	(pc) =	sbr.ind lr, $3  }
0x3a: {  	_ = 	snop  }
0x3b: {  	_ = 	snop  }
0x3c: {  	p2 =	seq.s32 s10, $0x1;
	s10 =	sld [smem:$0x3FB8]  }
0x3d: {  	_ =	shalt  }
0x3e: {  	_ =	shalt  }
0x3f: {  	_ =	shalt  }
0x40: {  	_ =	shalt  }
0x41: {  	_ =	shalt  }
0x42: {  	_ =	shalt  }
0x43: {  	_ =	shalt  }
0x44: {  	_ =	shalt  }
0x45: {  	_ =	shalt  }
0x46: {  	_ =	shalt  }
0x47: {  	_ =	shalt  }
0x48: {  	_ =	shalt  }
0x49: {  	_ =	shalt  }
0x4a: {  	_ =	shalt  }
0x4b: {  	_ =	shalt  }
0x4c: {  	_ =	shalt  }
0x4d: {  	_ =	shalt  }
0x4e: {  	_ =	shalt  }
0x4f: {  	_ =	shalt  }
0x50: {  	_ =	shalt  }
0x51: {  	_ =	shalt  }
0x52: {  	_ =	shalt  }
0x53: {  	_ =	shalt  }
0x54: {  	_ =	shalt  }
0x55: {  	_ =	shalt  }
0x56: {  	_ =	shalt  }
0x57: {  	_ =	shalt  }
0x58: {  	_ =	shalt  }
0x59: {  	_ =	shalt  }
0x5a: {  	_ =	shalt  }
0x5b: {  	_ =	shalt  }
0x5c: {  	_ =	shalt  }
0x5d: {  	_ =	shalt  }
0x5e: {  	_ =	shalt  }
0x5f: {  	_ =	shalt  }
0x60: {  	_ =	shalt  }
0x61: {  	_ =	shalt  }
0x62: {  	_ =	shalt  }
0x63: {  	_ =	shalt  }
0x64: {  	_ =	shalt  }
0x65: {  	_ =	shalt  }
0x66: {  	_ =	shalt  }
0x67: {  	_ =	shalt  }
0x68: {  	_ =	shalt  }
0x69: {  	_ =	shalt  }
0x6a: {  	_ =	shalt  }
0x6b: {  	_ =	shalt  }
0x6c: {  	_ =	shalt  }
0x6d: {  	_ =	shalt  }
0x6e: {  	_ =	shalt  }
0x6f: {  	_ =	shalt  }
0x70: {  	_ =	shalt  }
0x71: {  	_ =	shalt  }
0x72: {  	_ =	shalt  }
0x73: {  	_ =	shalt  }
0x74: {  	_ =	shalt  }
0x75: {  	_ =	shalt  }
0x76: {  	_ =	shalt  }
0x77: {  	_ =	shalt  }
0x78: {  	_ =	shalt  }
0x79: {  	_ =	shalt  }
0x7a: {  	_ =	shalt  }
0x7b: {  	_ =	shalt  }
0x7c: {  	_ =	shalt  }
0x7d: {  	_ =	shalt  }
0x7e: {  	_ =	shalt  }
0x7f: {  	_ =	shalt  }
0x80: {  	_ =	shalt  }
0x81: {  	_ =	shalt  }
0x82: {  	_ =	shalt  }
0x83: {  	_ =	shalt  }
0x84: {  	_ =	shalt  }
0x85: {  	_ =	shalt  }
0x86: {  	_ =	shalt  }
0x87: {  	_ =	shalt  }
.Lfunc_end0:
.L_simem_size_0:
called_computation.1_lowered:
.L_overlay_start_0:
0x88: {  	s2 =	sld [smem:$0x3FD9]  }
0x89: {  	s3 =	sld [smem:$0x3FFE];
	_ =	sdelay $0x1  }
0x8a: {  	s1 =	srdreg.scid  }
0x8b: {  	s0 =	sand.u32 $0x1, s1  }
0x8c: {  	s17 =	sshll.u32 s0, $0xA;
	s2 =	sadd.s32 s3, s2  }
0x8d: {  	s2 =	sadd.s32 s2, s17  }
0x8e: {  	[smem:$0x3FC4] =	sst s2  }
0x8f: {  	_ = 	snop  }
0x90: {  	s18 =	sld [smem:$0x3FD0];
	(tm) =	ssettm $0x1  }
0x91: {  	s19 =	sld [smem:$0x3FFB];
	_ =	sdelay $0x3  }
0x92: {  	_ =	strace s19  }
0x93: {  	s2 =	sld [smem:$0x3FFC];
	_ =	sdelay $0x3  }
0x94: {  	_ =	strace s2  }
0x95: {  	s2 =	sld [smem:$0x3FFD];
	_ =	sdelay $0x3  }
0x96: {  	_ =	strace s2  }
0x97: {  	_ =	strace $0x8FFFFFFF  }
0x98: {  	s20 =	sld [smem:$0x3FDB];
	_ =	sdelay $0x1  }
0x99: {  	s4 =	simm.s32 $_scs_section_size  }
0x9a: {  	s5 =	simm.s32 $_size__tile_overlayer_lowered;
	s6 =	simm.s32 $_tile_overlayer_lowered  }
0x9b: {  	s7 =	simm.s32 $0x1BFF;
	s21 =	sshll.u32 s6, $0x1;
	s4 =	sadd.s32 s4, s20  }
0x9c: {  	s22 =	simm.s32 $0x0;
	s5 =	sshll.u32 s5, $0x1;
	s6 =	sadd.s32 s21, s4  }
0x9d: {  	[timem:s22], [sflag:s7] =	dma.local [hbm:s6], s5  }
0x9e: {  	_ =	swait.ge [sflag:s7], s5  }
0x9f: {  	s5 =	ssub.s32 $0x0, s5;
	[sflag:s7] =	ssyncset.done $0x0  }
0xa0: {  	[sflag:s7] =	ssyncadd.s32 s5;
	_ =	sdelay $0x1  }
0xa1: {  	s23 =	simm.s32 $0x1B8B  }
0xa2: {  	_ =	swait.ge [sflag:s23], $0x1  }
0xa3: {  	[sflag:s23] =	ssyncset.done $0x0  }
0xa4: {  	[sflag:s23] =	ssyncadd.s32 $0xFFFFFFFF  }
0xa5: {  	s5 =	sld [smem:$0x0]  }
0xa6: {  	s6 =	sand.u32 $0xFFFFFFFE, s1  }
0xa7: {  	p0 =	sne.s32 s1, s6  }
0xa8: {  	s6 =	sshll.u32 @p0 s6, $0xE  }
0xa9: {  	s6 =	sadd.s32 @p0 $0x11B8D, s6;
	s7 =	sshll.u32 @p0 s5, $0x11  }
0xaa: {  	s6 =	sor.u32 @p0 s7, s6  }
0xab: {  	[sflag:s6] =	ssyncadd.remote.s32 @p0 $0x1;
	_ =	sdelay $0x1  }
0xac: {  	s6 =	simm.s32 @p0 $0x1B8D  }
0xad: {  	_ =	swait.eq @p0 [sflag:s6], $0x1  }
0xae: {  	[sflag:s6] =	ssyncadd.s32 @p0 $0xFFFFFFFF  }
0xaf: {  	s7 =	sshll.u32 @!p0 s1, $0xE  }
0xb0: {  	s7 =	sor.u32 @!p0 $0x4000, s7;
	s6 =	simm.s32 @!p0 $0x1B8D  }
0xb1: {  	s5 =	sshll.u32 @!p0 s5, $0x11;
	s7 =	sadd.s32 @!p0 $0x11B8D, s7;
	_ =	swait.eq @!p0 [sflag:s6], $0x1  }
0xb2: {  	s5 =	sor.u32 @!p0 s5, s7;
	[sflag:s6] =	ssyncadd.s32 @!p0 $0xFFFFFFFF  }
0xb3: {  	s25 =	simm.s32 $0x1B8E;
	s24 =	sld [smem:$0x3FFE];
	[sflag:s5] =	ssyncadd.remote.s32 @!p0 $0x1  }
0xb4: {  	s26 =	simm.s32 $execute0_lowered;
	[smem:$0x3FD2] =	sst s25  }
0xb5: {  	s6 =	sshll.u32 s26, $0x1;
	_ =	strace $0x80000049;
	[dreg:$0x1] =	wrdreg $0xFFFFFFFF  }
0xb6: {  	s28 =	simm.s32 $_size_execute0_lowered;
	s4 =	sadd.s32 s4, s6;
	[dreg:$0x0] =	wrdreg $0x0  }
0xb7: {  	s6 =	sshll.u32 s28, $0x1;
	[dreg:$0x2] =	wrdreg s4  }
0xb8: {  	[dreg:$0x3] =	wrdreg s6  }
0xb9: {  	[dreg:$0x4] =	wrdreg $0xC0  }
0xba: {  	_ =	task [dreg:s22], $0x5FFFF  }
0xbb: {  	[dreg:$0x1] =	wrdreg $0xFFFFFFFF  }
0xbc: {  	[dreg:$0x0] =	wrdreg $0x60  }
0xbd: {  	[dreg:$0x2] =	wrdreg s24  }
0xbe: {  	[dreg:$0x3] =	wrdreg s18  }
0xbf: {  	[dreg:$0x4] =	wrdreg $0xA  }
0xc0: {  	_ =	task.clear_ibuf [dreg:s22], $0x5FFFF;
	_ =	strace $0x90000049  }
0xc1: {  	s29 =	simm.s32 $0xA;
	_ =	strace $0x8000004B  }
0xc2: {  	_ =	swait.ge [sflag:s29], $0x1  }
0xc3: {  	[sflag:s29] =	ssyncadd.s32 $0xFFFFFFFF  }
0xc4: {  	_ =	strace $0x9000004B  }
0xc5: {  	_ =	sfence  }
0xc6: {  	s30 =	sld [smem:$0x0];
	_ =	sdelay $0x2  }
0xc7: {  	s31 =	sshll.u32 s1, $0xD;
	s1 =	sshrl.u32 s1, $0x2  }
0xc8: {  	s4 =	sand.u32 $0x4000, s31;
	s1 =	sadd.s32 s1, s30  }
0xc9: {  	s0 =	sor.u32 s4, s0;
	s1 =	sshll.u32 s1, $0x11  }
0xca: {  	s0 =	sor.u32 s1, s0  }
0xcb: {  	s0 =	sadd.s32 $0x8F2B, s0  }
0xcc: {  	[sflag:s0] =	ssyncadd.remote.s32 $0x1  }
0xcd: {  	_ =	sfence.sel $0xFFFF  }
0xce: {  	[dreg:$0x0] =	wrdreg $0xFFFFFFFF;
	(pc) =	sbr.abs _section_cstart, $3  }
0xcf: {  	[dreg:$0x1] =	wrdreg $0xFFFFFFFF  }
0xd0: {  	_ =	task.clear_ibuf [dreg:s22], $0x2FFFF;
	_ =	strace $0x9FFFFFFF  }
0xd1: {  	(tm) =	ssettm $0x7FFFFFFF  }
tec
execute0_lowered:
.L_overlay_start_1:
0x0: {  	(tag) =	ssettag $0x1  }
0x1: {  	s0 =	rddreg [dreg:$0x0]  }
0x2: {  	s1 =	rddreg [dreg:$0x1]  }
0x3: {  	s3 =	srdreg.scid;
	s4 =	stileid.u32  }
0x4: {  	s2 =	simm.s32 $0x0;
	s10 =	simm.s32 $0x3800;
	s11 =	simm.s32 $0x80  }
0x5: {  	s12 =	simm.s32 $0x3900;
	s15 =	simm.s32 $0x1C00;
	s13 =	simm.s32 $0x1  }
0x6: {  	s29 =	simm.s32 $0x3180;
	s30 =	simm.s32 $0x1600;
	s31 =	simm.s32 $0x3200  }
0x7: {  	s14 =	simm.s32 $0x1700;
	s16 =	simm.s32 $0x3300;
	s17 =	simm.s32 $0x1780  }
0x8: {  	s18 =	simm.s32 $0x3380;
	s19 =	simm.s32 $0x1800;
	s20 =	simm.s32 $0x3400  }
0x9: {  	s21 =	simm.s32 $0x1880;
	s3 =	sand.u32 $0x1, s3;
	s4 =	sshll.u32 s4, $0x1  }
0xa: {  	s22 =	simm.s32 $0x3480;
	[smem:$0x7FF] =	sst s2;
	s4 =	sor.u32 s3, s4  }
0xb: {  	s23 =	simm.s32 $0x0;
	_ =	strace $0x8000004A;
	s5 =	smul.u32 $0x380, s4  }
0xc: {  	s6 =	ssub.s32 $0x2, s3;
	s3 =	sadd.s32 $0x110400, s0;
	s4 =	sshll.u32 s4, $0x5  }
0xd: {  	s7 =	sshrl.u32 s6, $0x1;
	s8 =	sadd.s32 s5, s0;
	s0 =	sadd.s32 s4, s0  }
0xe: {  	s4 =	sadd.s32 s1, s5;
	s1 =	simm.s32 $0x3280;
	s5 =	sadd.s32 $0x210400, s0  }
0xf: {  	s9 =	ssub.s32 s6, s7;
	s6 =	sadd.s32 $0x210800, s8;
	s7 =	sadd.s32 $0x217800, s0  }
0x10: {  	s8 =	smax.u32 s9, $0x1;
	s9 =	simm.s32 $0x2;
	s0 =	simm.s32 $0x1680  }
.LBB2_1:
0x11: {  	[tilespmem:s2], [sflag:$0x2] =	stream.linear.gather [hbm4b:s4+s2], $0x1900, $0x38;
	[tilespmem:$0x3A00] =	vst v63  }
0x12: {  	_ =	swait.ge [sflag:s9], $0x1900  }
0x13: {  	[sflag:s9] =	ssyncset.done $0x0  }
0x14: {  	[sflag:s9] =	ssyncadd.s32 $0xFFFFE700  }
0x15: {  	[tilespmem:s10], [sflag:$0x2] =	stream.linear.gather [hbm4b:s5+s2], $0x100, $0x38;
	[tilespmem:$0x3A00] =	vst v63  }
0x16: {  	_ =	swait.ge [sflag:s9], $0x100  }
0x17: {  	[sflag:s9] =	ssyncset.done $0x0  }
0x18: {  	[sflag:s9] =	ssyncadd.s32 $0xFFFFFF00  }
0x19: {  	[tilespmem:s12], [sflag:$0x1] =	stream.indirect.gather [hbm4b:s3+s11], $0x1, s10, s11, $0xb8;
	[tilespmem:$0x3A00] =	vst v63  }
0x1a: {  	s24 =	simm.s32 $0x3880;
	s25 =	simm.s32 $0x3980  }
0x1b: {  	[tilespmem:s25], [sflag:$0x1] =	stream.indirect.gather [hbm4b:s3+s11], $0x1, s24, s11, $0xb8;
	[tilespmem:$0x3A00] =	vst v63  }
0x1c: {  	_ = 	snop  }
0x1d: {  	[tilespmem:s15], [sflag:$0x1] =	stream.indirect.gather [hbm4b:s3+s11], $0x1, s2, s11, $0xb8;
	[tilespmem:$0x3A00] =	vst v63  }
0x1e: {  	s25 =	simm.s32 $0x1C80  }
0x1f: {  	[tilespmem:s25], [sflag:$0x1] =	stream.indirect.gather [hbm4b:s3+s11], $0x1, s11, s11, $0xb8;
	[tilespmem:$0x3A00] =	vst v63  }
0x20: {  	s26 =	simm.s32 $0x100;
	s28 =	simm.s32 $0x1D00  }
0x21: {  	[tilespmem:s28], [sflag:$0x1] =	stream.indirect.gather [hbm4b:s3+s11], $0x1, s26, s11, $0xb8;
	[tilespmem:$0x3A00] =	vst v63  }
0x22: {  	s26 =	simm.s32 $0x180;
	s28 =	simm.s32 $0x1D80  }
0x23: {  	[tilespmem:s28], [sflag:$0x1] =	stream.indirect.gather [hbm4b:s3+s11], $0x1, s26, s11, $0xb8;
	[tilespmem:$0x3A00] =	vst v63  }
0x24: {  	s26 =	simm.s32 $0x200;
	s28 =	simm.s32 $0x1E00  }
0x25: {  	[tilespmem:s28], [sflag:$0x1] =	stream.indirect.gather [hbm4b:s3+s11], $0x1, s26, s11, $0xb8;
	[tilespmem:$0x3A00] =	vst v63  }
0x26: {  	s26 =	simm.s32 $0x280;
	s28 =	simm.s32 $0x1E80  }
0x27: {  	[tilespmem:s28], [sflag:$0x1] =	stream.indirect.gather [hbm4b:s3+s11], $0x1, s26, s11, $0xb8;
	[tilespmem:$0x3A00] =	vst v63  }
0x28: {  	s26 =	simm.s32 $0x300;
	s28 =	simm.s32 $0x1F00  }
0x29: {  	[tilespmem:s28], [sflag:$0x1] =	stream.indirect.gather [hbm4b:s3+s11], $0x1, s26, s11, $0xb8;
	[tilespmem:$0x3A00] =	vst v63  }
0x2a: {  	s26 =	simm.s32 $0x380;
	s28 =	simm.s32 $0x1F80  }
0x2b: {  	[tilespmem:s28], [sflag:$0x1] =	stream.indirect.gather [hbm4b:s3+s11], $0x1, s26, s11, $0xb8;
	[tilespmem:$0x3A00] =	vst v63  }
0x2c: {  	s26 =	simm.s32 $0x400;
	s28 =	simm.s32 $0x2000  }
0x2d: {  	[tilespmem:s28], [sflag:$0x1] =	stream.indirect.gather [hbm4b:s3+s11], $0x1, s26, s11, $0xb8;
	[tilespmem:$0x3A00] =	vst v63  }
0x2e: {  	s26 =	simm.s32 $0x480;
	s28 =	simm.s32 $0x2080  }
0x2f: {  	[tilespmem:s28], [sflag:$0x1] =	stream.indirect.gather [hbm4b:s3+s11], $0x1, s26, s11, $0xb8;
	[tilespmem:$0x3A00] =	vst v63  }
0x30: {  	_ =	swait.ge [sflag:s13], $0x80  }
0x31: {  	[sflag:s13] =	ssyncset.done $0x0  }
0x32: {  	[sflag:s13] =	ssyncadd.s32 $0xFFFFFF80  }
0x33: {  	_ =	swait.ge [sflag:s13], $0x80  }
0x34: {  	[sflag:s13] =	ssyncset.done $0x0  }
0x35: {  	[sflag:s13] =	ssyncadd.s32 $0xFFFFFF80  }
0x36: {  	_ =	swait.ge [sflag:s13], $0x80  }
0x37: {  	[sflag:s13] =	ssyncset.done $0x0  }
0x38: {  	[sflag:s13] =	ssyncadd.s32 $0xFFFFFF80  }
0x39: {  	_ =	swait.ge [sflag:s13], $0x80  }
0x3a: {  	[sflag:s13] =	ssyncset.done $0x0  }
0x3b: {  	[sflag:s13] =	ssyncadd.s32 $0xFFFFFF80  }
0x3c: {  	_ =	swait.ge [sflag:s13], $0x80  }
0x3d: {  	[sflag:s13] =	ssyncset.done $0x0  }
0x3e: {  	[sflag:s13] =	ssyncadd.s32 $0xFFFFFF80  }
0x3f: {  	_ =	swait.ge [sflag:s13], $0x80  }
0x40: {  	[sflag:s13] =	ssyncset.done $0x0  }
0x41: {  	[sflag:s13] =	ssyncadd.s32 $0xFFFFFF80  }
0x42: {  	_ =	swait.ge [sflag:s13], $0x80  }
0x43: {  	[sflag:s13] =	ssyncset.done $0x0  }
0x44: {  	[sflag:s13] =	ssyncadd.s32 $0xFFFFFF80  }
0x45: {  	_ =	swait.ge [sflag:s13], $0x80  }
0x46: {  	[sflag:s13] =	ssyncset.done $0x0  }
0x47: {  	[sflag:s13] =	ssyncadd.s32 $0xFFFFFF80  }
0x48: {  	_ =	swait.ge [sflag:s13], $0x80  }
0x49: {  	[sflag:s13] =	ssyncset.done $0x0  }
0x4a: {  	[sflag:s13] =	ssyncadd.s32 $0xFFFFFF80  }
0x4b: {  	_ =	swait.ge [sflag:s13], $0x80  }
0x4c: {  	[sflag:s13] =	ssyncset.done $0x0  }
0x4d: {  	s26 =	simm.s32 $0x500;
	s28 =	simm.s32 $0x2100;
	[sflag:s13] =	ssyncadd.s32 $0xFFFFFF80  }
0x4e: {  	[tilespmem:s28], [sflag:$0x1] =	stream.indirect.gather [hbm4b:s3+s11], $0x1, s26, s11, $0xb8;
	[tilespmem:$0x3A00] =	vst v63  }
0x4f: {  	s26 =	simm.s32 $0x580;
	s28 =	simm.s32 $0x2180  }
0x50: {  	[tilespmem:s28], [sflag:$0x1] =	stream.indirect.gather [hbm4b:s3+s11], $0x1, s26, s11, $0xb8;
	[tilespmem:$0x3A00] =	vst v63  }
0x51: {  	s26 =	simm.s32 $0x600;
	s28 =	simm.s32 $0x2200  }
0x52: {  	[tilespmem:s28], [sflag:$0x1] =	stream.indirect.gather [hbm4b:s3+s11], $0x1, s26, s11, $0xb8;
	[tilespmem:$0x3A00] =	vst v63  }
0x53: {  	s26 =	simm.s32 $0x680;
	s28 =	simm.s32 $0x2280  }
0x54: {  	[tilespmem:s28], [sflag:$0x1] =	stream.indirect.gather [hbm4b:s3+s11], $0x1, s26, s11, $0xb8;
	[tilespmem:$0x3A00] =	vst v63  }
0x55: {  	s26 =	simm.s32 $0x700;
	s28 =	simm.s32 $0x2300  }
0x56: {  	[tilespmem:s28], [sflag:$0x1] =	stream.indirect.gather [hbm4b:s3+s11], $0x1, s26, s11, $0xb8;
	[tilespmem:$0x3A00] =	vst v63  }
0x57: {  	s26 =	simm.s32 $0x780;
	s28 =	simm.s32 $0x2380  }
0x58: {  	[tilespmem:s28], [sflag:$0x1] =	stream.indirect.gather [hbm4b:s3+s11], $0x1, s26, s11, $0xb8;
	[tilespmem:$0x3A00] =	vst v63  }
0x59: {  	s26 =	simm.s32 $0x800;
	s28 =	simm.s32 $0x2400  }
0x5a: {  	[tilespmem:s28], [sflag:$0x1] =	stream.indirect.gather [hbm4b:s3+s11], $0x1, s26, s11, $0xb8;
	[tilespmem:$0x3A00] =	vst v63  }
0x5b: {  	s26 =	simm.s32 $0x880;
	s28 =	simm.s32 $0x2480  }
0x5c: {  	[tilespmem:s28], [sflag:$0x1] =	stream.indirect.gather [hbm4b:s3+s11], $0x1, s26, s11, $0xb8;
	[tilespmem:$0x3A00] =	vst v63  }
0x5d: {  	s26 =	simm.s32 $0x900;
	s28 =	simm.s32 $0x2500  }
0x5e: {  	[tilespmem:s28], [sflag:$0x1] =	stream.indirect.gather [hbm4b:s3+s11], $0x1, s26, s11, $0xb8;
	[tilespmem:$0x3A00] =	vst v63  }
0x5f: {  	s26 =	simm.s32 $0x980;
	s28 =	simm.s32 $0x2580  }
0x60: {  	[tilespmem:s28], [sflag:$0x1] =	stream.indirect.gather [hbm4b:s3+s11], $0x1, s26, s11, $0xb8;
	[tilespmem:$0x3A00] =	vst v63  }
0x61: {  	_ =	swait.ge [sflag:s13], $0x80  }
0x62: {  	[sflag:s13] =	ssyncset.done $0x0  }
0x63: {  	[sflag:s13] =	ssyncadd.s32 $0xFFFFFF80  }
0x64: {  	_ =	swait.ge [sflag:s13], $0x80  }
0x65: {  	[sflag:s13] =	ssyncset.done $0x0  }
0x66: {  	[sflag:s13] =	ssyncadd.s32 $0xFFFFFF80  }
0x67: {  	_ =	swait.ge [sflag:s13], $0x80  }
0x68: {  	[sflag:s13] =	ssyncset.done $0x0  }
0x69: {  	[sflag:s13] =	ssyncadd.s32 $0xFFFFFF80  }
0x6a: {  	_ =	swait.ge [sflag:s13], $0x80  }
0x6b: {  	[sflag:s13] =	ssyncset.done $0x0  }
0x6c: {  	[sflag:s13] =	ssyncadd.s32 $0xFFFFFF80  }
0x6d: {  	_ =	swait.ge [sflag:s13], $0x80  }
0x6e: {  	[sflag:s13] =	ssyncset.done $0x0  }
0x6f: {  	[sflag:s13] =	ssyncadd.s32 $0xFFFFFF80  }
0x70: {  	_ =	swait.ge [sflag:s13], $0x80  }
0x71: {  	[sflag:s13] =	ssyncset.done $0x0  }
0x72: {  	[sflag:s13] =	ssyncadd.s32 $0xFFFFFF80  }
0x73: {  	_ =	swait.ge [sflag:s13], $0x80  }
0x74: {  	[sflag:s13] =	ssyncset.done $0x0  }
0x75: {  	[sflag:s13] =	ssyncadd.s32 $0xFFFFFF80  }
0x76: {  	_ =	swait.ge [sflag:s13], $0x80  }
0x77: {  	[sflag:s13] =	ssyncset.done $0x0  }
0x78: {  	[sflag:s13] =	ssyncadd.s32 $0xFFFFFF80  }
0x79: {  	_ =	swait.ge [sflag:s13], $0x80  }
0x7a: {  	[sflag:s13] =	ssyncset.done $0x0  }
0x7b: {  	[sflag:s13] =	ssyncadd.s32 $0xFFFFFF80  }
0x7c: {  	_ =	swait.ge [sflag:s13], $0x80  }
0x7d: {  	[sflag:s13] =	ssyncset.done $0x0  }
0x7e: {  	s26 =	simm.s32 $0xA00;
	s28 =	simm.s32 $0x2600;
	[sflag:s13] =	ssyncadd.s32 $0xFFFFFF80  }
0x7f: {  	[tilespmem:s28], [sflag:$0x1] =	stream.indirect.gather [hbm4b:s3+s11], $0x1, s26, s11, $0xb8;
	[tilespmem:$0x3A00] =	vst v63  }
0x80: {  	s26 =	simm.s32 $0xA80;
	s28 =	simm.s32 $0x2680  }
0x81: {  	[tilespmem:s28], [sflag:$0x1] =	stream.indirect.gather [hbm4b:s3+s11], $0x1, s26, s11, $0xb8;
	[tilespmem:$0x3A00] =	vst v63  }
0x82: {  	s26 =	simm.s32 $0xB00;
	s28 =	simm.s32 $0x2700  }
0x83: {  	[tilespmem:s28], [sflag:$0x1] =	stream.indirect.gather [hbm4b:s3+s11], $0x1, s26, s11, $0xb8;
	[tilespmem:$0x3A00] =	vst v63  }
0x84: {  	s26 =	simm.s32 $0xB80;
	s28 =	simm.s32 $0x2780  }
0x85: {  	[tilespmem:s28], [sflag:$0x1] =	stream.indirect.gather [hbm4b:s3+s11], $0x1, s26, s11, $0xb8;
	[tilespmem:$0x3A00] =	vst v63  }
0x86: {  	s26 =	simm.s32 $0xC00;
	s28 =	simm.s32 $0x2800  }
0x87: {  	[tilespmem:s28], [sflag:$0x1] =	stream.indirect.gather [hbm4b:s3+s11], $0x1, s26, s11, $0xb8;
	[tilespmem:$0x3A00] =	vst v63  }
0x88: {  	s26 =	simm.s32 $0xC80;
	s28 =	simm.s32 $0x2880  }
0x89: {  	[tilespmem:s28], [sflag:$0x1] =	stream.indirect.gather [hbm4b:s3+s11], $0x1, s26, s11, $0xb8;
	[tilespmem:$0x3A00] =	vst v63  }
0x8a: {  	s26 =	simm.s32 $0xD00;
	s28 =	simm.s32 $0x2900  }
0x8b: {  	[tilespmem:s28], [sflag:$0x1] =	stream.indirect.gather [hbm4b:s3+s11], $0x1, s26, s11, $0xb8;
	[tilespmem:$0x3A00] =	vst v63  }
0x8c: {  	s26 =	simm.s32 $0xD80;
	s28 =	simm.s32 $0x2980  }
0x8d: {  	[tilespmem:s28], [sflag:$0x1] =	stream.indirect.gather [hbm4b:s3+s11], $0x1, s26, s11, $0xb8;
	[tilespmem:$0x3A00] =	vst v63  }
0x8e: {  	s26 =	simm.s32 $0xE00;
	s28 =	simm.s32 $0x2A00  }
0x8f: {  	[tilespmem:s28], [sflag:$0x1] =	stream.indirect.gather [hbm4b:s3+s11], $0x1, s26, s11, $0xb8;
	[tilespmem:$0x3A00] =	vst v63  }
0x90: {  	s26 =	simm.s32 $0xE80;
	s28 =	simm.s32 $0x2A80  }
0x91: {  	[tilespmem:s28], [sflag:$0x1] =	stream.indirect.gather [hbm4b:s3+s11], $0x1, s26, s11, $0xb8;
	[tilespmem:$0x3A00] =	vst v63  }
0x92: {  	_ =	swait.ge [sflag:s13], $0x80  }
0x93: {  	[sflag:s13] =	ssyncset.done $0x0  }
0x94: {  	[sflag:s13] =	ssyncadd.s32 $0xFFFFFF80  }
0x95: {  	_ =	swait.ge [sflag:s13], $0x80  }
0x96: {  	[sflag:s13] =	ssyncset.done $0x0  }
0x97: {  	[sflag:s13] =	ssyncadd.s32 $0xFFFFFF80  }
0x98: {  	_ =	swait.ge [sflag:s13], $0x80  }
0x99: {  	[sflag:s13] =	ssyncset.done $0x0  }
0x9a: {  	[sflag:s13] =	ssyncadd.s32 $0xFFFFFF80  }
0x9b: {  	_ =	swait.ge [sflag:s13], $0x80  }
0x9c: {  	[sflag:s13] =	ssyncset.done $0x0  }
0x9d: {  	[sflag:s13] =	ssyncadd.s32 $0xFFFFFF80  }
0x9e: {  	_ =	swait.ge [sflag:s13], $0x80  }
0x9f: {  	[sflag:s13] =	ssyncset.done $0x0  }
0xa0: {  	[sflag:s13] =	ssyncadd.s32 $0xFFFFFF80  }
0xa1: {  	_ =	swait.ge [sflag:s13], $0x80  }
0xa2: {  	[sflag:s13] =	ssyncset.done $0x0  }
0xa3: {  	[sflag:s13] =	ssyncadd.s32 $0xFFFFFF80  }
0xa4: {  	_ =	swait.ge [sflag:s13], $0x80  }
0xa5: {  	[sflag:s13] =	ssyncset.done $0x0  }
0xa6: {  	[sflag:s13] =	ssyncadd.s32 $0xFFFFFF80  }
0xa7: {  	_ =	swait.ge [sflag:s13], $0x80  }
0xa8: {  	[sflag:s13] =	ssyncset.done $0x0  }
0xa9: {  	[sflag:s13] =	ssyncadd.s32 $0xFFFFFF80  }
0xaa: {  	_ =	swait.ge [sflag:s13], $0x80  }
0xab: {  	[sflag:s13] =	ssyncset.done $0x0  }
0xac: {  	[sflag:s13] =	ssyncadd.s32 $0xFFFFFF80  }
0xad: {  	_ =	swait.ge [sflag:s13], $0x80  }
0xae: {  	[sflag:s13] =	ssyncset.done $0x0  }
0xaf: {  	s26 =	simm.s32 $0xF00;
	s28 =	simm.s32 $0x2B00;
	[sflag:s13] =	ssyncadd.s32 $0xFFFFFF80  }
0xb0: {  	[tilespmem:s28], [sflag:$0x1] =	stream.indirect.gather [hbm4b:s3+s11], $0x1, s26, s11, $0xb8;
	[tilespmem:$0x3A00] =	vst v63  }
0xb1: {  	s26 =	simm.s32 $0xF80;
	s28 =	simm.s32 $0x2B80  }
0xb2: {  	[tilespmem:s28], [sflag:$0x1] =	stream.indirect.gather [hbm4b:s3+s11], $0x1, s26, s11, $0xb8;
	[tilespmem:$0x3A00] =	vst v63  }
0xb3: {  	s26 =	simm.s32 $0x1000;
	s28 =	simm.s32 $0x2C00  }
0xb4: {  	[tilespmem:s28], [sflag:$0x1] =	stream.indirect.gather [hbm4b:s3+s11], $0x1, s26, s11, $0xb8;
	[tilespmem:$0x3A00] =	vst v63  }
0xb5: {  	s26 =	simm.s32 $0x1080;
	s28 =	simm.s32 $0x2C80  }
0xb6: {  	[tilespmem:s28], [sflag:$0x1] =	stream.indirect.gather [hbm4b:s3+s11], $0x1, s26, s11, $0xb8;
	[tilespmem:$0x3A00] =	vst v63  }
0xb7: {  	s26 =	simm.s32 $0x1100;
	s28 =	simm.s32 $0x2D00  }
0xb8: {  	[tilespmem:s28], [sflag:$0x1] =	stream.indirect.gather [hbm4b:s3+s11], $0x1, s26, s11, $0xb8;
	[tilespmem:$0x3A00] =	vst v63  }
0xb9: {  	s26 =	simm.s32 $0x1180;
	s28 =	simm.s32 $0x2D80  }
0xba: {  	[tilespmem:s28], [sflag:$0x1] =	stream.indirect.gather [hbm4b:s3+s11], $0x1, s26, s11, $0xb8;
	[tilespmem:$0x3A00] =	vst v63  }
0xbb: {  	s26 =	simm.s32 $0x1200;
	s28 =	simm.s32 $0x2E00  }
0xbc: {  	[tilespmem:s28], [sflag:$0x1] =	stream.indirect.gather [hbm4b:s3+s11], $0x1, s26, s11, $0xb8;
	[tilespmem:$0x3A00] =	vst v63  }
0xbd: {  	s26 =	simm.s32 $0x1280;
	s28 =	simm.s32 $0x2E80  }
0xbe: {  	[tilespmem:s28], [sflag:$0x1] =	stream.indirect.gather [hbm4b:s3+s11], $0x1, s26, s11, $0xb8;
	[tilespmem:$0x3A00] =	vst v63  }
0xbf: {  	s26 =	simm.s32 $0x1300;
	s28 =	simm.s32 $0x2F00  }
0xc0: {  	[tilespmem:s28], [sflag:$0x1] =	stream.indirect.gather [hbm4b:s3+s11], $0x1, s26, s11, $0xb8;
	[tilespmem:$0x3A00] =	vst v63  }
0xc1: {  	s26 =	simm.s32 $0x1380;
	s28 =	simm.s32 $0x2F80  }
0xc2: {  	[tilespmem:s28], [sflag:$0x1] =	stream.indirect.gather [hbm4b:s3+s11], $0x1, s26, s11, $0xb8;
	[tilespmem:$0x3A00] =	vst v63  }
0xc3: {  	_ =	swait.ge [sflag:s13], $0x80  }
0xc4: {  	[sflag:s13] =	ssyncset.done $0x0  }
0xc5: {  	[sflag:s13] =	ssyncadd.s32 $0xFFFFFF80  }
0xc6: {  	_ =	swait.ge [sflag:s13], $0x80  }
0xc7: {  	[sflag:s13] =	ssyncset.done $0x0  }
0xc8: {  	[sflag:s13] =	ssyncadd.s32 $0xFFFFFF80  }
0xc9: {  	_ =	swait.ge [sflag:s13], $0x80  }
0xca: {  	[sflag:s13] =	ssyncset.done $0x0  }
0xcb: {  	[sflag:s13] =	ssyncadd.s32 $0xFFFFFF80  }
0xcc: {  	_ =	swait.ge [sflag:s13], $0x80  }
0xcd: {  	[sflag:s13] =	ssyncset.done $0x0  }
0xce: {  	[sflag:s13] =	ssyncadd.s32 $0xFFFFFF80  }
0xcf: {  	_ =	swait.ge [sflag:s13], $0x80  }
0xd0: {  	[sflag:s13] =	ssyncset.done $0x0  }
0xd1: {  	[sflag:s13] =	ssyncadd.s32 $0xFFFFFF80  }
0xd2: {  	_ =	swait.ge [sflag:s13], $0x80  }
0xd3: {  	[sflag:s13] =	ssyncset.done $0x0  }
0xd4: {  	[sflag:s13] =	ssyncadd.s32 $0xFFFFFF80  }
0xd5: {  	_ =	swait.ge [sflag:s13], $0x80  }
0xd6: {  	[sflag:s13] =	ssyncset.done $0x0  }
0xd7: {  	[sflag:s13] =	ssyncadd.s32 $0xFFFFFF80  }
0xd8: {  	_ =	swait.ge [sflag:s13], $0x80  }
0xd9: {  	[sflag:s13] =	ssyncset.done $0x0  }
0xda: {  	[sflag:s13] =	ssyncadd.s32 $0xFFFFFF80  }
0xdb: {  	_ =	swait.ge [sflag:s13], $0x80  }
0xdc: {  	[sflag:s13] =	ssyncset.done $0x0  }
0xdd: {  	[sflag:s13] =	ssyncadd.s32 $0xFFFFFF80  }
0xde: {  	_ =	swait.ge [sflag:s13], $0x80  }
0xdf: {  	[sflag:s13] =	ssyncset.done $0x0  }
0xe0: {  	s26 =	simm.s32 $0x1400;
	s28 =	simm.s32 $0x3000;
	[sflag:s13] =	ssyncadd.s32 $0xFFFFFF80  }
0xe1: {  	[tilespmem:s28], [sflag:$0x1] =	stream.indirect.gather [hbm4b:s3+s11], $0x1, s26, s11, $0xb8;
	[tilespmem:$0x3A00] =	vst v63  }
0xe2: {  	s26 =	simm.s32 $0x1480;
	s28 =	simm.s32 $0x3080  }
0xe3: {  	[tilespmem:s28], [sflag:$0x1] =	stream.indirect.gather [hbm4b:s3+s11], $0x1, s26, s11, $0xb8;
	[tilespmem:$0x3A00] =	vst v63  }
0xe4: {  	s25 =	simm.s32 $0x1500;
	s26 =	simm.s32 $0x3100  }
0xe5: {  	[tilespmem:s26], [sflag:$0x1] =	stream.indirect.gather [hbm4b:s3+s11], $0x1, s25, s11, $0xb8;
	[tilespmem:$0x3A00] =	vst v63  }
0xe6: {  	s28 =	simm.s32 $0x1580  }
0xe7: {  	[tilespmem:s29], [sflag:$0x1] =	stream.indirect.gather [hbm4b:s3+s11], $0x1, s28, s11, $0xb8;
	[tilespmem:$0x3A00] =	vst v63  }
0xe8: {  	_ = 	snop  }
0xe9: {  	[tilespmem:s31], [sflag:$0x1] =	stream.indirect.gather [hbm4b:s3+s11], $0x1, s30, s11, $0xb8;
	[tilespmem:$0x3A00] =	vst v63  }
0xea: {  	_ = 	snop  }
0xeb: {  	[tilespmem:s1], [sflag:$0x1] =	stream.indirect.gather [hbm4b:s3+s11], $0x1, s0, s11, $0xb8;
	[tilespmem:$0x3A00] =	vst v63  }
0xec: {  	_ = 	snop  }
0xed: {  	[tilespmem:s16], [sflag:$0x1] =	stream.indirect.gather [hbm4b:s3+s11], $0x1, s14, s11, $0xb8;
	[tilespmem:$0x3A00] =	vst v63  }
0xee: {  	_ = 	snop  }
0xef: {  	[tilespmem:s18], [sflag:$0x1] =	stream.indirect.gather [hbm4b:s3+s11], $0x1, s17, s11, $0xb8;
	[tilespmem:$0x3A00] =	vst v63  }
0xf0: {  	_ = 	snop  }
0xf1: {  	[tilespmem:s20], [sflag:$0x1] =	stream.indirect.gather [hbm4b:s3+s11], $0x1, s19, s11, $0xb8;
	[tilespmem:$0x3A00] =	vst v63  }
0xf2: {  	_ = 	snop  }
0xf3: {  	[tilespmem:s22], [sflag:$0x1] =	stream.indirect.gather [hbm4b:s3+s11], $0x1, s21, s11, $0xb8;
	[tilespmem:$0x3A00] =	vst v63  }
0xf4: {  	_ =	swait.ge [sflag:s13], $0x80  }
0xf5: {  	[sflag:s13] =	ssyncset.done $0x0  }
0xf6: {  	[sflag:s13] =	ssyncadd.s32 $0xFFFFFF80  }
0xf7: {  	_ =	swait.ge [sflag:s13], $0x80  }
0xf8: {  	[sflag:s13] =	ssyncset.done $0x0  }
0xf9: {  	[sflag:s13] =	ssyncadd.s32 $0xFFFFFF80  }
0xfa: {  	_ =	swait.ge [sflag:s13], $0x80  }
0xfb: {  	[sflag:s13] =	ssyncset.done $0x0  }
0xfc: {  	[sflag:s13] =	ssyncadd.s32 $0xFFFFFF80  }
0xfd: {  	_ =	swait.ge [sflag:s13], $0x80  }
0xfe: {  	[sflag:s13] =	ssyncset.done $0x0  }
0xff: {  	[sflag:s13] =	ssyncadd.s32 $0xFFFFFF80  }
0x100: {  	_ =	swait.ge [sflag:s13], $0x80  }
0x101: {  	[sflag:s13] =	ssyncset.done $0x0  }
0x102: {  	[sflag:s13] =	ssyncadd.s32 $0xFFFFFF80  }
0x103: {  	_ =	swait.ge [sflag:s13], $0x80  }
0x104: {  	[sflag:s13] =	ssyncset.done $0x0  }
0x105: {  	[sflag:s13] =	ssyncadd.s32 $0xFFFFFF80  }
0x106: {  	_ =	swait.ge [sflag:s13], $0x80  }
0x107: {  	[sflag:s13] =	ssyncset.done $0x0  }
0x108: {  	[sflag:s13] =	ssyncadd.s32 $0xFFFFFF80  }
0x109: {  	_ =	swait.ge [sflag:s13], $0x80  }
0x10a: {  	[sflag:s13] =	ssyncset.done $0x0  }
0x10b: {  	[sflag:s13] =	ssyncadd.s32 $0xFFFFFF80  }
0x10c: {  	_ =	swait.ge [sflag:s13], $0x80  }
0x10d: {  	[sflag:s13] =	ssyncset.done $0x0  }
0x10e: {  	[sflag:s13] =	ssyncadd.s32 $0xFFFFFF80  }
0x10f: {  	_ =	swait.ge [sflag:s13], $0x80  }
0x110: {  	[sflag:s13] =	ssyncset.done $0x0  }
0x111: {  	[sflag:s13] =	ssyncadd.s32 $0xFFFFFF80  }
0x112: {  	_ =	swait.ge [sflag:s13], $0x80  }
0x113: {  	[sflag:s13] =	ssyncset.done $0x0  }
0x114: {  	[sflag:s13] =	ssyncadd.s32 $0xFFFFFF80  }
0x115: {  	_ =	swait.ge [sflag:s13], $0x80  }
0x116: {  	[sflag:s13] =	ssyncset.done $0x0  }
0x117: {  	[sflag:s13] =	ssyncadd.s32 $0xFFFFFF80  }
0x118: {  	v0 =	vld [tilespmem:$0x3900];
	_ =	sdelay $0x4  }
0x119: {  	v0 =	vsub.f32 $-3.688879490e+00, v0;
	_ =	sdelay $0x1  }
0x11a: {  	v0 =	vmul.f32 $1.442695020e+00, v0;
	_ =	sdelay $0x1  }
0x11b: {  	(erf) = vpow2.f32 v0;
	_ =	sdelay $0x3  }
0x11c: {  	v0 =	vld [tilespmem:$0x3910];
	_ =	sdelay $0x4  }
0x11d: {  	v0 =	vsub.f32 $-3.688879490e+00, v0;
	v1 =	vpop (erf)  }
0x11e: {  	v1 =	vadd.f32 $1.000000000e+00, v1  }
0x11f: {  	v0 =	vmul.f32 $1.442695020e+00, v0  }
0x120: {  	(erf) = vrcp.f32 v1  }
0x121: {  	(erf) = vpow2.f32 v0;
	_ =	sdelay $0x3  }
0x122: {  	v0 =	vld [tilespmem:$0x3920];
	_ =	sdelay $0x3  }
0x123: {  	v1 =	vpop (erf)  }
0x124: {  	v0 =	vsub.f32 $-3.688879490e+00, v0;
	v2 =	vpop (erf)  }
0x125: {  	v2 =	vadd.f32 $1.000000000e+00, v2  }
0x126: {  	v0 =	vmul.f32 $1.442695020e+00, v0  }
0x127: {  	(erf) = vrcp.f32 v2  }
0x128: {  	(erf) = vpow2.f32 v0;
	_ =	sdelay $0x3  }
0x129: {  	v0 =	vld [tilespmem:$0x3930];
	_ =	sdelay $0x3  }
0x12a: {  	v2 =	vpop (erf)  }
0x12b: {  	v0 =	vsub.f32 $-3.688879490e+00, v0;
	v3 =	vpop (erf)  }
0x12c: {  	v3 =	vadd.f32 $1.000000000e+00, v3  }
0x12d: {  	v0 =	vmul.f32 $1.442695020e+00, v0  }
0x12e: {  	(erf) = vrcp.f32 v3  }
0x12f: {  	(erf) = vpow2.f32 v0;
	_ =	sdelay $0x3  }
0x130: {  	v0 =	vld [tilespmem:$0x3940];
	_ =	sdelay $0x3  }
0x131: {  	v3 =	vpop (erf)  }
0x132: {  	v0 =	vsub.f32 $-3.688879490e+00, v0;
	v4 =	vpop (erf)  }
0x133: {  	v4 =	vadd.f32 $1.000000000e+00, v4  }
0x134: {  	v0 =	vmul.f32 $1.442695020e+00, v0  }
0x135: {  	(erf) = vrcp.f32 v4  }
0x136: {  	(erf) = vpow2.f32 v0;
	_ =	sdelay $0x3  }
0x137: {  	v0 =	vld [tilespmem:$0x3950];
	_ =	sdelay $0x3  }
0x138: {  	v4 =	vpop (erf)  }
0x139: {  	v0 =	vsub.f32 $-3.688879490e+00, v0;
	v5 =	vpop (erf)  }
0x13a: {  	v5 =	vadd.f32 $1.000000000e+00, v5  }
0x13b: {  	v0 =	vmul.f32 $1.442695020e+00, v0  }
0x13c: {  	(erf) = vrcp.f32 v5  }
0x13d: {  	(erf) = vpow2.f32 v0;
	_ =	sdelay $0x3  }
0x13e: {  	v0 =	vld [tilespmem:$0x3960];
	_ =	sdelay $0x3  }
0x13f: {  	v5 =	vpop (erf)  }
0x140: {  	v0 =	vsub.f32 $-3.688879490e+00, v0;
	v6 =	vpop (erf)  }
0x141: {  	v6 =	vadd.f32 $1.000000000e+00, v6  }
0x142: {  	v0 =	vmul.f32 $1.442695020e+00, v0  }
0x143: {  	(erf) = vrcp.f32 v6  }
0x144: {  	(erf) = vpow2.f32 v0;
	_ =	sdelay $0x3  }
0x145: {  	v0 =	vld [tilespmem:$0x3970];
	_ =	sdelay $0x3  }
0x146: {  	v6 =	vpop (erf)  }
0x147: {  	v0 =	vsub.f32 $-3.688879490e+00, v0;
	v7 =	vpop (erf)  }
0x148: {  	v7 =	vadd.f32 $1.000000000e+00, v7  }
0x149: {  	v0 =	vmul.f32 $1.442695020e+00, v0  }
0x14a: {  	(erf) = vrcp.f32 v7  }
0x14b: {  	(erf) = vpow2.f32 v0;
	_ =	sdelay $0x3  }
0x14c: {  	v0 =	vld [tilespmem:$0x3980];
	_ =	sdelay $0x3  }
0x14d: {  	v7 =	vpop (erf)  }
0x14e: {  	v0 =	vsub.f32 $-3.688879490e+00, v0;
	v8 =	vpop (erf)  }
0x14f: {  	v8 =	vadd.f32 $1.000000000e+00, v8  }
0x150: {  	v0 =	vmul.f32 $1.442695020e+00, v0  }
0x151: {  	(erf) = vrcp.f32 v8  }
0x152: {  	(erf) = vpow2.f32 v0;
	_ =	sdelay $0x3  }
0x153: {  	v0 =	vld [tilespmem:$0x3990];
	_ =	sdelay $0x3  }
0x154: {  	v8 =	vpop (erf)  }
0x155: {  	v0 =	vsub.f32 $-3.688879490e+00, v0;
	v9 =	vpop (erf)  }
0x156: {  	v9 =	vadd.f32 $1.000000000e+00, v9  }
0x157: {  	v0 =	vmul.f32 $1.442695020e+00, v0  }
0x158: {  	(erf) = vrcp.f32 v9  }
0x159: {  	(erf) = vpow2.f32 v0;
	_ =	sdelay $0x3  }
0x15a: {  	v0 =	vld [tilespmem:$0x39A0];
	_ =	sdelay $0x3  }
0x15b: {  	v9 =	vpop (erf)  }
0x15c: {  	v0 =	vsub.f32 $-3.688879490e+00, v0;
	v10 =	vpop (erf)  }
0x15d: {  	v10 =	vadd.f32 $1.000000000e+00, v10  }
0x15e: {  	v0 =	vmul.f32 $1.442695020e+00, v0  }
0x15f: {  	(erf) = vrcp.f32 v10  }
0x160: {  	(erf) = vpow2.f32 v0;
	_ =	sdelay $0x3  }
0x161: {  	v0 =	vld [tilespmem:$0x39B0];
	_ =	sdelay $0x3  }
0x162: {  	v10 =	vpop (erf)  }
0x163: {  	v0 =	vsub.f32 $-3.688879490e+00, v0;
	v11 =	vpop (erf)  }
0x164: {  	v11 =	vadd.f32 $1.000000000e+00, v11  }
0x165: {  	v0 =	vmul.f32 $1.442695020e+00, v0  }
0x166: {  	(erf) = vrcp.f32 v11  }
0x167: {  	(erf) = vpow2.f32 v0;
	_ =	sdelay $0x3  }
0x168: {  	v0 =	vld [tilespmem:$0x39C0];
	_ =	sdelay $0x3  }
0x169: {  	v11 =	vpop (erf)  }
0x16a: {  	v0 =	vsub.f32 $-3.688879490e+00, v0;
	v12 =	vpop (erf)  }
0x16b: {  	v12 =	vadd.f32 $1.000000000e+00, v12  }
0x16c: {  	v0 =	vmul.f32 $1.442695020e+00, v0  }
0x16d: {  	(erf) = vrcp.f32 v12  }
0x16e: {  	(erf) = vpow2.f32 v0;
	_ =	sdelay $0x3  }
0x16f: {  	v0 =	vld [tilespmem:$0x39D0];
	_ =	sdelay $0x3  }
0x170: {  	v12 =	vpop (erf)  }
0x171: {  	v0 =	vsub.f32 $-3.688879490e+00, v0;
	v13 =	vpop (erf)  }
0x172: {  	v13 =	vadd.f32 $1.000000000e+00, v13  }
0x173: {  	v0 =	vmul.f32 $1.442695020e+00, v0  }
0x174: {  	(erf) = vrcp.f32 v13  }
0x175: {  	(erf) = vpow2.f32 v0;
	_ =	sdelay $0x3  }
0x176: {  	v0 =	vld [tilespmem:$0x39E0];
	_ =	sdelay $0x3  }
0x177: {  	v13 =	vpop (erf)  }
0x178: {  	v0 =	vsub.f32 $-3.688879490e+00, v0;
	v14 =	vpop (erf)  }
0x179: {  	v14 =	vadd.f32 $1.000000000e+00, v14  }
0x17a: {  	v0 =	vmul.f32 $1.442695020e+00, v0  }
0x17b: {  	(erf) = vrcp.f32 v14  }
0x17c: {  	(erf) = vpow2.f32 v0;
	_ =	sdelay $0x3  }
0x17d: {  	v0 =	vld [tilespmem:$0x39F0];
	_ =	sdelay $0x3  }
0x17e: {  	v14 =	vpop (erf)  }
0x17f: {  	v0 =	vsub.f32 $-3.688879490e+00, v0;
	v15 =	vpop (erf)  }
0x180: {  	v15 =	vadd.f32 $1.000000000e+00, v15  }
0x181: {  	v0 =	vmul.f32 $1.442695020e+00, v0  }
0x182: {  	(erf) = vrcp.f32 v15  }
0x183: {  	(erf) = vpow2.f32 v0;
	_ =	sdelay $0x6  }
0x184: {  	[tilespmem:$0x3900] =	vst v1  }
0x185: {  	[tilespmem:$0x3910] =	vst v2;
	v0 =	vpop (erf)  }
0x186: {  	[tilespmem:$0x3920] =	vst v3;
	v1 =	vpop (erf)  }
0x187: {  	[tilespmem:$0x3930] =	vst v4;
	v1 =	vadd.f32 $1.000000000e+00, v1  }
0x188: {  	[tilespmem:$0x3940] =	vst v5  }
0x189: {  	[tilespmem:$0x3950] =	vst v6;
	(erf) = vrcp.f32 v1  }
0x18a: {  	[tilespmem:$0x3960] =	vst v7  }
0x18b: {  	[tilespmem:$0x3970] =	vst v8  }
0x18c: {  	[tilespmem:$0x3980] =	vst v9  }
0x18d: {  	[tilespmem:$0x3990] =	vst v10  }
0x18e: {  	[tilespmem:$0x39A0] =	vst v11  }
0x18f: {  	[tilespmem:$0x39B0] =	vst v12  }
0x190: {  	[tilespmem:$0x39C0] =	vst v13  }
0x191: {  	[tilespmem:$0x39D0] =	vst v14  }
0x192: {  	[tilespmem:$0x39E0] =	vst v0;
	v0 =	vpop (erf)  }
0x193: {  	s24 =	simm.s32 $0x0;
	[tilespmem:$0x39F0] =	vst v0  }
0x194: {  	v0 =	vld [tilespmem:s24+$0x1C70];
	_ =	sdelay $0x1  }
0x195: {  	v1 =	vld [tilespmem:s24+$0x1C50]  }
0x196: {  	v2 =	vld [tilespmem:s24+$0x1C40]  }
0x197: {  	v3 =	vld [tilespmem:s24+$0x1C30]  }
0x198: {  	v4 =	vld [tilespmem:s24+$0x1C10];
	v0 =	vsub.f32 $-3.688879490e+00, v0;
	_ =	sdelay $0x1  }
0x199: {  	v6 =	vld [tilespmem:s24+$0x1C20];
	v1 =	vsub.f32 $-3.688879490e+00, v1;
	v0 =	vmul.f32 $1.442695020e+00, v0  }
0x19a: {  	v5 =	vld [tilespmem:s24+$0x1C00];
	v2 =	vsub.f32 $-3.688879490e+00, v2  }
0x19b: {  	v7 =	vld [tilespmem:s24+$0x1C60];
	v1 =	vmul.f32 $1.442695020e+00, v1;
	(erf) = vpow2.f32 v0;
	v0 =	vsub.f32 $-3.688879490e+00, v3  }
0x19c: {  	v2 =	vmul.f32 $1.442695020e+00, v2;
	v3 =	vsub.f32 $-3.688879490e+00, v4  }
0x19d: {  	(erf) = vpow2.f32 v1;
	v0 =	vmul.f32 $1.442695020e+00, v0  }
0x19e: {  	v1 =	vmul.f32 $1.442695020e+00, v3;
	v3 =	vsub.f32 $-3.688879490e+00, v6;
	(erf) = vpow2.f32 v2  }
0x19f: {  	v62 =	vsub.f32 $-3.688879490e+00, v5;
	(erf) = vpow2.f32 v0  }
0x1a0: {  	v63 =	vsub.f32 $-3.688879490e+00, v7;
	v0 =	vmul.f32 $1.442695020e+00, v3;
	(erf) = vpow2.f32 v1  }
0x1a1: {  	v2 =	vmul.f32 $1.442695020e+00, v62  }
0x1a2: {  	v1 =	vmul.f32 $1.442695020e+00, v63  }
0x1a3: {  	(erf) = vpow2.f32 v2  }
0x1a4: {  	(erf) = vpow2.f32 v0;
	v0 =	vpop (erf)  }
0x1a5: {  	(erf) = vpow2.f32 v1;
	v0 =	vadd.f32 $1.000000000e+00, v0  }
0x1a6: {  	v1 =	vpop (erf)  }
0x1a7: {  	(erf) = vrcp.f32 v0;
	v0 =	vadd.f32 $1.000000000e+00, v1;
	v1 =	vpop (erf)  }
0x1a8: {  	v2 =	vpop (erf)  }
0x1a9: {  	v3 =	vpop (erf)  }
0x1aa: {  	v1 =	vadd.f32 $1.000000000e+00, v1;
	(erf) = vrcp.f32 v0;
	v0 =	vadd.f32 $1.000000000e+00, v3  }
0x1ab: {  	v2 =	vadd.f32 $1.000000000e+00, v2  }
0x1ac: {  	v3 =	vpop (erf);
	(erf) = vrcp.f32 v1  }
0x1ad: {  	v1 =	vadd.f32 $1.000000000e+00, v3;
	v3 =	vpop (erf);
	(erf) = vrcp.f32 v2  }
0x1ae: {  	(erf) = vrcp.f32 v0;
	v0 =	vpop (erf)  }
0x1af: {  	v2 =	vadd.f32 $1.000000000e+00, v3;
	v0 =	vadd.f32 $1.000000000e+00, v0  }
0x1b0: {  	(erf) = vrcp.f32 v1  }
0x1b1: {  	(erf) = vrcp.f32 v2  }
0x1b2: {  	(erf) = vrcp.f32 v0  }
0x1b3: {  	s26 =	simm.s32 $0x200;
	s25 =	simm.s32 $0x400;
	v0 =	vpop (erf)  }
.LBB2_2:
0x1b4: {  	p0 =	sne.s32 s25, $0x6200  }
0x1b5: {  	s28 =	sshra.s32 s26, $0x2;
	[tilespmem:s24+$0x1C70] =	vst v0;
	v0 =	vpop (erf);
	s26 =	smov.u32 s25;
	s25 =	sadd.s32 $0x200, s25  }
0x1b6: {  	v1 =	vld [tilespmem:s28+$0x1C70];
	[tilespmem:s24+$0x1C50] =	vst v0;
	v0 =	vpop (erf)  }
0x1b7: {  	v2 =	vld [tilespmem:s28+$0x1C50];
	[tilespmem:s24+$0x1C40] =	vst v0;
	v0 =	vpop (erf)  }
0x1b8: {  	v3 =	vld [tilespmem:s28+$0x1C40];
	[tilespmem:s24+$0x1C30] =	vst v0;
	v0 =	vpop (erf)  }
0x1b9: {  	v4 =	vld [tilespmem:s28+$0x1C30];
	[tilespmem:s24+$0x1C10] =	vst v0;
	v0 =	vpop (erf)  }
0x1ba: {  	v5 =	vld [tilespmem:s28+$0x1C10];
	[tilespmem:s24+$0x1C00] =	vst v0;
	v0 =	vpop (erf)  }
0x1bb: {  	v6 =	vld [tilespmem:s28+$0x1C00];
	v1 =	vsub.f32 $-3.688879490e+00, v1;
	[tilespmem:s24+$0x1C20] =	vst v0;
	v0 =	vpop (erf)  }
0x1bc: {  	v7 =	vld [tilespmem:s28+$0x1C20];
	v2 =	vsub.f32 $-3.688879490e+00, v2;
	[tilespmem:s24+$0x1C60] =	vst v0;
	s24 =	smov.u32 s28  }
0x1bd: {  	v0 =	vsub.f32 $-3.688879490e+00, v3;
	v3 =	vld [tilespmem:s24+$0x1C60];
	v1 =	vmul.f32 $1.442695020e+00, v1  }
0x1be: {  	v4 =	vsub.f32 $-3.688879490e+00, v4;
	v2 =	vmul.f32 $1.442695020e+00, v2  }
0x1bf: {  	v5 =	vsub.f32 $-3.688879490e+00, v5;
	v0 =	vmul.f32 $1.442695020e+00, v0;
	(erf) = vpow2.f32 v1  }
0x1c0: {  	v1 =	vsub.f32 $-3.688879490e+00, v6;
	v4 =	vmul.f32 $1.442695020e+00, v4;
	(erf) = vpow2.f32 v2  }
0x1c1: {  	v2 =	vmul.f32 $1.442695020e+00, v5;
	v5 =	vsub.f32 $-3.688879490e+00, v7;
	(erf) = vpow2.f32 v0  }
0x1c2: {  	v0 =	vmul.f32 $1.442695020e+00, v1;
	v1 =	vsub.f32 $-3.688879490e+00, v3;
	(erf) = vpow2.f32 v4  }
0x1c3: {  	v3 =	vmul.f32 $1.442695020e+00, v5;
	(erf) = vpow2.f32 v2  }
0x1c4: {  	v1 =	vmul.f32 $1.442695020e+00, v1;
	(erf) = vpow2.f32 v0  }
0x1c5: {  	(erf) = vpow2.f32 v3  }
0x1c6: {  	(erf) = vpow2.f32 v1;
	_ =	sdelay $0x1  }
0x1c7: {  	v0 =	vpop (erf)  }
0x1c8: {  	v0 =	vadd.f32 $1.000000000e+00, v0;
	v1 =	vpop (erf)  }
0x1c9: {  	v1 =	vadd.f32 $1.000000000e+00, v1;
	v2 =	vpop (erf)  }
0x1ca: {  	v2 =	vadd.f32 $1.000000000e+00, v2;
	v3 =	vpop (erf);
	(erf) = vrcp.f32 v0  }
0x1cb: {  	v0 =	vadd.f32 $1.000000000e+00, v3;
	v3 =	vpop (erf);
	(erf) = vrcp.f32 v1  }
0x1cc: {  	v4 =	vadd.f32 $1.000000000e+00, v3;
	v3 =	vpop (erf);
	(erf) = vrcp.f32 v2  }
0x1cd: {  	v2 =	vadd.f32 $1.000000000e+00, v3;
	v3 =	vpop (erf);
	(erf) = vrcp.f32 v0  }
0x1ce: {  	v0 =	vadd.f32 $1.000000000e+00, v3;
	(erf) = vrcp.f32 v4;
	v1 =	vpop (erf)  }
.Ltmp0:
0x1cf: {  	v1 =	vadd.f32 $1.000000000e+00, v1;
	(erf) = vrcp.f32 v2;
	(pc) =	sbr.rel @p0 .LBB2_2-.Ltmp0, $3  }
0x1d0: {  	(erf) = vrcp.f32 v0  }
0x1d1: {  	(erf) = vrcp.f32 v1;
	_ =	sdelay $0x1  }
0x1d2: {  	v0 =	vpop (erf)  }
0x1d3: {  	s25 =	sshra.s32 s26, $0x2;
	[tilespmem:s24+$0x1C70] =	vst v0;
	v29 =	vpop (erf)  }
0x1d4: {  	v1 =	vld [tilespmem:s25+$0x1C70];
	[tilespmem:s24+$0x1C50] =	vst v29;
	v30 =	vpop (erf)  }
0x1d5: {  	v2 =	vld [tilespmem:s25+$0x1C50];
	[tilespmem:s24+$0x1C40] =	vst v30;
	v31 =	vpop (erf)  }
0x1d6: {  	v3 =	vld [tilespmem:s25+$0x1C40];
	[tilespmem:s24+$0x1C30] =	vst v31;
	v32 =	vpop (erf)  }
0x1d7: {  	v4 =	vld [tilespmem:s25+$0x1C30];
	[tilespmem:s24+$0x1C10] =	vst v32;
	v33 =	vpop (erf)  }
0x1d8: {  	v5 =	vld [tilespmem:s25+$0x1C10];
	[tilespmem:s24+$0x1C00] =	vst v33;
	v34 =	vpop (erf)  }
0x1d9: {  	v6 =	vld [tilespmem:s25+$0x1C00];
	[tilespmem:s24+$0x1C20] =	vst v34;
	v35 =	vsub.f32 $-3.688879490e+00, v1;
	v36 =	vpop (erf)  }
0x1da: {  	v7 =	vld [tilespmem:s25+$0x1C20];
	v2 =	vsub.f32 $-3.688879490e+00, v2;
	[tilespmem:s24+$0x1C60] =	vst v36  }
0x1db: {  	v37 =	vsub.f32 $-3.688879490e+00, v3;
	v38 =	vld [tilespmem:s25+$0x1C60];
	v0 =	vmul.f32 $1.442695020e+00, v35  }
0x1dc: {  	v4 =	vsub.f32 $-3.688879490e+00, v4;
	v2 =	vmul.f32 $1.442695020e+00, v2  }
0x1dd: {  	v5 =	vsub.f32 $-3.688879490e+00, v5;
	v1 =	vmul.f32 $1.442695020e+00, v37;
	(erf) = vpow2.f32 v0  }
0x1de: {  	v39 =	vsub.f32 $-3.688879490e+00, v6;
	v4 =	vmul.f32 $1.442695020e+00, v4;
	(erf) = vpow2.f32 v2  }
0x1df: {  	v40 =	vmul.f32 $1.442695020e+00, v5;
	v41 =	vsub.f32 $-3.688879490e+00, v7;
	(erf) = vpow2.f32 v1  }
0x1e0: {  	v0 =	vmul.f32 $1.442695020e+00, v39;
	v42 =	vsub.f32 $-3.688879490e+00, v38;
	(erf) = vpow2.f32 v4  }
0x1e1: {  	v43 =	vmul.f32 $1.442695020e+00, v41;
	(erf) = vpow2.f32 v40  }
0x1e2: {  	v1 =	vmul.f32 $1.442695020e+00, v42;
	(erf) = vpow2.f32 v0  }
0x1e3: {  	(erf) = vpow2.f32 v43  }
0x1e4: {  	(erf) = vpow2.f32 v1;
	_ =	sdelay $0x1  }
0x1e5: {  	v44 =	vpop (erf)  }
0x1e6: {  	v0 =	vadd.f32 $1.000000000e+00, v44;
	v45 =	vpop (erf)  }
0x1e7: {  	v1 =	vadd.f32 $1.000000000e+00, v45;
	v46 =	vpop (erf)  }
0x1e8: {  	v2 =	vadd.f32 $1.000000000e+00, v46;
	v47 =	vpop (erf);
	(erf) = vrcp.f32 v0  }
0x1e9: {  	v48 =	vadd.f32 $1.000000000e+00, v47;
	v49 =	vpop (erf);
	(erf) = vrcp.f32 v1  }
0x1ea: {  	v50 =	vadd.f32 $1.000000000e+00, v49;
	v51 =	vpop (erf);
	(erf) = vrcp.f32 v2  }
0x1eb: {  	v52 =	vadd.f32 $1.000000000e+00, v51;
	v53 =	vpop (erf);
	(erf) = vrcp.f32 v48  }
0x1ec: {  	v54 =	vadd.f32 $1.000000000e+00, v53;
	(erf) = vrcp.f32 v50;
	v55 =	vpop (erf)  }
0x1ed: {  	v1 =	vadd.f32 $1.000000000e+00, v55;
	(erf) = vrcp.f32 v52  }
0x1ee: {  	(erf) = vrcp.f32 v54  }
0x1ef: {  	(erf) = vrcp.f32 v1;
	_ =	sdelay $0x1  }
0x1f0: {  	v56 =	vpop (erf)  }
0x1f1: {  	[tilespmem:s25+$0x1C70] =	vst v56;
	v57 =	vpop (erf)  }
0x1f2: {  	[tilespmem:s25+$0x1C50] =	vst v57;
	v58 =	vpop (erf)  }
0x1f3: {  	[tilespmem:s25+$0x1C40] =	vst v58;
	v59 =	vpop (erf)  }
0x1f4: {  	[tilespmem:s25+$0x1C30] =	vst v59;
	v60 =	vpop (erf)  }
0x1f5: {  	[tilespmem:s25+$0x1C10] =	vst v60;
	v61 =	vpop (erf)  }
0x1f6: {  	[tilespmem:s25+$0x1C00] =	vst v61;
	v62 =	vpop (erf)  }
0x1f7: {  	[tilespmem:s25+$0x1C20] =	vst v62;
	v63 =	vpop (erf)  }
0x1f8: {  	[tilespmem:s25+$0x1C60] =	vst v63  }
0x1f9: {  	[hbm4b:s6+s2] =	stream.linear.scatter [tilespmem:s15], [sflag:$0x2], $0x1900, $0x38;
	[tilespmem:$0x3A00] =	vst v63  }
0x1fa: {  	s23 =	sadd.s32 $0x1, s23;
	_ =	swait.ge [sflag:s9], $0x1900  }
0x1fb: {  	p0 =	sne.s32 s23, s8;
	[sflag:s9] =	ssyncset.done $0x0  }
.Ltmp1:
0x1fc: {  	[sflag:s9] =	ssyncadd.s32 $0xFFFFE700;
	(pc) =	sbr.rel @p0 .LBB2_1-.Ltmp1, $4  }
0x1fd: {  	[hbm4b:s7+s2] =	stream.linear.scatter [tilespmem:s12], [sflag:$0x2], $0x100, $0x38;
	[tilespmem:$0x3A00] =	vst v63  }
0x1fe: {  	_ =	swait.ge [sflag:s9], $0x100  }
0x1ff: {  	[sflag:s9] =	ssyncset.done $0x0  }
0x200: {  	[sflag:s9] =	ssyncadd.s32 $0xFFFFFF00  }
0x201: {  	_ =	sfence.sel $0x180000  }
0x202: {  	[bflag:$0x0] =	sbarrier.arrive $0xFFFF  }
0x203: {  	_ =	strace $0x9000004A  }
0x204: {  	s0 =	stileid.u32;
	[bflag:$0x2] =	sbarrier.arrive $0xFFFF  }
0x205: {  	p0 =	sne.s32 s0, $0x0;
	s0 =	rddreg [dreg:$0x2]  }
0x206: {  	s0 =	sadd.s32 @!p0 $0x100000, s0  }
0x207: {  	[sflag:s0] =	ssyncadd.tile.s32 @!p0 $0x1;
	_ =	shalt  }
.Lfunc_end2:
_tile_overlayer_lowered:
.L_overlay_start_2:
0x208: {  	(tag) =	ssettag $0x2  }
0x209: {  	s0 =	rddreg [dreg:$0x0];
	s2 =	stileid.u32  }
0x20a: {  	s1 =	rddreg [dreg:$0x1];
	p0 =	sne.s32 s2, $0x0  }
0x20b: {  	s3 =	rddreg [dreg:$0x2];
	[bflag:$0x3] =	sbarrier.arrive $0xFFFF;
	s2 =	simm.s32 @!p0 $0x1C02  }
0x20c: {  	[timem:s3], [sflag:s2] =	dma.local @!p0 [hbm:s0], s1  }
0x20d: {  	s0 =	simm.s32 @!p0 $0x2  }
0x20e: {  	_ =	swait.ge @!p0 [sflag:s0], s1  }
0x20f: {  	s1 =	ssub.s32 @!p0 $0x0, s1;
	[sflag:s0] =	ssyncset.done @!p0 $0x0  }
0x210: {  	[sflag:s0] =	ssyncadd.s32 @!p0 s1  }
0x211: {  	[bflag:$0x3] =	sbarrier.arrive $0xFFFF  }
0x212: {  	_ =	shalt  }

</sc_bundles>
